<compile_context>
chip_gen: v7x
topology: tpu7x:2x2x1
jax: 0.10.2.dev20260603
libtpu: 0.0.44.dev20260713+nightly
codegen_flags: <defaults>
</compile_context>

<pallas_src>
import jax
import jax.numpy as jnp
from jax import lax
from jax.experimental import pallas as pl
from jax.experimental.pallas import tpu as pltpu
from jax.experimental.pallas import tpu_sc as plsc

N_NODES = 10000
N_EDGES = 160000
D = 256
H = 128
NC = 2
NS = 16
N_PAD = 10240
EPW = N_PAD
E_PAD = NS * EPW
CH = 128
NPH = 2
CPP = EPW // CH // NPH
NBUF = 2
LAG = 1
NG = (CPP + LAG + NBUF - 1) // NBUF
WCH = CH
RPW = N_PAD // NS
NRCH = RPW // WCH


def _sc_body(feat0_hbm, feat1_hbm, src_hbm, dst_hbm, out0_hbm, out1_hbm,
             acc, sbuf, dbuf, rows, gsem, ssem):
    c = lax.axis_index("c")
    s = lax.axis_index("s")

    zbuf = rows[0]

    def _zero(i, _):
        zbuf[i // 8, pl.ds((i % 8) * 16, 16)] = jnp.zeros((16,), jnp.float32)
        return 0
    lax.fori_loop(0, WCH * 8, _zero, 0)
    row0 = s * RPW
    for k in range(NRCH):
        pltpu.sync_copy(zbuf, acc.at[pl.ds(row0 + k * WCH, WCH)])

    def _gather(r, b):
        @pl.when(c == 0)
        def _():
            pltpu.async_copy(feat0_hbm.at[pl.ds(r * 8, CH)], rows[b], gsem[b])

        @pl.when(c == 1)
        def _():
            pltpu.async_copy(feat1_hbm.at[pl.ds(r * 8, CH)], rows[b], gsem[b])

    def _wait_gather(b):
        pltpu.make_async_copy(feat0_hbm.at[sbuf.at[0]], rows[b], gsem[b]).wait()

    def _scatter(r, b):
        pltpu.async_copy(rows[b], acc.at[pl.ds(0, CH)], ssem[b], add=False)

    def _wait_scatter(b):
        pltpu.make_async_copy(rows[b], acc.at[dbuf.at[0]], ssem[b]).wait()

    first = True
    for ph in range(NPH):
        pltpu.sync_copy(src_hbm.at[s, ph], sbuf)
        pltpu.sync_copy(dst_hbm.at[s, ph], dbuf)
        if first:
            plsc.subcore_barrier()
            first = False

        def _group(g, _):
            for b in range(NBUF):
                r = g * NBUF + b

                @pl.when(jnp.logical_and(r >= NBUF, r < CPP))
                def _():
                    _wait_scatter(b)

                @pl.when(r < CPP)
                def _():
                    _gather(r, b)

                j = r - LAG
                bj = (b - LAG) % NBUF

                @pl.when(jnp.logical_and(j >= 0, j < CPP))
                def _():
                    _wait_gather(bj)
                    _scatter(j, bj)
            return 0

        lax.fori_loop(0, NG, _group, 0)
        for b in range(NBUF):
            _wait_scatter((CPP - 1 - b) % NBUF)

    plsc.subcore_barrier()

    wbuf = rows[1]
    for k in range(NRCH):
        off = row0 + k * WCH
        pltpu.sync_copy(acc.at[pl.ds(off, WCH)], wbuf)

        @pl.when(c == 0)
        def _():
            pltpu.sync_copy(wbuf, out0_hbm.at[pl.ds(off, WCH)])

        @pl.when(c == 1)
        def _():
            pltpu.sync_copy(wbuf, out1_hbm.at[pl.ds(off, WCH)])


_sc_segsum = pl.kernel(
    _sc_body,
    out_type=(jax.ShapeDtypeStruct((N_PAD, H), jnp.float32),
              jax.ShapeDtypeStruct((N_PAD, H), jnp.float32)),
    mesh=plsc.VectorSubcoreMesh(core_axis_name="c", subcore_axis_name="s"),
    scratch_types=[
        pltpu.VMEM_SHARED((N_PAD, H), jnp.float32),
        pltpu.VMEM((CPP, CH), jnp.int32),
        pltpu.VMEM((CPP, CH), jnp.int32),
        [pltpu.VMEM((CH, H), jnp.float32)] * NBUF,
        [pltpu.SemaphoreType.DMA] * NBUF,
        [pltpu.SemaphoreType.DMA] * NBUF,
    ],
)


def _mm_body2(a0_ref, a1_ref, wa_ref, wb_ref, o0_ref, o1_ref):
    h = jnp.dot(a0_ref[...], wa_ref[...], precision=lax.Precision.HIGHEST,
                preferred_element_type=jnp.float32)
    h += jnp.dot(a1_ref[...], wb_ref[...], precision=lax.Precision.HIGHEST,
                 preferred_element_type=jnp.float32)
    h = jnp.maximum(h, 0.0)
    o0_ref[...] = h[:, :H]
    o1_ref[...] = h[:, H:]


def _mm_body1(a0_ref, a1_ref, wa_ref, wb_ref, o_ref):
    h = jnp.dot(a0_ref[...], wa_ref[...], precision=lax.Precision.HIGHEST,
                preferred_element_type=jnp.float32)
    h += jnp.dot(a1_ref[...], wb_ref[...], precision=lax.Precision.HIGHEST,
                 preferred_element_type=jnp.float32)
    o_ref[...] = jnp.maximum(h, 0.0)


_BM = 1000


def _mm_relu(a0, a1, wa, wb, split):
    in_specs = [
        pl.BlockSpec((_BM, H), lambda i: (i, 0)),
        pl.BlockSpec((_BM, H), lambda i: (i, 0)),
        pl.BlockSpec((H, D), lambda i: (0, 0)),
        pl.BlockSpec((H, D), lambda i: (0, 0)),
    ]
    if split:
        return pl.pallas_call(
            _mm_body2,
            grid=(N_NODES // _BM,),
            in_specs=in_specs,
            out_specs=(pl.BlockSpec((_BM, H), lambda i: (i, 0)),
                       pl.BlockSpec((_BM, H), lambda i: (i, 0))),
            out_shape=(jax.ShapeDtypeStruct((N_NODES, H), jnp.float32),
                       jax.ShapeDtypeStruct((N_NODES, H), jnp.float32)),
        )(a0, a1, wa, wb)
    return pl.pallas_call(
        _mm_body1,
        grid=(N_NODES // _BM,),
        in_specs=in_specs,
        out_specs=pl.BlockSpec((_BM, D), lambda i: (i, 0)),
        out_shape=jax.ShapeDtypeStruct((N_NODES, D), jnp.float32),
    )(a0, a1, wa, wb)


def kernel(x, edge_index, batch, W1, W2):
    pad = E_PAD - N_EDGES
    src = jnp.concatenate([edge_index[0], jnp.zeros((pad,), jnp.int32)])
    dst = jnp.concatenate([edge_index[1],
                           jnp.full((pad,), N_NODES, jnp.int32)])
    src = src.reshape(NS, NPH, CPP, CH)
    dst = dst.reshape(NS, NPH, CPP, CH)

    f0, f1 = x[:, :H], x[:, H:]
    a0, a1 = _sc_segsum(f0, f1, src, dst)
    h0, h1 = _mm_relu(a0, a1, W1[:H], W1[H:], split=True)
    a0, a1 = _sc_segsum(h0, h1, src, dst)
    return _mm_relu(a0, a1, W2[:H], W2[H:], split=False)

# --- scband reference (transcript-rebuilt; emitter-appended) ---
"""Pipeline reference for scband-neura-logic-74088185856369 (READ-ONLY COPY).

The authoritative reference and input builder live on the scoring server;
editing this copy changes nothing except your own understanding.
"""

import jax, jax.numpy as jnp
import numpy as np

N_NODES = 10000
N_EDGES = 160000
D = 256


def setup_inputs(seed: int = 0) -> dict:
    key = jax.random.key(seed)
    k1, k2, k3, k4 = jax.random.split(key, 4)
    x = jax.random.normal(k1, (N_NODES, D), dtype=jnp.float32)
    edge_index = jax.random.randint(k2, (2, N_EDGES), 0, N_NODES, dtype=jnp.int32)
    batch = jnp.zeros((N_NODES,), dtype=jnp.int32)
    # GCNConv weights (normalize=False, bias=False): out = scatter_add((x @ W)[src] -> dst)
    W1 = jax.random.normal(k3, (D, D), dtype=jnp.float32) * (1.0 / np.sqrt(D))
    W2 = jax.random.normal(k4, (D, D), dtype=jnp.float32) * (1.0 / np.sqrt(D))
    return {"x": x, "edge_index": edge_index, "batch": batch, "W1": W1, "W2": W2}


def reference(x, edge_index, batch, W1, W2):
    # NeuraLogic with module_list = [GCNConv(256,256,relu), GCNConv(256,256,relu)]
    # PyG GCNConv(normalize=False, cached=False, bias=False): with normalize=False,
    # add_self_loops defaults to False, so the layer is:
    #   h = x @ W; out[dst] += h[src]   (plain sum aggregation over edges)
    src = edge_index[0]
    dst = edge_index[1]

    def gcn(h, W):
        h = h @ W                       # linear transform first (as in PyG)
        msgs = jnp.take(h, src, axis=0) # gather messages from source nodes
        return jax.ops.segment_sum(msgs, dst, num_segments=h.shape[0])

    xs = []
    h = jax.nn.relu(gcn(x, W1))
    xs.append(h)
    h = jax.nn.relu(gcn(h, W2))
    xs.append(h)
    return h

if __name__ == "__main__":
    import jax
    _d = setup_inputs()
    print(jax.jit(kernel)(*tuple(_d.values())))

</pallas_src>

<mosaic_0001>
#map = affine_map<(d0, d1) -> (0, 0)>
#map1 = affine_map<(d0, d1) -> (0, 0, 0, 0)>
module attributes {stable_mosaic.version = 14 : i64} {
  func.func @_sc_body(%arg0: i32, %arg1: i32, %arg2: memref<10000x128xf32, #tpu.memory_space<hbm>>, %arg3: memref<10000x128xf32, #tpu.memory_space<hbm>>, %arg4: memref<16x2x40x128xi32, #tpu.memory_space<hbm>>, %arg5: memref<16x2x40x128xi32, #tpu.memory_space<hbm>>, %arg6: memref<10240x128xf32, #tpu.memory_space<hbm>>, %arg7: memref<10240x128xf32, #tpu.memory_space<hbm>>, %arg8: memref<10240x128xf32, #tpu.memory_space<vmem_shared>>, %arg9: memref<40x128xi32, #tpu.memory_space<vmem>>, %arg10: memref<40x128xi32, #tpu.memory_space<vmem>>, %arg11: memref<128x128xf32, #tpu.memory_space<vmem>>, %arg12: memref<128x128xf32, #tpu.memory_space<vmem>>, %arg13: memref<!tpu.dma_semaphore, #tpu.memory_space<semaphore_mem>>, %arg14: memref<!tpu.dma_semaphore, #tpu.memory_space<semaphore_mem>>, %arg15: memref<!tpu.dma_semaphore, #tpu.memory_space<semaphore_mem>>, %arg16: memref<!tpu.dma_semaphore, #tpu.memory_space<semaphore_mem>>) attributes {dimension_semantics = [#tpu.dimension_semantics<core_parallel>, #tpu.dimension_semantics<subcore_parallel>], iteration_bounds = array<i64: 2, 16>, scalar_prefetch = 0 : i64, scratch_operands = 9 : i64, tpu.core_type = #tpu.core_type<sc_vector_subcore>, window_params = [{transform_indices = #map}, {transform_indices = #map}, {transform_indices = #map1}, {transform_indices = #map1}, {transform_indices = #map}, {transform_indices = #map}]} {
    %scan3A = arith.constant 0 : i32
    %scan3A_0 = arith.constant 0 : i32
    %scan3A_1 = arith.constant 1024 : i32
    %scan3A_2 = arith.addi %scan3A_0, %scan3A_1 : i32
    %scan3A_3 = arith.constant 1 : i32
    %scan3A_4 = scf.for %scan3A_118 = %scan3A_0 to %scan3A_2 step %scan3A_3 iter_args(%scan3A_119 = %scan3A) -> (i32)  : i32 {
      %broadcast_in_dim3A = arith.constant 0.000000e+00 : f32
      %broadcast_in_dim3A_120 = vector.broadcast %broadcast_in_dim3A : f32 to vector<16xf32>
      %jit3A = arith.constant 8 : i32
      %div3A = arith.divsi %scan3A_118, %jit3A : i32
      %sign3A = arith.constant 0 : i32
      %sign3A_121 = arith.cmpi sgt, %scan3A_118, %sign3A : i32
      %sign3A_122 = arith.extui %sign3A_121 : i1 to i32
      %sign3A_123 = arith.constant 0 : i32
      %sign3A_124 = arith.cmpi slt, %scan3A_118, %sign3A_123 : i32
      %sign3A_125 = arith.extui %sign3A_124 : i1 to i32
      %sign3A_126 = arith.subi %sign3A_122, %sign3A_125 : i32
      %sign3A_127 = arith.constant 0 : i32
      %sign3A_128 = arith.cmpi sgt, %jit3A, %sign3A_127 : i32
      %sign3A_129 = arith.extui %sign3A_128 : i1 to i32
      %sign3A_130 = arith.constant 0 : i32
      %sign3A_131 = arith.cmpi slt, %jit3A, %sign3A_130 : i32
      %sign3A_132 = arith.extui %sign3A_131 : i1 to i32
      %sign3A_133 = arith.subi %sign3A_129, %sign3A_132 : i32
      %ne3A = arith.cmpi ne, %sign3A_126, %sign3A_133 : i32
      %rem3A = arith.remsi %scan3A_118, %jit3A : i32
      %ne3A_134 = arith.constant 0 : i32
      %ne3A_135 = arith.cmpi ne, %rem3A, %ne3A_134 : i32
      %and3A = arith.andi %ne3A, %ne3A_135 : i1
      %sub3A = arith.constant 1 : i32
      %sub3A_136 = arith.subi %div3A, %sub3A : i32
      %select_n3A = arith.select %and3A, %sub3A_136, %div3A : i32
      %jit3A_137 = arith.constant 8 : i32
      %eq3A_138 = arith.constant 0 : i32
      %eq3A_139 = arith.cmpi eq, %jit3A_137, %eq3A_138 : i32
      %jit3A_140 = arith.constant 1 : i32
      %select_n3A_141 = arith.select %eq3A_139, %jit3A_140, %jit3A_137 : i32
      %rem3A_142 = arith.remsi %scan3A_118, %select_n3A_141 : i32
      %ne3A_143 = arith.constant 0 : i32
      %ne3A_144 = arith.cmpi ne, %rem3A_142, %ne3A_143 : i32
      %lt3A = arith.constant 0 : i32
      %lt3A_145 = arith.cmpi slt, %rem3A_142, %lt3A : i32
      %lt3A_146 = arith.constant 0 : i32
      %lt3A_147 = arith.cmpi slt, %select_n3A_141, %lt3A_146 : i32
      %ne3A_148 = arith.xori %lt3A_145, %lt3A_147 : i1
      %and3A_149 = arith.andi %ne3A_148, %ne3A_144 : i1
      %add3A_150 = arith.addi %rem3A_142, %select_n3A_141 : i32
      %select_n3A_151 = arith.select %and3A_149, %add3A_150, %rem3A_142 : i32
      %mul3A_152 = arith.constant 16 : i32
      %mul3A_153 = arith.muli %select_n3A_151, %mul3A_152 : i32
      %swap3A = arith.index_cast %select_n3A : i32 to index
      %swap3A_154 = arith.index_cast %mul3A_153 : i32 to index
      %swap3A_155 = tpu.vector_load %arg11[%swap3A, %swap3A_154] {strides = array<i32>} : memref<128x128xf32, #tpu.memory_space<vmem>>, vector<1x16xf32>,
      %swap3A_156 = vector.shape_cast %swap3A_155 : vector<1x16xf32> to vector<16xf32>
      %swap3A_157 = vector.shape_cast %broadcast_in_dim3A_120 : vector<16xf32> to vector<1x16xf32>
      tpu.vector_store %arg11[%swap3A, %swap3A_154], %swap3A_157 {strides = array<i32>} : memref<128x128xf32, #tpu.memory_space<vmem>>, vector<1x16xf32>,
      %scan3A_158 = arith.constant 0 : i32
      scf.yield %scan3A_158 : i32
    }
    %scan3A_5 = arith.constant 1024 : i32
    %mul3A = arith.constant 640 : i32
    %mul3A_6 = arith.muli %arg1, %mul3A : i32
    %add3A = arith.constant 0 : i32
    %add3A_7 = arith.addi %mul3A_6, %add3A : i32
    "tpu.region"() ({
      %run_scoped3A_118 = tpu.sem_alloc : memref<!tpu.dma_semaphore, #tpu.memory_space<semaphore_mem>>
      %dma_start3A = arith.constant 0 : i32
      %dma_start3A_119 = tpu.memref_slice %arg8[%add3A_7, %dma_start3A] : memref<10240x128xf32, #tpu.memory_space<vmem_shared>> -> memref<128x128xf32, #tpu.memory_space<vmem_shared>>
      %dma_start3A_120 = arith.constant 0 : i32
      %dma_start3A_121 = tpu.memref_slice %arg8[%add3A_7, %dma_start3A_120] : memref<10240x128xf32, #tpu.memory_space<vmem_shared>> -> memref<128x128xf32, #tpu.memory_space<vmem_shared>>
      tpu.enqueue_dma source(%arg11 : memref<128x128xf32, #tpu.memory_space<vmem>>) target(%dma_start3A_121 : memref<128x128xf32, #tpu.memory_space<vmem_shared>>) target_semaphore(%run_scoped3A_118 : memref<!tpu.dma_semaphore, #tpu.memory_space<semaphore_mem>>)
      %dma_wait3A_122 = arith.constant 0 : i32
      %dma_wait3A_123 = tpu.memref_slice %arg8[%add3A_7, %dma_wait3A_122] : memref<10240x128xf32, #tpu.memory_space<vmem_shared>> -> memref<128x128xf32, #tpu.memory_space<vmem_shared>>
      %dma_wait3A_124 = arith.constant 0 : i32
      %dma_wait3A_125 = tpu.memref_slice %arg8[%add3A_7, %dma_wait3A_124] : memref<10240x128xf32, #tpu.memory_space<vmem_shared>> -> memref<128x128xf32, #tpu.memory_space<vmem_shared>>
      tpu.wait_dma2 semaphore(%run_scoped3A_118 : memref<!tpu.dma_semaphore, #tpu.memory_space<semaphore_mem>>) src(%arg11 : memref<128x128xf32, #tpu.memory_space<vmem>>) dst(%dma_wait3A_125 : memref<128x128xf32, #tpu.memory_space<vmem_shared>>)
      tpu.yield
    }) : () -> ()
    %add3A_8 = arith.constant 128 : i32
    %add3A_9 = arith.addi %mul3A_6, %add3A_8 : i32
    "tpu.region"() ({
      %run_scoped3A_118 = tpu.sem_alloc : memref<!tpu.dma_semaphore, #tpu.memory_space<semaphore_mem>>
      %dma_start3A = arith.constant 0 : i32
      %dma_start3A_119 = tpu.memref_slice %arg8[%add3A_9, %dma_start3A] : memref<10240x128xf32, #tpu.memory_space<vmem_shared>> -> memref<128x128xf32, #tpu.memory_space<vmem_shared>>
      %dma_start3A_120 = arith.constant 0 : i32
      %dma_start3A_121 = tpu.memref_slice %arg8[%add3A_9, %dma_start3A_120] : memref<10240x128xf32, #tpu.memory_space<vmem_shared>> -> memref<128x128xf32, #tpu.memory_space<vmem_shared>>
      tpu.enqueue_dma source(%arg11 : memref<128x128xf32, #tpu.memory_space<vmem>>) target(%dma_start3A_121 : memref<128x128xf32, #tpu.memory_space<vmem_shared>>) target_semaphore(%run_scoped3A_118 : memref<!tpu.dma_semaphore, #tpu.memory_space<semaphore_mem>>)
      %dma_wait3A_122 = arith.constant 0 : i32
      %dma_wait3A_123 = tpu.memref_slice %arg8[%add3A_9, %dma_wait3A_122] : memref<10240x128xf32, #tpu.memory_space<vmem_shared>> -> memref<128x128xf32, #tpu.memory_space<vmem_shared>>
      %dma_wait3A_124 = arith.constant 0 : i32
      %dma_wait3A_125 = tpu.memref_slice %arg8[%add3A_9, %dma_wait3A_124] : memref<10240x128xf32, #tpu.memory_space<vmem_shared>> -> memref<128x128xf32, #tpu.memory_space<vmem_shared>>
      tpu.wait_dma2 semaphore(%run_scoped3A_118 : memref<!tpu.dma_semaphore, #tpu.memory_space<semaphore_mem>>) src(%arg11 : memref<128x128xf32, #tpu.memory_space<vmem>>) dst(%dma_wait3A_125 : memref<128x128xf32, #tpu.memory_space<vmem_shared>>)
      tpu.yield
    }) : () -> ()
    %add3A_10 = arith.constant 256 : i32
    %add3A_11 = arith.addi %mul3A_6, %add3A_10 : i32
    "tpu.region"() ({
      %run_scoped3A_118 = tpu.sem_alloc : memref<!tpu.dma_semaphore, #tpu.memory_space<semaphore_mem>>
      %dma_start3A = arith.constant 0 : i32
      %dma_start3A_119 = tpu.memref_slice %arg8[%add3A_11, %dma_start3A] : memref<10240x128xf32, #tpu.memory_space<vmem_shared>> -> memref<128x128xf32, #tpu.memory_space<vmem_shared>>
      %dma_start3A_120 = arith.constant 0 : i32
      %dma_start3A_121 = tpu.memref_slice %arg8[%add3A_11, %dma_start3A_120] : memref<10240x128xf32, #tpu.memory_space<vmem_shared>> -> memref<128x128xf32, #tpu.memory_space<vmem_shared>>
      tpu.enqueue_dma source(%arg11 : memref<128x128xf32, #tpu.memory_space<vmem>>) target(%dma_start3A_121 : memref<128x128xf32, #tpu.memory_space<vmem_shared>>) target_semaphore(%run_scoped3A_118 : memref<!tpu.dma_semaphore, #tpu.memory_space<semaphore_mem>>)
      %dma_wait3A_122 = arith.constant 0 : i32
      %dma_wait3A_123 = tpu.memref_slice %arg8[%add3A_11, %dma_wait3A_122] : memref<10240x128xf32, #tpu.memory_space<vmem_shared>> -> memref<128x128xf32, #tpu.memory_space<vmem_shared>>
      %dma_wait3A_124 = arith.constant 0 : i32
      %dma_wait3A_125 = tpu.memref_slice %arg8[%add3A_11, %dma_wait3A_124] : memref<10240x128xf32, #tpu.memory_space<vmem_shared>> -> memref<128x128xf32, #tpu.memory_space<vmem_shared>>
      tpu.wait_dma2 semaphore(%run_scoped3A_118 : memref<!tpu.dma_semaphore, #tpu.memory_space<semaphore_mem>>) src(%arg11 : memref<128x128xf32, #tpu.memory_space<vmem>>) dst(%dma_wait3A_125 : memref<128x128xf32, #tpu.memory_space<vmem_shared>>)
      tpu.yield
    }) : () -> ()
    %add3A_12 = arith.constant 384 : i32
    %add3A_13 = arith.addi %mul3A_6, %add3A_12 : i32
    "tpu.region"() ({
      %run_scoped3A_118 = tpu.sem_alloc : memref<!tpu.dma_semaphore, #tpu.memory_space<semaphore_mem>>
      %dma_start3A = arith.constant 0 : i32
      %dma_start3A_119 = tpu.memref_slice %arg8[%add3A_13, %dma_start3A] : memref<10240x128xf32, #tpu.memory_space<vmem_shared>> -> memref<128x128xf32, #tpu.memory_space<vmem_shared>>
      %dma_start3A_120 = arith.constant 0 : i32
      %dma_start3A_121 = tpu.memref_slice %arg8[%add3A_13, %dma_start3A_120] : memref<10240x128xf32, #tpu.memory_space<vmem_shared>> -> memref<128x128xf32, #tpu.memory_space<vmem_shared>>
      tpu.enqueue_dma source(%arg11 : memref<128x128xf32, #tpu.memory_space<vmem>>) target(%dma_start3A_121 : memref<128x128xf32, #tpu.memory_space<vmem_shared>>) target_semaphore(%run_scoped3A_118 : memref<!tpu.dma_semaphore, #tpu.memory_space<semaphore_mem>>)
      %dma_wait3A_122 = arith.constant 0 : i32
      %dma_wait3A_123 = tpu.memref_slice %arg8[%add3A_13, %dma_wait3A_122] : memref<10240x128xf32, #tpu.memory_space<vmem_shared>> -> memref<128x128xf32, #tpu.memory_space<vmem_shared>>
      %dma_wait3A_124 = arith.constant 0 : i32
      %dma_wait3A_125 = tpu.memref_slice %arg8[%add3A_13, %dma_wait3A_124] : memref<10240x128xf32, #tpu.memory_space<vmem_shared>> -> memref<128x128xf32, #tpu.memory_space<vmem_shared>>
      tpu.wait_dma2 semaphore(%run_scoped3A_118 : memref<!tpu.dma_semaphore, #tpu.memory_space<semaphore_mem>>) src(%arg11 : memref<128x128xf32, #tpu.memory_space<vmem>>) dst(%dma_wait3A_125 : memref<128x128xf32, #tpu.memory_space<vmem_shared>>)
      tpu.yield
    }) : () -> ()
    %add3A_14 = arith.constant 512 : i32
    %add3A_15 = arith.addi %mul3A_6, %add3A_14 : i32
    "tpu.region"() ({
      %run_scoped3A_118 = tpu.sem_alloc : memref<!tpu.dma_semaphore, #tpu.memory_space<semaphore_mem>>
      %dma_start3A = arith.constant 0 : i32
      %dma_start3A_119 = tpu.memref_slice %arg8[%add3A_15, %dma_start3A] : memref<10240x128xf32, #tpu.memory_space<vmem_shared>> -> memref<128x128xf32, #tpu.memory_space<vmem_shared>>
      %dma_start3A_120 = arith.constant 0 : i32
      %dma_start3A_121 = tpu.memref_slice %arg8[%add3A_15, %dma_start3A_120] : memref<10240x128xf32, #tpu.memory_space<vmem_shared>> -> memref<128x128xf32, #tpu.memory_space<vmem_shared>>
      tpu.enqueue_dma source(%arg11 : memref<128x128xf32, #tpu.memory_space<vmem>>) target(%dma_start3A_121 : memref<128x128xf32, #tpu.memory_space<vmem_shared>>) target_semaphore(%run_scoped3A_118 : memref<!tpu.dma_semaphore, #tpu.memory_space<semaphore_mem>>)
      %dma_wait3A_122 = arith.constant 0 : i32
      %dma_wait3A_123 = tpu.memref_slice %arg8[%add3A_15, %dma_wait3A_122] : memref<10240x128xf32, #tpu.memory_space<vmem_shared>> -> memref<128x128xf32, #tpu.memory_space<vmem_shared>>
      %dma_wait3A_124 = arith.constant 0 : i32
      %dma_wait3A_125 = tpu.memref_slice %arg8[%add3A_15, %dma_wait3A_124] : memref<10240x128xf32, #tpu.memory_space<vmem_shared>> -> memref<128x128xf32, #tpu.memory_space<vmem_shared>>
      tpu.wait_dma2 semaphore(%run_scoped3A_118 : memref<!tpu.dma_semaphore, #tpu.memory_space<semaphore_mem>>) src(%arg11 : memref<128x128xf32, #tpu.memory_space<vmem>>) dst(%dma_wait3A_125 : memref<128x128xf32, #tpu.memory_space<vmem_shared>>)
      tpu.yield
    }) : () -> ()
    %run_scoped3A = arith.constant 0 : i32
    "tpu.region"() ({
      %run_scoped3A_118 = tpu.sem_alloc : memref<!tpu.dma_semaphore, #tpu.memory_space<semaphore_mem>>
      %dma_start3A = arith.constant 0 : i32
      %dma_start3A_119 = arith.constant 0 : i32
      %dma_start3A_120 = tpu.memref_slice %arg4[%arg1, %run_scoped3A, %dma_start3A, %dma_start3A_119] : memref<16x2x40x128xi32, #tpu.memory_space<hbm>> -> memref<1x1x40x128xi32, #tpu.memory_space<hbm>>
      %dma_start3A_121 = tpu.memref_squeeze %dma_start3A_120 : memref<1x1x40x128xi32, #tpu.memory_space<hbm>> -> memref<40x128xi32, #tpu.memory_space<hbm>>
      %dma_start3A_122 = arith.constant 0 : i32
      %dma_start3A_123 = arith.constant 0 : i32
      %dma_start3A_124 = tpu.memref_slice %arg4[%arg1, %run_scoped3A, %dma_start3A_122, %dma_start3A_123] : memref<16x2x40x128xi32, #tpu.memory_space<hbm>> -> memref<1x1x40x128xi32, #tpu.memory_space<hbm>>
      %dma_start3A_125 = tpu.memref_squeeze %dma_start3A_124 : memref<1x1x40x128xi32, #tpu.memory_space<hbm>> -> memref<40x128xi32, #tpu.memory_space<hbm>>
      tpu.enqueue_dma source(%dma_start3A_125 : memref<40x128xi32, #tpu.memory_space<hbm>>) target(%arg9 : memref<40x128xi32, #tpu.memory_space<vmem>>) target_semaphore(%run_scoped3A_118 : memref<!tpu.dma_semaphore, #tpu.memory_space<semaphore_mem>>)
      %dma_wait3A_126 = arith.constant 0 : i32
      %dma_wait3A_127 = arith.constant 0 : i32
      %dma_wait3A_128 = tpu.memref_slice %arg4[%arg1, %run_scoped3A, %dma_wait3A_126, %dma_wait3A_127] : memref<16x2x40x128xi32, #tpu.memory_space<hbm>> -> memref<1x1x40x128xi32, #tpu.memory_space<hbm>>
      %dma_wait3A_129 = tpu.memref_squeeze %dma_wait3A_128 : memref<1x1x40x128xi32, #tpu.memory_space<hbm>> -> memref<40x128xi32, #tpu.memory_space<hbm>>
      %dma_wait3A_130 = arith.constant 0 : i32
      %dma_wait3A_131 = arith.constant 0 : i32
      %dma_wait3A_132 = tpu.memref_slice %arg4[%arg1, %run_scoped3A, %dma_wait3A_130, %dma_wait3A_131] : memref<16x2x40x128xi32, #tpu.memory_space<hbm>> -> memref<1x1x40x128xi32, #tpu.memory_space<hbm>>
      %dma_wait3A_133 = tpu.memref_squeeze %dma_wait3A_132 : memref<1x1x40x128xi32, #tpu.memory_space<hbm>> -> memref<40x128xi32, #tpu.memory_space<hbm>>
      tpu.wait_dma2 semaphore(%run_scoped3A_118 : memref<!tpu.dma_semaphore, #tpu.memory_space<semaphore_mem>>) src(%dma_wait3A_133 : memref<40x128xi32, #tpu.memory_space<hbm>>) dst(%arg9 : memref<40x128xi32, #tpu.memory_space<vmem>>)
      tpu.yield
    }) : () -> ()
    %run_scoped3A_16 = arith.constant 0 : i32
    "tpu.region"() ({
      %run_scoped3A_118 = tpu.sem_alloc : memref<!tpu.dma_semaphore, #tpu.memory_space<semaphore_mem>>
      %dma_start3A = arith.constant 0 : i32
      %dma_start3A_119 = arith.constant 0 : i32
      %dma_start3A_120 = tpu.memref_slice %arg5[%arg1, %run_scoped3A_16, %dma_start3A, %dma_start3A_119] : memref<16x2x40x128xi32, #tpu.memory_space<hbm>> -> memref<1x1x40x128xi32, #tpu.memory_space<hbm>>
      %dma_start3A_121 = tpu.memref_squeeze %dma_start3A_120 : memref<1x1x40x128xi32, #tpu.memory_space<hbm>> -> memref<40x128xi32, #tpu.memory_space<hbm>>
      %dma_start3A_122 = arith.constant 0 : i32
      %dma_start3A_123 = arith.constant 0 : i32
      %dma_start3A_124 = tpu.memref_slice %arg5[%arg1, %run_scoped3A_16, %dma_start3A_122, %dma_start3A_123] : memref<16x2x40x128xi32, #tpu.memory_space<hbm>> -> memref<1x1x40x128xi32, #tpu.memory_space<hbm>>
      %dma_start3A_125 = tpu.memref_squeeze %dma_start3A_124 : memref<1x1x40x128xi32, #tpu.memory_space<hbm>> -> memref<40x128xi32, #tpu.memory_space<hbm>>
      tpu.enqueue_dma source(%dma_start3A_125 : memref<40x128xi32, #tpu.memory_space<hbm>>) target(%arg10 : memref<40x128xi32, #tpu.memory_space<vmem>>) target_semaphore(%run_scoped3A_118 : memref<!tpu.dma_semaphore, #tpu.memory_space<semaphore_mem>>)
      %dma_wait3A_126 = arith.constant 0 : i32
      %dma_wait3A_127 = arith.constant 0 : i32
      %dma_wait3A_128 = tpu.memref_slice %arg5[%arg1, %run_scoped3A_16, %dma_wait3A_126, %dma_wait3A_127] : memref<16x2x40x128xi32, #tpu.memory_space<hbm>> -> memref<1x1x40x128xi32, #tpu.memory_space<hbm>>
      %dma_wait3A_129 = tpu.memref_squeeze %dma_wait3A_128 : memref<1x1x40x128xi32, #tpu.memory_space<hbm>> -> memref<40x128xi32, #tpu.memory_space<hbm>>
      %dma_wait3A_130 = arith.constant 0 : i32
      %dma_wait3A_131 = arith.constant 0 : i32
      %dma_wait3A_132 = tpu.memref_slice %arg5[%arg1, %run_scoped3A_16, %dma_wait3A_130, %dma_wait3A_131] : memref<16x2x40x128xi32, #tpu.memory_space<hbm>> -> memref<1x1x40x128xi32, #tpu.memory_space<hbm>>
      %dma_wait3A_133 = tpu.memref_squeeze %dma_wait3A_132 : memref<1x1x40x128xi32, #tpu.memory_space<hbm>> -> memref<40x128xi32, #tpu.memory_space<hbm>>
      tpu.wait_dma2 semaphore(%run_scoped3A_118 : memref<!tpu.dma_semaphore, #tpu.memory_space<semaphore_mem>>) src(%dma_wait3A_133 : memref<40x128xi32, #tpu.memory_space<hbm>>) dst(%arg10 : memref<40x128xi32, #tpu.memory_space<vmem>>)
      tpu.yield
    }) : () -> ()
    %barrier3A = arith.constant 0 : index
    tpu.barrier barrier_id(%barrier3A)
    %scan3A_17 = arith.constant 0 : i32
    %scan3A_18 = arith.constant 0 : i32
    %scan3A_19 = arith.constant 21 : i32
    %scan3A_20 = arith.addi %scan3A_18, %scan3A_19 : i32
    %scan3A_21 = arith.constant 1 : i32
    %scan3A_22 = scf.for %scan3A_118 = %scan3A_18 to %scan3A_20 step %scan3A_21 iter_args(%scan3A_119 = %scan3A_17) -> (i32)  : i32 {
      %mul3A_120 = arith.constant 2 : i32
      %mul3A_121 = arith.muli %scan3A_118, %mul3A_120 : i32
      %add3A_122 = arith.constant 0 : i32
      %add3A_123 = arith.addi %mul3A_121, %add3A_122 : i32
      %ge3A = arith.constant 2 : i32
      %ge3A_124 = arith.cmpi sge, %add3A_123, %ge3A : i32
      %lt3A = arith.constant 40 : i32
      %lt3A_125 = arith.cmpi slt, %add3A_123, %lt3A : i32
      %and3A = arith.andi %ge3A_124, %lt3A_125 : i1
      %convert_element_type3A_126 = arith.extui %and3A : i1 to i32
      %cond3A_127 = arith.constant 0 : i32
      %cond3A_128 = arith.cmpi ne, %convert_element_type3A_126, %cond3A_127 : i32
      scf.if %cond3A_128 {
        %dma_wait3A_171 = arith.constant 0 : i32
        %dma_wait3A_172 = arith.constant 0 : i32
        %dma_wait3A_173 = tpu.memref_slice %arg10[%dma_wait3A_171, %dma_wait3A_172] : memref<40x128xi32, #tpu.memory_space<vmem>> -> memref<1x128xi32, #tpu.memory_space<vmem>>
        %dma_wait3A_174 = tpu.memref_squeeze %dma_wait3A_173 : memref<1x128xi32, #tpu.memory_space<vmem>> -> memref<128xi32, #tpu.memory_space<vmem>>
        %dma_wait3A_175 = arith.constant 0 : i32
        %dma_wait3A_176 = arith.constant 0 : i32
        %dma_wait3A_177 = tpu.memref_slice %arg8[%dma_wait3A_175, %dma_wait3A_176] : memref<10240x128xf32, #tpu.memory_space<vmem_shared>> -> memref<10240x128xf32, #tpu.memory_space<vmem_shared>>
        tpu.wait_indirect_dma semaphore(%arg15 : memref<!tpu.dma_semaphore, #tpu.memory_space<semaphore_mem>>) src(%arg11 : memref<128x128xf32, #tpu.memory_space<vmem>>) dst(%dma_wait3A_177 : memref<10240x128xf32, #tpu.memory_space<vmem_shared>>)
      } else {
      }
      %lt3A_129 = arith.constant 40 : i32
      %lt3A_130 = arith.cmpi slt, %add3A_123, %lt3A_129 : i32
      %convert_element_type3A_131 = arith.extui %lt3A_130 : i1 to i32
      %cond3A_132 = arith.constant 0 : i32
      %cond3A_133 = arith.cmpi ne, %convert_element_type3A_131, %cond3A_132 : i32
      scf.if %cond3A_133 {
        %eq3A_171 = arith.constant 0 : i32
        %eq3A_172 = arith.cmpi eq, %arg0, %eq3A_171 : i32
        %convert_element_type3A_173 = arith.extui %eq3A_172 : i1 to i32
        %cond3A_174 = arith.constant 0 : i32
        %cond3A_175 = arith.cmpi ne, %convert_element_type3A_173, %cond3A_174 : i32
        scf.if %cond3A_175 {
          %mul3A_181 = arith.constant 8 : i32
          %mul3A_182 = arith.muli %add3A_123, %mul3A_181 : i32
          %dma_start3A = arith.constant 0 : i32
          %dma_start3A_183 = tpu.memref_slice %arg2[%mul3A_182, %dma_start3A] : memref<10000x128xf32, #tpu.memory_space<hbm>> -> memref<128x128xf32, #tpu.memory_space<hbm>>
          %dma_start3A_184 = arith.constant 0 : i32
          %dma_start3A_185 = tpu.memref_slice %arg2[%mul3A_182, %dma_start3A_184] : memref<10000x128xf32, #tpu.memory_space<hbm>> -> memref<128x128xf32, #tpu.memory_space<hbm>>
          tpu.enqueue_dma source(%dma_start3A_185 : memref<128x128xf32, #tpu.memory_space<hbm>>) target(%arg11 : memref<128x128xf32, #tpu.memory_space<vmem>>) target_semaphore(%arg13 : memref<!tpu.dma_semaphore, #tpu.memory_space<semaphore_mem>>)
        } else {
        }
        %eq3A_176 = arith.constant 1 : i32
        %eq3A_177 = arith.cmpi eq, %arg0, %eq3A_176 : i32
        %convert_element_type3A_178 = arith.extui %eq3A_177 : i1 to i32
        %cond3A_179 = arith.constant 0 : i32
        %cond3A_180 = arith.cmpi ne, %convert_element_type3A_178, %cond3A_179 : i32
        scf.if %cond3A_180 {
          %mul3A_181 = arith.constant 8 : i32
          %mul3A_182 = arith.muli %add3A_123, %mul3A_181 : i32
          %dma_start3A = arith.constant 0 : i32
          %dma_start3A_183 = tpu.memref_slice %arg3[%mul3A_182, %dma_start3A] : memref<10000x128xf32, #tpu.memory_space<hbm>> -> memref<128x128xf32, #tpu.memory_space<hbm>>
          %dma_start3A_184 = arith.constant 0 : i32
          %dma_start3A_185 = tpu.memref_slice %arg3[%mul3A_182, %dma_start3A_184] : memref<10000x128xf32, #tpu.memory_space<hbm>> -> memref<128x128xf32, #tpu.memory_space<hbm>>
          tpu.enqueue_dma source(%dma_start3A_185 : memref<128x128xf32, #tpu.memory_space<hbm>>) target(%arg11 : memref<128x128xf32, #tpu.memory_space<vmem>>) target_semaphore(%arg13 : memref<!tpu.dma_semaphore, #tpu.memory_space<semaphore_mem>>)
        } else {
        }
      } else {
      }
      %sub3A = arith.constant 1 : i32
      %sub3A_134 = arith.subi %add3A_123, %sub3A : i32
      %ge3A_135 = arith.constant 0 : i32
      %ge3A_136 = arith.cmpi sge, %sub3A_134, %ge3A_135 : i32
      %lt3A_137 = arith.constant 40 : i32
      %lt3A_138 = arith.cmpi slt, %sub3A_134, %lt3A_137 : i32
      %and3A_139 = arith.andi %ge3A_136, %lt3A_138 : i1
      %convert_element_type3A_140 = arith.extui %and3A_139 : i1 to i32
      %cond3A_141 = arith.constant 0 : i32
      %cond3A_142 = arith.cmpi ne, %convert_element_type3A_140, %cond3A_141 : i32
      scf.if %cond3A_142 {
        %dma_wait3A_171 = arith.constant 0 : i32
        %dma_wait3A_172 = arith.constant 0 : i32
        %dma_wait3A_173 = tpu.memref_slice %arg9[%dma_wait3A_171, %dma_wait3A_172] : memref<40x128xi32, #tpu.memory_space<vmem>> -> memref<1x128xi32, #tpu.memory_space<vmem>>
        %dma_wait3A_174 = tpu.memref_squeeze %dma_wait3A_173 : memref<1x128xi32, #tpu.memory_space<vmem>> -> memref<128xi32, #tpu.memory_space<vmem>>
        %dma_wait3A_175 = arith.constant 0 : i32
        %dma_wait3A_176 = arith.constant 0 : i32
        %dma_wait3A_177 = tpu.memref_slice %arg2[%dma_wait3A_175, %dma_wait3A_176] : memref<10000x128xf32, #tpu.memory_space<hbm>> -> memref<10000x128xf32, #tpu.memory_space<hbm>>
        tpu.wait_indirect_dma semaphore(%arg14 : memref<!tpu.dma_semaphore, #tpu.memory_space<semaphore_mem>>) src(%dma_wait3A_177 : memref<10000x128xf32, #tpu.memory_space<hbm>>) dst(%arg12 : memref<128x128xf32, #tpu.memory_space<vmem>>)
        %dma_start3A = arith.constant 0 : i32
        %dma_start3A_178 = arith.constant 0 : i32
        %dma_start3A_179 = tpu.memref_slice %arg8[%dma_start3A, %dma_start3A_178] : memref<10240x128xf32, #tpu.memory_space<vmem_shared>> -> memref<128x128xf32, #tpu.memory_space<vmem_shared>>
        %dma_start3A_180 = arith.constant 0 : i32
        %dma_start3A_181 = arith.constant 0 : i32
        %dma_start3A_182 = tpu.memref_slice %arg8[%dma_start3A_180, %dma_start3A_181] : memref<10240x128xf32, #tpu.memory_space<vmem_shared>> -> memref<128x128xf32, #tpu.memory_space<vmem_shared>>
        tpu.enqueue_dma source(%arg12 : memref<128x128xf32, #tpu.memory_space<vmem>>) target(%dma_start3A_182 : memref<128x128xf32, #tpu.memory_space<vmem_shared>>) target_semaphore(%arg16 : memref<!tpu.dma_semaphore, #tpu.memory_space<semaphore_mem>>)
      } else {
      }
      %mul3A_143 = arith.constant 2 : i32
      %mul3A_144 = arith.muli %scan3A_118, %mul3A_143 : i32
      %add3A_145 = arith.constant 1 : i32
      %add3A_146 = arith.addi %mul3A_144, %add3A_145 : i32
      %ge3A_147 = arith.constant 2 : i32
      %ge3A_148 = arith.cmpi sge, %add3A_146, %ge3A_147 : i32
      %lt3A_149 = arith.constant 40 : i32
      %lt3A_150 = arith.cmpi slt, %add3A_146, %lt3A_149 : i32
      %and3A_151 = arith.andi %ge3A_148, %lt3A_150 : i1
      %convert_element_type3A_152 = arith.extui %and3A_151 : i1 to i32
      %cond3A_153 = arith.constant 0 : i32
      %cond3A_154 = arith.cmpi ne, %convert_element_type3A_152, %cond3A_153 : i32
      scf.if %cond3A_154 {
        %dma_wait3A_171 = arith.constant 0 : i32
        %dma_wait3A_172 = arith.constant 0 : i32
        %dma_wait3A_173 = tpu.memref_slice %arg10[%dma_wait3A_171, %dma_wait3A_172] : memref<40x128xi32, #tpu.memory_space<vmem>> -> memref<1x128xi32, #tpu.memory_space<vmem>>
        %dma_wait3A_174 = tpu.memref_squeeze %dma_wait3A_173 : memref<1x128xi32, #tpu.memory_space<vmem>> -> memref<128xi32, #tpu.memory_space<vmem>>
        %dma_wait3A_175 = arith.constant 0 : i32
        %dma_wait3A_176 = arith.constant 0 : i32
        %dma_wait3A_177 = tpu.memref_slice %arg8[%dma_wait3A_175, %dma_wait3A_176] : memref<10240x128xf32, #tpu.memory_space<vmem_shared>> -> memref<10240x128xf32, #tpu.memory_space<vmem_shared>>
        tpu.wait_indirect_dma semaphore(%arg16 : memref<!tpu.dma_semaphore, #tpu.memory_space<semaphore_mem>>) src(%arg12 : memref<128x128xf32, #tpu.memory_space<vmem>>) dst(%dma_wait3A_177 : memref<10240x128xf32, #tpu.memory_space<vmem_shared>>)
      } else {
      }
      %lt3A_155 = arith.constant 40 : i32
      %lt3A_156 = arith.cmpi slt, %add3A_146, %lt3A_155 : i32
      %convert_element_type3A_157 = arith.extui %lt3A_156 : i1 to i32
      %cond3A_158 = arith.constant 0 : i32
      %cond3A_159 = arith.cmpi ne, %convert_element_type3A_157, %cond3A_158 : i32
      scf.if %cond3A_159 {
        %eq3A_171 = arith.constant 0 : i32
        %eq3A_172 = arith.cmpi eq, %arg0, %eq3A_171 : i32
        %convert_element_type3A_173 = arith.extui %eq3A_172 : i1 to i32
        %cond3A_174 = arith.constant 0 : i32
        %cond3A_175 = arith.cmpi ne, %convert_element_type3A_173, %cond3A_174 : i32
        scf.if %cond3A_175 {
          %mul3A_181 = arith.constant 8 : i32
          %mul3A_182 = arith.muli %add3A_146, %mul3A_181 : i32
          %dma_start3A = arith.constant 0 : i32
          %dma_start3A_183 = tpu.memref_slice %arg2[%mul3A_182, %dma_start3A] : memref<10000x128xf32, #tpu.memory_space<hbm>> -> memref<128x128xf32, #tpu.memory_space<hbm>>
          %dma_start3A_184 = arith.constant 0 : i32
          %dma_start3A_185 = tpu.memref_slice %arg2[%mul3A_182, %dma_start3A_184] : memref<10000x128xf32, #tpu.memory_space<hbm>> -> memref<128x128xf32, #tpu.memory_space<hbm>>
          tpu.enqueue_dma source(%dma_start3A_185 : memref<128x128xf32, #tpu.memory_space<hbm>>) target(%arg12 : memref<128x128xf32, #tpu.memory_space<vmem>>) target_semaphore(%arg14 : memref<!tpu.dma_semaphore, #tpu.memory_space<semaphore_mem>>)
        } else {
        }
        %eq3A_176 = arith.constant 1 : i32
        %eq3A_177 = arith.cmpi eq, %arg0, %eq3A_176 : i32
        %convert_element_type3A_178 = arith.extui %eq3A_177 : i1 to i32
        %cond3A_179 = arith.constant 0 : i32
        %cond3A_180 = arith.cmpi ne, %convert_element_type3A_178, %cond3A_179 : i32
        scf.if %cond3A_180 {
          %mul3A_181 = arith.constant 8 : i32
          %mul3A_182 = arith.muli %add3A_146, %mul3A_181 : i32
          %dma_start3A = arith.constant 0 : i32
          %dma_start3A_183 = tpu.memref_slice %arg3[%mul3A_182, %dma_start3A] : memref<10000x128xf32, #tpu.memory_space<hbm>> -> memref<128x128xf32, #tpu.memory_space<hbm>>
          %dma_start3A_184 = arith.constant 0 : i32
          %dma_start3A_185 = tpu.memref_slice %arg3[%mul3A_182, %dma_start3A_184] : memref<10000x128xf32, #tpu.memory_space<hbm>> -> memref<128x128xf32, #tpu.memory_space<hbm>>
          tpu.enqueue_dma source(%dma_start3A_185 : memref<128x128xf32, #tpu.memory_space<hbm>>) target(%arg12 : memref<128x128xf32, #tpu.memory_space<vmem>>) target_semaphore(%arg14 : memref<!tpu.dma_semaphore, #tpu.memory_space<semaphore_mem>>)
        } else {
        }
      } else {
      }
      %sub3A_160 = arith.constant 1 : i32
      %sub3A_161 = arith.subi %add3A_146, %sub3A_160 : i32
      %ge3A_162 = arith.constant 0 : i32
      %ge3A_163 = arith.cmpi sge, %sub3A_161, %ge3A_162 : i32
      %lt3A_164 = arith.constant 40 : i32
      %lt3A_165 = arith.cmpi slt, %sub3A_161, %lt3A_164 : i32
      %and3A_166 = arith.andi %ge3A_163, %lt3A_165 : i1
      %convert_element_type3A_167 = arith.extui %and3A_166 : i1 to i32
      %cond3A_168 = arith.constant 0 : i32
      %cond3A_169 = arith.cmpi ne, %convert_element_type3A_167, %cond3A_168 : i32
      scf.if %cond3A_169 {
        %dma_wait3A_171 = arith.constant 0 : i32
        %dma_wait3A_172 = arith.constant 0 : i32
        %dma_wait3A_173 = tpu.memref_slice %arg9[%dma_wait3A_171, %dma_wait3A_172] : memref<40x128xi32, #tpu.memory_space<vmem>> -> memref<1x128xi32, #tpu.memory_space<vmem>>
        %dma_wait3A_174 = tpu.memref_squeeze %dma_wait3A_173 : memref<1x128xi32, #tpu.memory_space<vmem>> -> memref<128xi32, #tpu.memory_space<vmem>>
        %dma_wait3A_175 = arith.constant 0 : i32
        %dma_wait3A_176 = arith.constant 0 : i32
        %dma_wait3A_177 = tpu.memref_slice %arg2[%dma_wait3A_175, %dma_wait3A_176] : memref<10000x128xf32, #tpu.memory_space<hbm>> -> memref<10000x128xf32, #tpu.memory_space<hbm>>
        tpu.wait_indirect_dma semaphore(%arg13 : memref<!tpu.dma_semaphore, #tpu.memory_space<semaphore_mem>>) src(%dma_wait3A_177 : memref<10000x128xf32, #tpu.memory_space<hbm>>) dst(%arg11 : memref<128x128xf32, #tpu.memory_space<vmem>>)
        %dma_start3A = arith.constant 0 : i32
        %dma_start3A_178 = arith.constant 0 : i32
        %dma_start3A_179 = tpu.memref_slice %arg8[%dma_start3A, %dma_start3A_178] : memref<10240x128xf32, #tpu.memory_space<vmem_shared>> -> memref<128x128xf32, #tpu.memory_space<vmem_shared>>
        %dma_start3A_180 = arith.constant 0 : i32
        %dma_start3A_181 = arith.constant 0 : i32
        %dma_start3A_182 = tpu.memref_slice %arg8[%dma_start3A_180, %dma_start3A_181] : memref<10240x128xf32, #tpu.memory_space<vmem_shared>> -> memref<128x128xf32, #tpu.memory_space<vmem_shared>>
        tpu.enqueue_dma source(%arg11 : memref<128x128xf32, #tpu.memory_space<vmem>>) target(%dma_start3A_182 : memref<128x128xf32, #tpu.memory_space<vmem_shared>>) target_semaphore(%arg15 : memref<!tpu.dma_semaphore, #tpu.memory_space<semaphore_mem>>)
      } else {
      }
      %scan3A_170 = arith.constant 0 : i32
      scf.yield %scan3A_170 : i32
    }
    %scan3A_23 = arith.constant 21 : i32
    %dma_wait3A = arith.constant 0 : i32
    %dma_wait3A_24 = arith.constant 0 : i32
    %dma_wait3A_25 = tpu.memref_slice %arg10[%dma_wait3A, %dma_wait3A_24] : memref<40x128xi32, #tpu.memory_space<vmem>> -> memref<1x128xi32, #tpu.memory_space<vmem>>
    %dma_wait3A_26 = tpu.memref_squeeze %dma_wait3A_25 : memref<1x128xi32, #tpu.memory_space<vmem>> -> memref<128xi32, #tpu.memory_space<vmem>>
    %dma_wait3A_27 = arith.constant 0 : i32
    %dma_wait3A_28 = arith.constant 0 : i32
    %dma_wait3A_29 = tpu.memref_slice %arg8[%dma_wait3A_27, %dma_wait3A_28] : memref<10240x128xf32, #tpu.memory_space<vmem_shared>> -> memref<10240x128xf32, #tpu.memory_space<vmem_shared>>
    tpu.wait_indirect_dma semaphore(%arg16 : memref<!tpu.dma_semaphore, #tpu.memory_space<semaphore_mem>>) src(%arg12 : memref<128x128xf32, #tpu.memory_space<vmem>>) dst(%dma_wait3A_29 : memref<10240x128xf32, #tpu.memory_space<vmem_shared>>)
    %dma_wait3A_30 = arith.constant 0 : i32
    %dma_wait3A_31 = arith.constant 0 : i32
    %dma_wait3A_32 = tpu.memref_slice %arg10[%dma_wait3A_30, %dma_wait3A_31] : memref<40x128xi32, #tpu.memory_space<vmem>> -> memref<1x128xi32, #tpu.memory_space<vmem>>
    %dma_wait3A_33 = tpu.memref_squeeze %dma_wait3A_32 : memref<1x128xi32, #tpu.memory_space<vmem>> -> memref<128xi32, #tpu.memory_space<vmem>>
    %dma_wait3A_34 = arith.constant 0 : i32
    %dma_wait3A_35 = arith.constant 0 : i32
    %dma_wait3A_36 = tpu.memref_slice %arg8[%dma_wait3A_34, %dma_wait3A_35] : memref<10240x128xf32, #tpu.memory_space<vmem_shared>> -> memref<10240x128xf32, #tpu.memory_space<vmem_shared>>
    tpu.wait_indirect_dma semaphore(%arg15 : memref<!tpu.dma_semaphore, #tpu.memory_space<semaphore_mem>>) src(%arg11 : memref<128x128xf32, #tpu.memory_space<vmem>>) dst(%dma_wait3A_36 : memref<10240x128xf32, #tpu.memory_space<vmem_shared>>)
    %run_scoped3A_37 = arith.constant 1 : i32
    "tpu.region"() ({
      %run_scoped3A_118 = tpu.sem_alloc : memref<!tpu.dma_semaphore, #tpu.memory_space<semaphore_mem>>
      %dma_start3A = arith.constant 0 : i32
      %dma_start3A_119 = arith.constant 0 : i32
      %dma_start3A_120 = tpu.memref_slice %arg4[%arg1, %run_scoped3A_37, %dma_start3A, %dma_start3A_119] : memref<16x2x40x128xi32, #tpu.memory_space<hbm>> -> memref<1x1x40x128xi32, #tpu.memory_space<hbm>>
      %dma_start3A_121 = tpu.memref_squeeze %dma_start3A_120 : memref<1x1x40x128xi32, #tpu.memory_space<hbm>> -> memref<40x128xi32, #tpu.memory_space<hbm>>
      %dma_start3A_122 = arith.constant 0 : i32
      %dma_start3A_123 = arith.constant 0 : i32
      %dma_start3A_124 = tpu.memref_slice %arg4[%arg1, %run_scoped3A_37, %dma_start3A_122, %dma_start3A_123] : memref<16x2x40x128xi32, #tpu.memory_space<hbm>> -> memref<1x1x40x128xi32, #tpu.memory_space<hbm>>
      %dma_start3A_125 = tpu.memref_squeeze %dma_start3A_124 : memref<1x1x40x128xi32, #tpu.memory_space<hbm>> -> memref<40x128xi32, #tpu.memory_space<hbm>>
      tpu.enqueue_dma source(%dma_start3A_125 : memref<40x128xi32, #tpu.memory_space<hbm>>) target(%arg9 : memref<40x128xi32, #tpu.memory_space<vmem>>) target_semaphore(%run_scoped3A_118 : memref<!tpu.dma_semaphore, #tpu.memory_space<semaphore_mem>>)
      %dma_wait3A_126 = arith.constant 0 : i32
      %dma_wait3A_127 = arith.constant 0 : i32
      %dma_wait3A_128 = tpu.memref_slice %arg4[%arg1, %run_scoped3A_37, %dma_wait3A_126, %dma_wait3A_127] : memref<16x2x40x128xi32, #tpu.memory_space<hbm>> -> memref<1x1x40x128xi32, #tpu.memory_space<hbm>>
      %dma_wait3A_129 = tpu.memref_squeeze %dma_wait3A_128 : memref<1x1x40x128xi32, #tpu.memory_space<hbm>> -> memref<40x128xi32, #tpu.memory_space<hbm>>
      %dma_wait3A_130 = arith.constant 0 : i32
      %dma_wait3A_131 = arith.constant 0 : i32
      %dma_wait3A_132 = tpu.memref_slice %arg4[%arg1, %run_scoped3A_37, %dma_wait3A_130, %dma_wait3A_131] : memref<16x2x40x128xi32, #tpu.memory_space<hbm>> -> memref<1x1x40x128xi32, #tpu.memory_space<hbm>>
      %dma_wait3A_133 = tpu.memref_squeeze %dma_wait3A_132 : memref<1x1x40x128xi32, #tpu.memory_space<hbm>> -> memref<40x128xi32, #tpu.memory_space<hbm>>
      tpu.wait_dma2 semaphore(%run_scoped3A_118 : memref<!tpu.dma_semaphore, #tpu.memory_space<semaphore_mem>>) src(%dma_wait3A_133 : memref<40x128xi32, #tpu.memory_space<hbm>>) dst(%arg9 : memref<40x128xi32, #tpu.memory_space<vmem>>)
      tpu.yield
    }) : () -> ()
    %run_scoped3A_38 = arith.constant 1 : i32
    "tpu.region"() ({
      %run_scoped3A_118 = tpu.sem_alloc : memref<!tpu.dma_semaphore, #tpu.memory_space<semaphore_mem>>
      %dma_start3A = arith.constant 0 : i32
      %dma_start3A_119 = arith.constant 0 : i32
      %dma_start3A_120 = tpu.memref_slice %arg5[%arg1, %run_scoped3A_38, %dma_start3A, %dma_start3A_119] : memref<16x2x40x128xi32, #tpu.memory_space<hbm>> -> memref<1x1x40x128xi32, #tpu.memory_space<hbm>>
      %dma_start3A_121 = tpu.memref_squeeze %dma_start3A_120 : memref<1x1x40x128xi32, #tpu.memory_space<hbm>> -> memref<40x128xi32, #tpu.memory_space<hbm>>
      %dma_start3A_122 = arith.constant 0 : i32
      %dma_start3A_123 = arith.constant 0 : i32
      %dma_start3A_124 = tpu.memref_slice %arg5[%arg1, %run_scoped3A_38, %dma_start3A_122, %dma_start3A_123] : memref<16x2x40x128xi32, #tpu.memory_space<hbm>> -> memref<1x1x40x128xi32, #tpu.memory_space<hbm>>
      %dma_start3A_125 = tpu.memref_squeeze %dma_start3A_124 : memref<1x1x40x128xi32, #tpu.memory_space<hbm>> -> memref<40x128xi32, #tpu.memory_space<hbm>>
      tpu.enqueue_dma source(%dma_start3A_125 : memref<40x128xi32, #tpu.memory_space<hbm>>) target(%arg10 : memref<40x128xi32, #tpu.memory_space<vmem>>) target_semaphore(%run_scoped3A_118 : memref<!tpu.dma_semaphore, #tpu.memory_space<semaphore_mem>>)
      %dma_wait3A_126 = arith.constant 0 : i32
      %dma_wait3A_127 = arith.constant 0 : i32
      %dma_wait3A_128 = tpu.memref_slice %arg5[%arg1, %run_scoped3A_38, %dma_wait3A_126, %dma_wait3A_127] : memref<16x2x40x128xi32, #tpu.memory_space<hbm>> -> memref<1x1x40x128xi32, #tpu.memory_space<hbm>>
      %dma_wait3A_129 = tpu.memref_squeeze %dma_wait3A_128 : memref<1x1x40x128xi32, #tpu.memory_space<hbm>> -> memref<40x128xi32, #tpu.memory_space<hbm>>
      %dma_wait3A_130 = arith.constant 0 : i32
      %dma_wait3A_131 = arith.constant 0 : i32
      %dma_wait3A_132 = tpu.memref_slice %arg5[%arg1, %run_scoped3A_38, %dma_wait3A_130, %dma_wait3A_131] : memref<16x2x40x128xi32, #tpu.memory_space<hbm>> -> memref<1x1x40x128xi32, #tpu.memory_space<hbm>>
      %dma_wait3A_133 = tpu.memref_squeeze %dma_wait3A_132 : memref<1x1x40x128xi32, #tpu.memory_space<hbm>> -> memref<40x128xi32, #tpu.memory_space<hbm>>
      tpu.wait_dma2 semaphore(%run_scoped3A_118 : memref<!tpu.dma_semaphore, #tpu.memory_space<semaphore_mem>>) src(%dma_wait3A_133 : memref<40x128xi32, #tpu.memory_space<hbm>>) dst(%arg10 : memref<40x128xi32, #tpu.memory_space<vmem>>)
      tpu.yield
    }) : () -> ()
    %scan3A_39 = arith.constant 0 : i32
    %scan3A_40 = arith.constant 0 : i32
    %scan3A_41 = arith.constant 21 : i32
    %scan3A_42 = arith.addi %scan3A_40, %scan3A_41 : i32
    %scan3A_43 = arith.constant 1 : i32
    %scan3A_44 = scf.for %scan3A_118 = %scan3A_40 to %scan3A_42 step %scan3A_43 iter_args(%scan3A_119 = %scan3A_39) -> (i32)  : i32 {
      %mul3A_120 = arith.constant 2 : i32
      %mul3A_121 = arith.muli %scan3A_118, %mul3A_120 : i32
      %add3A_122 = arith.constant 0 : i32
      %add3A_123 = arith.addi %mul3A_121, %add3A_122 : i32
      %ge3A = arith.constant 2 : i32
      %ge3A_124 = arith.cmpi sge, %add3A_123, %ge3A : i32
      %lt3A = arith.constant 40 : i32
      %lt3A_125 = arith.cmpi slt, %add3A_123, %lt3A : i32
      %and3A = arith.andi %ge3A_124, %lt3A_125 : i1
      %convert_element_type3A_126 = arith.extui %and3A : i1 to i32
      %cond3A_127 = arith.constant 0 : i32
      %cond3A_128 = arith.cmpi ne, %convert_element_type3A_126, %cond3A_127 : i32
      scf.if %cond3A_128 {
        %dma_wait3A_171 = arith.constant 0 : i32
        %dma_wait3A_172 = arith.constant 0 : i32
        %dma_wait3A_173 = tpu.memref_slice %arg10[%dma_wait3A_171, %dma_wait3A_172] : memref<40x128xi32, #tpu.memory_space<vmem>> -> memref<1x128xi32, #tpu.memory_space<vmem>>
        %dma_wait3A_174 = tpu.memref_squeeze %dma_wait3A_173 : memref<1x128xi32, #tpu.memory_space<vmem>> -> memref<128xi32, #tpu.memory_space<vmem>>
        %dma_wait3A_175 = arith.constant 0 : i32
        %dma_wait3A_176 = arith.constant 0 : i32
        %dma_wait3A_177 = tpu.memref_slice %arg8[%dma_wait3A_175, %dma_wait3A_176] : memref<10240x128xf32, #tpu.memory_space<vmem_shared>> -> memref<10240x128xf32, #tpu.memory_space<vmem_shared>>
        tpu.wait_indirect_dma semaphore(%arg15 : memref<!tpu.dma_semaphore, #tpu.memory_space<semaphore_mem>>) src(%arg11 : memref<128x128xf32, #tpu.memory_space<vmem>>) dst(%dma_wait3A_177 : memref<10240x128xf32, #tpu.memory_space<vmem_shared>>)
      } else {
      }
      %lt3A_129 = arith.constant 40 : i32
      %lt3A_130 = arith.cmpi slt, %add3A_123, %lt3A_129 : i32
      %convert_element_type3A_131 = arith.extui %lt3A_130 : i1 to i32
      %cond3A_132 = arith.constant 0 : i32
      %cond3A_133 = arith.cmpi ne, %convert_element_type3A_131, %cond3A_132 : i32
      scf.if %cond3A_133 {
        %eq3A_171 = arith.constant 0 : i32
        %eq3A_172 = arith.cmpi eq, %arg0, %eq3A_171 : i32
        %convert_element_type3A_173 = arith.extui %eq3A_172 : i1 to i32
        %cond3A_174 = arith.constant 0 : i32
        %cond3A_175 = arith.cmpi ne, %convert_element_type3A_173, %cond3A_174 : i32
        scf.if %cond3A_175 {
          %mul3A_181 = arith.constant 8 : i32
          %mul3A_182 = arith.muli %add3A_123, %mul3A_181 : i32
          %dma_start3A = arith.constant 0 : i32
          %dma_start3A_183 = tpu.memref_slice %arg2[%mul3A_182, %dma_start3A] : memref<10000x128xf32, #tpu.memory_space<hbm>> -> memref<128x128xf32, #tpu.memory_space<hbm>>
          %dma_start3A_184 = arith.constant 0 : i32
          %dma_start3A_185 = tpu.memref_slice %arg2[%mul3A_182, %dma_start3A_184] : memref<10000x128xf32, #tpu.memory_space<hbm>> -> memref<128x128xf32, #tpu.memory_space<hbm>>
          tpu.enqueue_dma source(%dma_start3A_185 : memref<128x128xf32, #tpu.memory_space<hbm>>) target(%arg11 : memref<128x128xf32, #tpu.memory_space<vmem>>) target_semaphore(%arg13 : memref<!tpu.dma_semaphore, #tpu.memory_space<semaphore_mem>>)
        } else {
        }
        %eq3A_176 = arith.constant 1 : i32
        %eq3A_177 = arith.cmpi eq, %arg0, %eq3A_176 : i32
        %convert_element_type3A_178 = arith.extui %eq3A_177 : i1 to i32
        %cond3A_179 = arith.constant 0 : i32
        %cond3A_180 = arith.cmpi ne, %convert_element_type3A_178, %cond3A_179 : i32
        scf.if %cond3A_180 {
          %mul3A_181 = arith.constant 8 : i32
          %mul3A_182 = arith.muli %add3A_123, %mul3A_181 : i32
          %dma_start3A = arith.constant 0 : i32
          %dma_start3A_183 = tpu.memref_slice %arg3[%mul3A_182, %dma_start3A] : memref<10000x128xf32, #tpu.memory_space<hbm>> -> memref<128x128xf32, #tpu.memory_space<hbm>>
          %dma_start3A_184 = arith.constant 0 : i32
          %dma_start3A_185 = tpu.memref_slice %arg3[%mul3A_182, %dma_start3A_184] : memref<10000x128xf32, #tpu.memory_space<hbm>> -> memref<128x128xf32, #tpu.memory_space<hbm>>
          tpu.enqueue_dma source(%dma_start3A_185 : memref<128x128xf32, #tpu.memory_space<hbm>>) target(%arg11 : memref<128x128xf32, #tpu.memory_space<vmem>>) target_semaphore(%arg13 : memref<!tpu.dma_semaphore, #tpu.memory_space<semaphore_mem>>)
        } else {
        }
      } else {
      }
      %sub3A = arith.constant 1 : i32
      %sub3A_134 = arith.subi %add3A_123, %sub3A : i32
      %ge3A_135 = arith.constant 0 : i32
      %ge3A_136 = arith.cmpi sge, %sub3A_134, %ge3A_135 : i32
      %lt3A_137 = arith.constant 40 : i32
      %lt3A_138 = arith.cmpi slt, %sub3A_134, %lt3A_137 : i32
      %and3A_139 = arith.andi %ge3A_136, %lt3A_138 : i1
      %convert_element_type3A_140 = arith.extui %and3A_139 : i1 to i32
      %cond3A_141 = arith.constant 0 : i32
      %cond3A_142 = arith.cmpi ne, %convert_element_type3A_140, %cond3A_141 : i32
      scf.if %cond3A_142 {
        %dma_wait3A_171 = arith.constant 0 : i32
        %dma_wait3A_172 = arith.constant 0 : i32
        %dma_wait3A_173 = tpu.memref_slice %arg9[%dma_wait3A_171, %dma_wait3A_172] : memref<40x128xi32, #tpu.memory_space<vmem>> -> memref<1x128xi32, #tpu.memory_space<vmem>>
        %dma_wait3A_174 = tpu.memref_squeeze %dma_wait3A_173 : memref<1x128xi32, #tpu.memory_space<vmem>> -> memref<128xi32, #tpu.memory_space<vmem>>
        %dma_wait3A_175 = arith.constant 0 : i32
        %dma_wait3A_176 = arith.constant 0 : i32
        %dma_wait3A_177 = tpu.memref_slice %arg2[%dma_wait3A_175, %dma_wait3A_176] : memref<10000x128xf32, #tpu.memory_space<hbm>> -> memref<10000x128xf32, #tpu.memory_space<hbm>>
        tpu.wait_indirect_dma semaphore(%arg14 : memref<!tpu.dma_semaphore, #tpu.memory_space<semaphore_mem>>) src(%dma_wait3A_177 : memref<10000x128xf32, #tpu.memory_space<hbm>>) dst(%arg12 : memref<128x128xf32, #tpu.memory_space<vmem>>)
        %dma_start3A = arith.constant 0 : i32
        %dma_start3A_178 = arith.constant 0 : i32
        %dma_start3A_179 = tpu.memref_slice %arg8[%dma_start3A, %dma_start3A_178] : memref<10240x128xf32, #tpu.memory_space<vmem_shared>> -> memref<128x128xf32, #tpu.memory_space<vmem_shared>>
        %dma_start3A_180 = arith.constant 0 : i32
        %dma_start3A_181 = arith.constant 0 : i32
        %dma_start3A_182 = tpu.memref_slice %arg8[%dma_start3A_180, %dma_start3A_181] : memref<10240x128xf32, #tpu.memory_space<vmem_shared>> -> memref<128x128xf32, #tpu.memory_space<vmem_shared>>
        tpu.enqueue_dma source(%arg12 : memref<128x128xf32, #tpu.memory_space<vmem>>) target(%dma_start3A_182 : memref<128x128xf32, #tpu.memory_space<vmem_shared>>) target_semaphore(%arg16 : memref<!tpu.dma_semaphore, #tpu.memory_space<semaphore_mem>>)
      } else {
      }
      %mul3A_143 = arith.constant 2 : i32
      %mul3A_144 = arith.muli %scan3A_118, %mul3A_143 : i32
      %add3A_145 = arith.constant 1 : i32
      %add3A_146 = arith.addi %mul3A_144, %add3A_145 : i32
      %ge3A_147 = arith.constant 2 : i32
      %ge3A_148 = arith.cmpi sge, %add3A_146, %ge3A_147 : i32
      %lt3A_149 = arith.constant 40 : i32
      %lt3A_150 = arith.cmpi slt, %add3A_146, %lt3A_149 : i32
      %and3A_151 = arith.andi %ge3A_148, %lt3A_150 : i1
      %convert_element_type3A_152 = arith.extui %and3A_151 : i1 to i32
      %cond3A_153 = arith.constant 0 : i32
      %cond3A_154 = arith.cmpi ne, %convert_element_type3A_152, %cond3A_153 : i32
      scf.if %cond3A_154 {
        %dma_wait3A_171 = arith.constant 0 : i32
        %dma_wait3A_172 = arith.constant 0 : i32
        %dma_wait3A_173 = tpu.memref_slice %arg10[%dma_wait3A_171, %dma_wait3A_172] : memref<40x128xi32, #tpu.memory_space<vmem>> -> memref<1x128xi32, #tpu.memory_space<vmem>>
        %dma_wait3A_174 = tpu.memref_squeeze %dma_wait3A_173 : memref<1x128xi32, #tpu.memory_space<vmem>> -> memref<128xi32, #tpu.memory_space<vmem>>
        %dma_wait3A_175 = arith.constant 0 : i32
        %dma_wait3A_176 = arith.constant 0 : i32
        %dma_wait3A_177 = tpu.memref_slice %arg8[%dma_wait3A_175, %dma_wait3A_176] : memref<10240x128xf32, #tpu.memory_space<vmem_shared>> -> memref<10240x128xf32, #tpu.memory_space<vmem_shared>>
        tpu.wait_indirect_dma semaphore(%arg16 : memref<!tpu.dma_semaphore, #tpu.memory_space<semaphore_mem>>) src(%arg12 : memref<128x128xf32, #tpu.memory_space<vmem>>) dst(%dma_wait3A_177 : memref<10240x128xf32, #tpu.memory_space<vmem_shared>>)
      } else {
      }
      %lt3A_155 = arith.constant 40 : i32
      %lt3A_156 = arith.cmpi slt, %add3A_146, %lt3A_155 : i32
      %convert_element_type3A_157 = arith.extui %lt3A_156 : i1 to i32
      %cond3A_158 = arith.constant 0 : i32
      %cond3A_159 = arith.cmpi ne, %convert_element_type3A_157, %cond3A_158 : i32
      scf.if %cond3A_159 {
        %eq3A_171 = arith.constant 0 : i32
        %eq3A_172 = arith.cmpi eq, %arg0, %eq3A_171 : i32
        %convert_element_type3A_173 = arith.extui %eq3A_172 : i1 to i32
        %cond3A_174 = arith.constant 0 : i32
        %cond3A_175 = arith.cmpi ne, %convert_element_type3A_173, %cond3A_174 : i32
        scf.if %cond3A_175 {
          %mul3A_181 = arith.constant 8 : i32
          %mul3A_182 = arith.muli %add3A_146, %mul3A_181 : i32
          %dma_start3A = arith.constant 0 : i32
          %dma_start3A_183 = tpu.memref_slice %arg2[%mul3A_182, %dma_start3A] : memref<10000x128xf32, #tpu.memory_space<hbm>> -> memref<128x128xf32, #tpu.memory_space<hbm>>
          %dma_start3A_184 = arith.constant 0 : i32
          %dma_start3A_185 = tpu.memref_slice %arg2[%mul3A_182, %dma_start3A_184] : memref<10000x128xf32, #tpu.memory_space<hbm>> -> memref<128x128xf32, #tpu.memory_space<hbm>>
          tpu.enqueue_dma source(%dma_start3A_185 : memref<128x128xf32, #tpu.memory_space<hbm>>) target(%arg12 : memref<128x128xf32, #tpu.memory_space<vmem>>) target_semaphore(%arg14 : memref<!tpu.dma_semaphore, #tpu.memory_space<semaphore_mem>>)
        } else {
        }
        %eq3A_176 = arith.constant 1 : i32
        %eq3A_177 = arith.cmpi eq, %arg0, %eq3A_176 : i32
        %convert_element_type3A_178 = arith.extui %eq3A_177 : i1 to i32
        %cond3A_179 = arith.constant 0 : i32
        %cond3A_180 = arith.cmpi ne, %convert_element_type3A_178, %cond3A_179 : i32
        scf.if %cond3A_180 {
          %mul3A_181 = arith.constant 8 : i32
          %mul3A_182 = arith.muli %add3A_146, %mul3A_181 : i32
          %dma_start3A = arith.constant 0 : i32
          %dma_start3A_183 = tpu.memref_slice %arg3[%mul3A_182, %dma_start3A] : memref<10000x128xf32, #tpu.memory_space<hbm>> -> memref<128x128xf32, #tpu.memory_space<hbm>>
          %dma_start3A_184 = arith.constant 0 : i32
          %dma_start3A_185 = tpu.memref_slice %arg3[%mul3A_182, %dma_start3A_184] : memref<10000x128xf32, #tpu.memory_space<hbm>> -> memref<128x128xf32, #tpu.memory_space<hbm>>
          tpu.enqueue_dma source(%dma_start3A_185 : memref<128x128xf32, #tpu.memory_space<hbm>>) target(%arg12 : memref<128x128xf32, #tpu.memory_space<vmem>>) target_semaphore(%arg14 : memref<!tpu.dma_semaphore, #tpu.memory_space<semaphore_mem>>)
        } else {
        }
      } else {
      }
      %sub3A_160 = arith.constant 1 : i32
      %sub3A_161 = arith.subi %add3A_146, %sub3A_160 : i32
      %ge3A_162 = arith.constant 0 : i32
      %ge3A_163 = arith.cmpi sge, %sub3A_161, %ge3A_162 : i32
      %lt3A_164 = arith.constant 40 : i32
      %lt3A_165 = arith.cmpi slt, %sub3A_161, %lt3A_164 : i32
      %and3A_166 = arith.andi %ge3A_163, %lt3A_165 : i1
      %convert_element_type3A_167 = arith.extui %and3A_166 : i1 to i32
      %cond3A_168 = arith.constant 0 : i32
      %cond3A_169 = arith.cmpi ne, %convert_element_type3A_167, %cond3A_168 : i32
      scf.if %cond3A_169 {
        %dma_wait3A_171 = arith.constant 0 : i32
        %dma_wait3A_172 = arith.constant 0 : i32
        %dma_wait3A_173 = tpu.memref_slice %arg9[%dma_wait3A_171, %dma_wait3A_172] : memref<40x128xi32, #tpu.memory_space<vmem>> -> memref<1x128xi32, #tpu.memory_space<vmem>>
        %dma_wait3A_174 = tpu.memref_squeeze %dma_wait3A_173 : memref<1x128xi32, #tpu.memory_space<vmem>> -> memref<128xi32, #tpu.memory_space<vmem>>
        %dma_wait3A_175 = arith.constant 0 : i32
        %dma_wait3A_176 = arith.constant 0 : i32
        %dma_wait3A_177 = tpu.memref_slice %arg2[%dma_wait3A_175, %dma_wait3A_176] : memref<10000x128xf32, #tpu.memory_space<hbm>> -> memref<10000x128xf32, #tpu.memory_space<hbm>>
        tpu.wait_indirect_dma semaphore(%arg13 : memref<!tpu.dma_semaphore, #tpu.memory_space<semaphore_mem>>) src(%dma_wait3A_177 : memref<10000x128xf32, #tpu.memory_space<hbm>>) dst(%arg11 : memref<128x128xf32, #tpu.memory_space<vmem>>)
        %dma_start3A = arith.constant 0 : i32
        %dma_start3A_178 = arith.constant 0 : i32
        %dma_start3A_179 = tpu.memref_slice %arg8[%dma_start3A, %dma_start3A_178] : memref<10240x128xf32, #tpu.memory_space<vmem_shared>> -> memref<128x128xf32, #tpu.memory_space<vmem_shared>>
        %dma_start3A_180 = arith.constant 0 : i32
        %dma_start3A_181 = arith.constant 0 : i32
        %dma_start3A_182 = tpu.memref_slice %arg8[%dma_start3A_180, %dma_start3A_181] : memref<10240x128xf32, #tpu.memory_space<vmem_shared>> -> memref<128x128xf32, #tpu.memory_space<vmem_shared>>
        tpu.enqueue_dma source(%arg11 : memref<128x128xf32, #tpu.memory_space<vmem>>) target(%dma_start3A_182 : memref<128x128xf32, #tpu.memory_space<vmem_shared>>) target_semaphore(%arg15 : memref<!tpu.dma_semaphore, #tpu.memory_space<semaphore_mem>>)
      } else {
      }
      %scan3A_170 = arith.constant 0 : i32
      scf.yield %scan3A_170 : i32
    }
    %scan3A_45 = arith.constant 21 : i32
    %dma_wait3A_46 = arith.constant 0 : i32
    %dma_wait3A_47 = arith.constant 0 : i32
    %dma_wait3A_48 = tpu.memref_slice %arg10[%dma_wait3A_46, %dma_wait3A_47] : memref<40x128xi32, #tpu.memory_space<vmem>> -> memref<1x128xi32, #tpu.memory_space<vmem>>
    %dma_wait3A_49 = tpu.memref_squeeze %dma_wait3A_48 : memref<1x128xi32, #tpu.memory_space<vmem>> -> memref<128xi32, #tpu.memory_space<vmem>>
    %dma_wait3A_50 = arith.constant 0 : i32
    %dma_wait3A_51 = arith.constant 0 : i32
    %dma_wait3A_52 = tpu.memref_slice %arg8[%dma_wait3A_50, %dma_wait3A_51] : memref<10240x128xf32, #tpu.memory_space<vmem_shared>> -> memref<10240x128xf32, #tpu.memory_space<vmem_shared>>
    tpu.wait_indirect_dma semaphore(%arg16 : memref<!tpu.dma_semaphore, #tpu.memory_space<semaphore_mem>>) src(%arg12 : memref<128x128xf32, #tpu.memory_space<vmem>>) dst(%dma_wait3A_52 : memref<10240x128xf32, #tpu.memory_space<vmem_shared>>)
    %dma_wait3A_53 = arith.constant 0 : i32
    %dma_wait3A_54 = arith.constant 0 : i32
    %dma_wait3A_55 = tpu.memref_slice %arg10[%dma_wait3A_53, %dma_wait3A_54] : memref<40x128xi32, #tpu.memory_space<vmem>> -> memref<1x128xi32, #tpu.memory_space<vmem>>
    %dma_wait3A_56 = tpu.memref_squeeze %dma_wait3A_55 : memref<1x128xi32, #tpu.memory_space<vmem>> -> memref<128xi32, #tpu.memory_space<vmem>>
    %dma_wait3A_57 = arith.constant 0 : i32
    %dma_wait3A_58 = arith.constant 0 : i32
    %dma_wait3A_59 = tpu.memref_slice %arg8[%dma_wait3A_57, %dma_wait3A_58] : memref<10240x128xf32, #tpu.memory_space<vmem_shared>> -> memref<10240x128xf32, #tpu.memory_space<vmem_shared>>
    tpu.wait_indirect_dma semaphore(%arg15 : memref<!tpu.dma_semaphore, #tpu.memory_space<semaphore_mem>>) src(%arg11 : memref<128x128xf32, #tpu.memory_space<vmem>>) dst(%dma_wait3A_59 : memref<10240x128xf32, #tpu.memory_space<vmem_shared>>)
    %barrier3A_60 = arith.constant 0 : index
    tpu.barrier barrier_id(%barrier3A_60)
    %add3A_61 = arith.constant 0 : i32
    %add3A_62 = arith.addi %mul3A_6, %add3A_61 : i32
    "tpu.region"() ({
      %run_scoped3A_118 = tpu.sem_alloc : memref<!tpu.dma_semaphore, #tpu.memory_space<semaphore_mem>>
      %dma_start3A = arith.constant 0 : i32
      %dma_start3A_119 = tpu.memref_slice %arg8[%add3A_62, %dma_start3A] : memref<10240x128xf32, #tpu.memory_space<vmem_shared>> -> memref<128x128xf32, #tpu.memory_space<vmem_shared>>
      %dma_start3A_120 = arith.constant 0 : i32
      %dma_start3A_121 = tpu.memref_slice %arg8[%add3A_62, %dma_start3A_120] : memref<10240x128xf32, #tpu.memory_space<vmem_shared>> -> memref<128x128xf32, #tpu.memory_space<vmem_shared>>
      tpu.enqueue_dma source(%dma_start3A_121 : memref<128x128xf32, #tpu.memory_space<vmem_shared>>) target(%arg12 : memref<128x128xf32, #tpu.memory_space<vmem>>) target_semaphore(%run_scoped3A_118 : memref<!tpu.dma_semaphore, #tpu.memory_space<semaphore_mem>>)
      %dma_wait3A_122 = arith.constant 0 : i32
      %dma_wait3A_123 = tpu.memref_slice %arg8[%add3A_62, %dma_wait3A_122] : memref<10240x128xf32, #tpu.memory_space<vmem_shared>> -> memref<128x128xf32, #tpu.memory_space<vmem_shared>>
      %dma_wait3A_124 = arith.constant 0 : i32
      %dma_wait3A_125 = tpu.memref_slice %arg8[%add3A_62, %dma_wait3A_124] : memref<10240x128xf32, #tpu.memory_space<vmem_shared>> -> memref<128x128xf32, #tpu.memory_space<vmem_shared>>
      tpu.wait_dma2 semaphore(%run_scoped3A_118 : memref<!tpu.dma_semaphore, #tpu.memory_space<semaphore_mem>>) src(%dma_wait3A_125 : memref<128x128xf32, #tpu.memory_space<vmem_shared>>) dst(%arg12 : memref<128x128xf32, #tpu.memory_space<vmem>>)
      tpu.yield
    }) : () -> ()
    %eq3A = arith.constant 0 : i32
    %eq3A_63 = arith.cmpi eq, %arg0, %eq3A : i32
    %convert_element_type3A = arith.extui %eq3A_63 : i1 to i32
    %cond3A = arith.constant 0 : i32
    %cond3A_64 = arith.cmpi ne, %convert_element_type3A, %cond3A : i32
    scf.if %cond3A_64 {
      "tpu.region"() ({
        %run_scoped3A_118 = tpu.sem_alloc : memref<!tpu.dma_semaphore, #tpu.memory_space<semaphore_mem>>
        %dma_start3A = arith.constant 0 : i32
        %dma_start3A_119 = tpu.memref_slice %arg6[%add3A_62, %dma_start3A] : memref<10240x128xf32, #tpu.memory_space<hbm>> -> memref<128x128xf32, #tpu.memory_space<hbm>>
        %dma_start3A_120 = arith.constant 0 : i32
        %dma_start3A_121 = tpu.memref_slice %arg6[%add3A_62, %dma_start3A_120] : memref<10240x128xf32, #tpu.memory_space<hbm>> -> memref<128x128xf32, #tpu.memory_space<hbm>>
        tpu.enqueue_dma source(%arg12 : memref<128x128xf32, #tpu.memory_space<vmem>>) target(%dma_start3A_121 : memref<128x128xf32, #tpu.memory_space<hbm>>) target_semaphore(%run_scoped3A_118 : memref<!tpu.dma_semaphore, #tpu.memory_space<semaphore_mem>>)
        %dma_wait3A_122 = arith.constant 0 : i32
        %dma_wait3A_123 = tpu.memref_slice %arg6[%add3A_62, %dma_wait3A_122] : memref<10240x128xf32, #tpu.memory_space<hbm>> -> memref<128x128xf32, #tpu.memory_space<hbm>>
        %dma_wait3A_124 = arith.constant 0 : i32
        %dma_wait3A_125 = tpu.memref_slice %arg6[%add3A_62, %dma_wait3A_124] : memref<10240x128xf32, #tpu.memory_space<hbm>> -> memref<128x128xf32, #tpu.memory_space<hbm>>
        tpu.wait_dma2 semaphore(%run_scoped3A_118 : memref<!tpu.dma_semaphore, #tpu.memory_space<semaphore_mem>>) src(%arg12 : memref<128x128xf32, #tpu.memory_space<vmem>>) dst(%dma_wait3A_125 : memref<128x128xf32, #tpu.memory_space<hbm>>)
        tpu.yield
      }) : () -> ()
    } else {
    }
    %eq3A_65 = arith.constant 1 : i32
    %eq3A_66 = arith.cmpi eq, %arg0, %eq3A_65 : i32
    %convert_element_type3A_67 = arith.extui %eq3A_66 : i1 to i32
    %cond3A_68 = arith.constant 0 : i32
    %cond3A_69 = arith.cmpi ne, %convert_element_type3A_67, %cond3A_68 : i32
    scf.if %cond3A_69 {
      "tpu.region"() ({
        %run_scoped3A_118 = tpu.sem_alloc : memref<!tpu.dma_semaphore, #tpu.memory_space<semaphore_mem>>
        %dma_start3A = arith.constant 0 : i32
        %dma_start3A_119 = tpu.memref_slice %arg7[%add3A_62, %dma_start3A] : memref<10240x128xf32, #tpu.memory_space<hbm>> -> memref<128x128xf32, #tpu.memory_space<hbm>>
        %dma_start3A_120 = arith.constant 0 : i32
        %dma_start3A_121 = tpu.memref_slice %arg7[%add3A_62, %dma_start3A_120] : memref<10240x128xf32, #tpu.memory_space<hbm>> -> memref<128x128xf32, #tpu.memory_space<hbm>>
        tpu.enqueue_dma source(%arg12 : memref<128x128xf32, #tpu.memory_space<vmem>>) target(%dma_start3A_121 : memref<128x128xf32, #tpu.memory_space<hbm>>) target_semaphore(%run_scoped3A_118 : memref<!tpu.dma_semaphore, #tpu.memory_space<semaphore_mem>>)
        %dma_wait3A_122 = arith.constant 0 : i32
        %dma_wait3A_123 = tpu.memref_slice %arg7[%add3A_62, %dma_wait3A_122] : memref<10240x128xf32, #tpu.memory_space<hbm>> -> memref<128x128xf32, #tpu.memory_space<hbm>>
        %dma_wait3A_124 = arith.constant 0 : i32
        %dma_wait3A_125 = tpu.memref_slice %arg7[%add3A_62, %dma_wait3A_124] : memref<10240x128xf32, #tpu.memory_space<hbm>> -> memref<128x128xf32, #tpu.memory_space<hbm>>
        tpu.wait_dma2 semaphore(%run_scoped3A_118 : memref<!tpu.dma_semaphore, #tpu.memory_space<semaphore_mem>>) src(%arg12 : memref<128x128xf32, #tpu.memory_space<vmem>>) dst(%dma_wait3A_125 : memref<128x128xf32, #tpu.memory_space<hbm>>)
        tpu.yield
      }) : () -> ()
    } else {
    }
    %add3A_70 = arith.constant 128 : i32
    %add3A_71 = arith.addi %mul3A_6, %add3A_70 : i32
    "tpu.region"() ({
      %run_scoped3A_118 = tpu.sem_alloc : memref<!tpu.dma_semaphore, #tpu.memory_space<semaphore_mem>>
      %dma_start3A = arith.constant 0 : i32
      %dma_start3A_119 = tpu.memref_slice %arg8[%add3A_71, %dma_start3A] : memref<10240x128xf32, #tpu.memory_space<vmem_shared>> -> memref<128x128xf32, #tpu.memory_space<vmem_shared>>
      %dma_start3A_120 = arith.constant 0 : i32
      %dma_start3A_121 = tpu.memref_slice %arg8[%add3A_71, %dma_start3A_120] : memref<10240x128xf32, #tpu.memory_space<vmem_shared>> -> memref<128x128xf32, #tpu.memory_space<vmem_shared>>
      tpu.enqueue_dma source(%dma_start3A_121 : memref<128x128xf32, #tpu.memory_space<vmem_shared>>) target(%arg12 : memref<128x128xf32, #tpu.memory_space<vmem>>) target_semaphore(%run_scoped3A_118 : memref<!tpu.dma_semaphore, #tpu.memory_space<semaphore_mem>>)
      %dma_wait3A_122 = arith.constant 0 : i32
      %dma_wait3A_123 = tpu.memref_slice %arg8[%add3A_71, %dma_wait3A_122] : memref<10240x128xf32, #tpu.memory_space<vmem_shared>> -> memref<128x128xf32, #tpu.memory_space<vmem_shared>>
      %dma_wait3A_124 = arith.constant 0 : i32
      %dma_wait3A_125 = tpu.memref_slice %arg8[%add3A_71, %dma_wait3A_124] : memref<10240x128xf32, #tpu.memory_space<vmem_shared>> -> memref<128x128xf32, #tpu.memory_space<vmem_shared>>
      tpu.wait_dma2 semaphore(%run_scoped3A_118 : memref<!tpu.dma_semaphore, #tpu.memory_space<semaphore_mem>>) src(%dma_wait3A_125 : memref<128x128xf32, #tpu.memory_space<vmem_shared>>) dst(%arg12 : memref<128x128xf32, #tpu.memory_space<vmem>>)
      tpu.yield
    }) : () -> ()
    %eq3A_72 = arith.constant 0 : i32
    %eq3A_73 = arith.cmpi eq, %arg0, %eq3A_72 : i32
    %convert_element_type3A_74 = arith.extui %eq3A_73 : i1 to i32
    %cond3A_75 = arith.constant 0 : i32
    %cond3A_76 = arith.cmpi ne, %convert_element_type3A_74, %cond3A_75 : i32
    scf.if %cond3A_76 {
      "tpu.region"() ({
        %run_scoped3A_118 = tpu.sem_alloc : memref<!tpu.dma_semaphore, #tpu.memory_space<semaphore_mem>>
        %dma_start3A = arith.constant 0 : i32
        %dma_start3A_119 = tpu.memref_slice %arg6[%add3A_71, %dma_start3A] : memref<10240x128xf32, #tpu.memory_space<hbm>> -> memref<128x128xf32, #tpu.memory_space<hbm>>
        %dma_start3A_120 = arith.constant 0 : i32
        %dma_start3A_121 = tpu.memref_slice %arg6[%add3A_71, %dma_start3A_120] : memref<10240x128xf32, #tpu.memory_space<hbm>> -> memref<128x128xf32, #tpu.memory_space<hbm>>
        tpu.enqueue_dma source(%arg12 : memref<128x128xf32, #tpu.memory_space<vmem>>) target(%dma_start3A_121 : memref<128x128xf32, #tpu.memory_space<hbm>>) target_semaphore(%run_scoped3A_118 : memref<!tpu.dma_semaphore, #tpu.memory_space<semaphore_mem>>)
        %dma_wait3A_122 = arith.constant 0 : i32
        %dma_wait3A_123 = tpu.memref_slice %arg6[%add3A_71, %dma_wait3A_122] : memref<10240x128xf32, #tpu.memory_space<hbm>> -> memref<128x128xf32, #tpu.memory_space<hbm>>
        %dma_wait3A_124 = arith.constant 0 : i32
        %dma_wait3A_125 = tpu.memref_slice %arg6[%add3A_71, %dma_wait3A_124] : memref<10240x128xf32, #tpu.memory_space<hbm>> -> memref<128x128xf32, #tpu.memory_space<hbm>>
        tpu.wait_dma2 semaphore(%run_scoped3A_118 : memref<!tpu.dma_semaphore, #tpu.memory_space<semaphore_mem>>) src(%arg12 : memref<128x128xf32, #tpu.memory_space<vmem>>) dst(%dma_wait3A_125 : memref<128x128xf32, #tpu.memory_space<hbm>>)
        tpu.yield
      }) : () -> ()
    } else {
    }
    %eq3A_77 = arith.constant 1 : i32
    %eq3A_78 = arith.cmpi eq, %arg0, %eq3A_77 : i32
    %convert_element_type3A_79 = arith.extui %eq3A_78 : i1 to i32
    %cond3A_80 = arith.constant 0 : i32
    %cond3A_81 = arith.cmpi ne, %convert_element_type3A_79, %cond3A_80 : i32
    scf.if %cond3A_81 {
      "tpu.region"() ({
        %run_scoped3A_118 = tpu.sem_alloc : memref<!tpu.dma_semaphore, #tpu.memory_space<semaphore_mem>>
        %dma_start3A = arith.constant 0 : i32
        %dma_start3A_119 = tpu.memref_slice %arg7[%add3A_71, %dma_start3A] : memref<10240x128xf32, #tpu.memory_space<hbm>> -> memref<128x128xf32, #tpu.memory_space<hbm>>
        %dma_start3A_120 = arith.constant 0 : i32
        %dma_start3A_121 = tpu.memref_slice %arg7[%add3A_71, %dma_start3A_120] : memref<10240x128xf32, #tpu.memory_space<hbm>> -> memref<128x128xf32, #tpu.memory_space<hbm>>
        tpu.enqueue_dma source(%arg12 : memref<128x128xf32, #tpu.memory_space<vmem>>) target(%dma_start3A_121 : memref<128x128xf32, #tpu.memory_space<hbm>>) target_semaphore(%run_scoped3A_118 : memref<!tpu.dma_semaphore, #tpu.memory_space<semaphore_mem>>)
        %dma_wait3A_122 = arith.constant 0 : i32
        %dma_wait3A_123 = tpu.memref_slice %arg7[%add3A_71, %dma_wait3A_122] : memref<10240x128xf32, #tpu.memory_space<hbm>> -> memref<128x128xf32, #tpu.memory_space<hbm>>
        %dma_wait3A_124 = arith.constant 0 : i32
        %dma_wait3A_125 = tpu.memref_slice %arg7[%add3A_71, %dma_wait3A_124] : memref<10240x128xf32, #tpu.memory_space<hbm>> -> memref<128x128xf32, #tpu.memory_space<hbm>>
        tpu.wait_dma2 semaphore(%run_scoped3A_118 : memref<!tpu.dma_semaphore, #tpu.memory_space<semaphore_mem>>) src(%arg12 : memref<128x128xf32, #tpu.memory_space<vmem>>) dst(%dma_wait3A_125 : memref<128x128xf32, #tpu.memory_space<hbm>>)
        tpu.yield
      }) : () -> ()
    } else {
    }
    %add3A_82 = arith.constant 256 : i32
    %add3A_83 = arith.addi %mul3A_6, %add3A_82 : i32
    "tpu.region"() ({
      %run_scoped3A_118 = tpu.sem_alloc : memref<!tpu.dma_semaphore, #tpu.memory_space<semaphore_mem>>
      %dma_start3A = arith.constant 0 : i32
      %dma_start3A_119 = tpu.memref_slice %arg8[%add3A_83, %dma_start3A] : memref<10240x128xf32, #tpu.memory_space<vmem_shared>> -> memref<128x128xf32, #tpu.memory_space<vmem_shared>>
      %dma_start3A_120 = arith.constant 0 : i32
      %dma_start3A_121 = tpu.memref_slice %arg8[%add3A_83, %dma_start3A_120] : memref<10240x128xf32, #tpu.memory_space<vmem_shared>> -> memref<128x128xf32, #tpu.memory_space<vmem_shared>>
      tpu.enqueue_dma source(%dma_start3A_121 : memref<128x128xf32, #tpu.memory_space<vmem_shared>>) target(%arg12 : memref<128x128xf32, #tpu.memory_space<vmem>>) target_semaphore(%run_scoped3A_118 : memref<!tpu.dma_semaphore, #tpu.memory_space<semaphore_mem>>)
      %dma_wait3A_122 = arith.constant 0 : i32
      %dma_wait3A_123 = tpu.memref_slice %arg8[%add3A_83, %dma_wait3A_122] : memref<10240x128xf32, #tpu.memory_space<vmem_shared>> -> memref<128x128xf32, #tpu.memory_space<vmem_shared>>
      %dma_wait3A_124 = arith.constant 0 : i32
      %dma_wait3A_125 = tpu.memref_slice %arg8[%add3A_83, %dma_wait3A_124] : memref<10240x128xf32, #tpu.memory_space<vmem_shared>> -> memref<128x128xf32, #tpu.memory_space<vmem_shared>>
      tpu.wait_dma2 semaphore(%run_scoped3A_118 : memref<!tpu.dma_semaphore, #tpu.memory_space<semaphore_mem>>) src(%dma_wait3A_125 : memref<128x128xf32, #tpu.memory_space<vmem_shared>>) dst(%arg12 : memref<128x128xf32, #tpu.memory_space<vmem>>)
      tpu.yield
    }) : () -> ()
    %eq3A_84 = arith.constant 0 : i32
    %eq3A_85 = arith.cmpi eq, %arg0, %eq3A_84 : i32
    %convert_element_type3A_86 = arith.extui %eq3A_85 : i1 to i32
    %cond3A_87 = arith.constant 0 : i32
    %cond3A_88 = arith.cmpi ne, %convert_element_type3A_86, %cond3A_87 : i32
    scf.if %cond3A_88 {
      "tpu.region"() ({
        %run_scoped3A_118 = tpu.sem_alloc : memref<!tpu.dma_semaphore, #tpu.memory_space<semaphore_mem>>
        %dma_start3A = arith.constant 0 : i32
        %dma_start3A_119 = tpu.memref_slice %arg6[%add3A_83, %dma_start3A] : memref<10240x128xf32, #tpu.memory_space<hbm>> -> memref<128x128xf32, #tpu.memory_space<hbm>>
        %dma_start3A_120 = arith.constant 0 : i32
        %dma_start3A_121 = tpu.memref_slice %arg6[%add3A_83, %dma_start3A_120] : memref<10240x128xf32, #tpu.memory_space<hbm>> -> memref<128x128xf32, #tpu.memory_space<hbm>>
        tpu.enqueue_dma source(%arg12 : memref<128x128xf32, #tpu.memory_space<vmem>>) target(%dma_start3A_121 : memref<128x128xf32, #tpu.memory_space<hbm>>) target_semaphore(%run_scoped3A_118 : memref<!tpu.dma_semaphore, #tpu.memory_space<semaphore_mem>>)
        %dma_wait3A_122 = arith.constant 0 : i32
        %dma_wait3A_123 = tpu.memref_slice %arg6[%add3A_83, %dma_wait3A_122] : memref<10240x128xf32, #tpu.memory_space<hbm>> -> memref<128x128xf32, #tpu.memory_space<hbm>>
        %dma_wait3A_124 = arith.constant 0 : i32
        %dma_wait3A_125 = tpu.memref_slice %arg6[%add3A_83, %dma_wait3A_124] : memref<10240x128xf32, #tpu.memory_space<hbm>> -> memref<128x128xf32, #tpu.memory_space<hbm>>
        tpu.wait_dma2 semaphore(%run_scoped3A_118 : memref<!tpu.dma_semaphore, #tpu.memory_space<semaphore_mem>>) src(%arg12 : memref<128x128xf32, #tpu.memory_space<vmem>>) dst(%dma_wait3A_125 : memref<128x128xf32, #tpu.memory_space<hbm>>)
        tpu.yield
      }) : () -> ()
    } else {
    }
    %eq3A_89 = arith.constant 1 : i32
    %eq3A_90 = arith.cmpi eq, %arg0, %eq3A_89 : i32
    %convert_element_type3A_91 = arith.extui %eq3A_90 : i1 to i32
    %cond3A_92 = arith.constant 0 : i32
    %cond3A_93 = arith.cmpi ne, %convert_element_type3A_91, %cond3A_92 : i32
    scf.if %cond3A_93 {
      "tpu.region"() ({
        %run_scoped3A_118 = tpu.sem_alloc : memref<!tpu.dma_semaphore, #tpu.memory_space<semaphore_mem>>
        %dma_start3A = arith.constant 0 : i32
        %dma_start3A_119 = tpu.memref_slice %arg7[%add3A_83, %dma_start3A] : memref<10240x128xf32, #tpu.memory_space<hbm>> -> memref<128x128xf32, #tpu.memory_space<hbm>>
        %dma_start3A_120 = arith.constant 0 : i32
        %dma_start3A_121 = tpu.memref_slice %arg7[%add3A_83, %dma_start3A_120] : memref<10240x128xf32, #tpu.memory_space<hbm>> -> memref<128x128xf32, #tpu.memory_space<hbm>>
        tpu.enqueue_dma source(%arg12 : memref<128x128xf32, #tpu.memory_space<vmem>>) target(%dma_start3A_121 : memref<128x128xf32, #tpu.memory_space<hbm>>) target_semaphore(%run_scoped3A_118 : memref<!tpu.dma_semaphore, #tpu.memory_space<semaphore_mem>>)
        %dma_wait3A_122 = arith.constant 0 : i32
        %dma_wait3A_123 = tpu.memref_slice %arg7[%add3A_83, %dma_wait3A_122] : memref<10240x128xf32, #tpu.memory_space<hbm>> -> memref<128x128xf32, #tpu.memory_space<hbm>>
        %dma_wait3A_124 = arith.constant 0 : i32
        %dma_wait3A_125 = tpu.memref_slice %arg7[%add3A_83, %dma_wait3A_124] : memref<10240x128xf32, #tpu.memory_space<hbm>> -> memref<128x128xf32, #tpu.memory_space<hbm>>
        tpu.wait_dma2 semaphore(%run_scoped3A_118 : memref<!tpu.dma_semaphore, #tpu.memory_space<semaphore_mem>>) src(%arg12 : memref<128x128xf32, #tpu.memory_space<vmem>>) dst(%dma_wait3A_125 : memref<128x128xf32, #tpu.memory_space<hbm>>)
        tpu.yield
      }) : () -> ()
    } else {
    }
    %add3A_94 = arith.constant 384 : i32
    %add3A_95 = arith.addi %mul3A_6, %add3A_94 : i32
    "tpu.region"() ({
      %run_scoped3A_118 = tpu.sem_alloc : memref<!tpu.dma_semaphore, #tpu.memory_space<semaphore_mem>>
      %dma_start3A = arith.constant 0 : i32
      %dma_start3A_119 = tpu.memref_slice %arg8[%add3A_95, %dma_start3A] : memref<10240x128xf32, #tpu.memory_space<vmem_shared>> -> memref<128x128xf32, #tpu.memory_space<vmem_shared>>
      %dma_start3A_120 = arith.constant 0 : i32
      %dma_start3A_121 = tpu.memref_slice %arg8[%add3A_95, %dma_start3A_120] : memref<10240x128xf32, #tpu.memory_space<vmem_shared>> -> memref<128x128xf32, #tpu.memory_space<vmem_shared>>
      tpu.enqueue_dma source(%dma_start3A_121 : memref<128x128xf32, #tpu.memory_space<vmem_shared>>) target(%arg12 : memref<128x128xf32, #tpu.memory_space<vmem>>) target_semaphore(%run_scoped3A_118 : memref<!tpu.dma_semaphore, #tpu.memory_space<semaphore_mem>>)
      %dma_wait3A_122 = arith.constant 0 : i32
      %dma_wait3A_123 = tpu.memref_slice %arg8[%add3A_95, %dma_wait3A_122] : memref<10240x128xf32, #tpu.memory_space<vmem_shared>> -> memref<128x128xf32, #tpu.memory_space<vmem_shared>>
      %dma_wait3A_124 = arith.constant 0 : i32
      %dma_wait3A_125 = tpu.memref_slice %arg8[%add3A_95, %dma_wait3A_124] : memref<10240x128xf32, #tpu.memory_space<vmem_shared>> -> memref<128x128xf32, #tpu.memory_space<vmem_shared>>
      tpu.wait_dma2 semaphore(%run_scoped3A_118 : memref<!tpu.dma_semaphore, #tpu.memory_space<semaphore_mem>>) src(%dma_wait3A_125 : memref<128x128xf32, #tpu.memory_space<vmem_shared>>) dst(%arg12 : memref<128x128xf32, #tpu.memory_space<vmem>>)
      tpu.yield
    }) : () -> ()
    %eq3A_96 = arith.constant 0 : i32
    %eq3A_97 = arith.cmpi eq, %arg0, %eq3A_96 : i32
    %convert_element_type3A_98 = arith.extui %eq3A_97 : i1 to i32
    %cond3A_99 = arith.constant 0 : i32
    %cond3A_100 = arith.cmpi ne, %convert_element_type3A_98, %cond3A_99 : i32
    scf.if %cond3A_100 {
      "tpu.region"() ({
        %run_scoped3A_118 = tpu.sem_alloc : memref<!tpu.dma_semaphore, #tpu.memory_space<semaphore_mem>>
        %dma_start3A = arith.constant 0 : i32
        %dma_start3A_119 = tpu.memref_slice %arg6[%add3A_95, %dma_start3A] : memref<10240x128xf32, #tpu.memory_space<hbm>> -> memref<128x128xf32, #tpu.memory_space<hbm>>
        %dma_start3A_120 = arith.constant 0 : i32
        %dma_start3A_121 = tpu.memref_slice %arg6[%add3A_95, %dma_start3A_120] : memref<10240x128xf32, #tpu.memory_space<hbm>> -> memref<128x128xf32, #tpu.memory_space<hbm>>
        tpu.enqueue_dma source(%arg12 : memref<128x128xf32, #tpu.memory_space<vmem>>) target(%dma_start3A_121 : memref<128x128xf32, #tpu.memory_space<hbm>>) target_semaphore(%run_scoped3A_118 : memref<!tpu.dma_semaphore, #tpu.memory_space<semaphore_mem>>)
        %dma_wait3A_122 = arith.constant 0 : i32
        %dma_wait3A_123 = tpu.memref_slice %arg6[%add3A_95, %dma_wait3A_122] : memref<10240x128xf32, #tpu.memory_space<hbm>> -> memref<128x128xf32, #tpu.memory_space<hbm>>
        %dma_wait3A_124 = arith.constant 0 : i32
        %dma_wait3A_125 = tpu.memref_slice %arg6[%add3A_95, %dma_wait3A_124] : memref<10240x128xf32, #tpu.memory_space<hbm>> -> memref<128x128xf32, #tpu.memory_space<hbm>>
        tpu.wait_dma2 semaphore(%run_scoped3A_118 : memref<!tpu.dma_semaphore, #tpu.memory_space<semaphore_mem>>) src(%arg12 : memref<128x128xf32, #tpu.memory_space<vmem>>) dst(%dma_wait3A_125 : memref<128x128xf32, #tpu.memory_space<hbm>>)
        tpu.yield
      }) : () -> ()
    } else {
    }
    %eq3A_101 = arith.constant 1 : i32
    %eq3A_102 = arith.cmpi eq, %arg0, %eq3A_101 : i32
    %convert_element_type3A_103 = arith.extui %eq3A_102 : i1 to i32
    %cond3A_104 = arith.constant 0 : i32
    %cond3A_105 = arith.cmpi ne, %convert_element_type3A_103, %cond3A_104 : i32
    scf.if %cond3A_105 {
      "tpu.region"() ({
        %run_scoped3A_118 = tpu.sem_alloc : memref<!tpu.dma_semaphore, #tpu.memory_space<semaphore_mem>>
        %dma_start3A = arith.constant 0 : i32
        %dma_start3A_119 = tpu.memref_slice %arg7[%add3A_95, %dma_start3A] : memref<10240x128xf32, #tpu.memory_space<hbm>> -> memref<128x128xf32, #tpu.memory_space<hbm>>
        %dma_start3A_120 = arith.constant 0 : i32
        %dma_start3A_121 = tpu.memref_slice %arg7[%add3A_95, %dma_start3A_120] : memref<10240x128xf32, #tpu.memory_space<hbm>> -> memref<128x128xf32, #tpu.memory_space<hbm>>
        tpu.enqueue_dma source(%arg12 : memref<128x128xf32, #tpu.memory_space<vmem>>) target(%dma_start3A_121 : memref<128x128xf32, #tpu.memory_space<hbm>>) target_semaphore(%run_scoped3A_118 : memref<!tpu.dma_semaphore, #tpu.memory_space<semaphore_mem>>)
        %dma_wait3A_122 = arith.constant 0 : i32
        %dma_wait3A_123 = tpu.memref_slice %arg7[%add3A_95, %dma_wait3A_122] : memref<10240x128xf32, #tpu.memory_space<hbm>> -> memref<128x128xf32, #tpu.memory_space<hbm>>
        %dma_wait3A_124 = arith.constant 0 : i32
        %dma_wait3A_125 = tpu.memref_slice %arg7[%add3A_95, %dma_wait3A_124] : memref<10240x128xf32, #tpu.memory_space<hbm>> -> memref<128x128xf32, #tpu.memory_space<hbm>>
        tpu.wait_dma2 semaphore(%run_scoped3A_118 : memref<!tpu.dma_semaphore, #tpu.memory_space<semaphore_mem>>) src(%arg12 : memref<128x128xf32, #tpu.memory_space<vmem>>) dst(%dma_wait3A_125 : memref<128x128xf32, #tpu.memory_space<hbm>>)
        tpu.yield
      }) : () -> ()
    } else {
    }
    %add3A_106 = arith.constant 512 : i32
    %add3A_107 = arith.addi %mul3A_6, %add3A_106 : i32
    "tpu.region"() ({
      %run_scoped3A_118 = tpu.sem_alloc : memref<!tpu.dma_semaphore, #tpu.memory_space<semaphore_mem>>
      %dma_start3A = arith.constant 0 : i32
      %dma_start3A_119 = tpu.memref_slice %arg8[%add3A_107, %dma_start3A] : memref<10240x128xf32, #tpu.memory_space<vmem_shared>> -> memref<128x128xf32, #tpu.memory_space<vmem_shared>>
      %dma_start3A_120 = arith.constant 0 : i32
      %dma_start3A_121 = tpu.memref_slice %arg8[%add3A_107, %dma_start3A_120] : memref<10240x128xf32, #tpu.memory_space<vmem_shared>> -> memref<128x128xf32, #tpu.memory_space<vmem_shared>>
      tpu.enqueue_dma source(%dma_start3A_121 : memref<128x128xf32, #tpu.memory_space<vmem_shared>>) target(%arg12 : memref<128x128xf32, #tpu.memory_space<vmem>>) target_semaphore(%run_scoped3A_118 : memref<!tpu.dma_semaphore, #tpu.memory_space<semaphore_mem>>)
      %dma_wait3A_122 = arith.constant 0 : i32
      %dma_wait3A_123 = tpu.memref_slice %arg8[%add3A_107, %dma_wait3A_122] : memref<10240x128xf32, #tpu.memory_space<vmem_shared>> -> memref<128x128xf32, #tpu.memory_space<vmem_shared>>
      %dma_wait3A_124 = arith.constant 0 : i32
      %dma_wait3A_125 = tpu.memref_slice %arg8[%add3A_107, %dma_wait3A_124] : memref<10240x128xf32, #tpu.memory_space<vmem_shared>> -> memref<128x128xf32, #tpu.memory_space<vmem_shared>>
      tpu.wait_dma2 semaphore(%run_scoped3A_118 : memref<!tpu.dma_semaphore, #tpu.memory_space<semaphore_mem>>) src(%dma_wait3A_125 : memref<128x128xf32, #tpu.memory_space<vmem_shared>>) dst(%arg12 : memref<128x128xf32, #tpu.memory_space<vmem>>)
      tpu.yield
    }) : () -> ()
    %eq3A_108 = arith.constant 0 : i32
    %eq3A_109 = arith.cmpi eq, %arg0, %eq3A_108 : i32
    %convert_element_type3A_110 = arith.extui %eq3A_109 : i1 to i32
    %cond3A_111 = arith.constant 0 : i32
    %cond3A_112 = arith.cmpi ne, %convert_element_type3A_110, %cond3A_111 : i32
    scf.if %cond3A_112 {
      "tpu.region"() ({
        %run_scoped3A_118 = tpu.sem_alloc : memref<!tpu.dma_semaphore, #tpu.memory_space<semaphore_mem>>
        %dma_start3A = arith.constant 0 : i32
        %dma_start3A_119 = tpu.memref_slice %arg6[%add3A_107, %dma_start3A] : memref<10240x128xf32, #tpu.memory_space<hbm>> -> memref<128x128xf32, #tpu.memory_space<hbm>>
        %dma_start3A_120 = arith.constant 0 : i32
        %dma_start3A_121 = tpu.memref_slice %arg6[%add3A_107, %dma_start3A_120] : memref<10240x128xf32, #tpu.memory_space<hbm>> -> memref<128x128xf32, #tpu.memory_space<hbm>>
        tpu.enqueue_dma source(%arg12 : memref<128x128xf32, #tpu.memory_space<vmem>>) target(%dma_start3A_121 : memref<128x128xf32, #tpu.memory_space<hbm>>) target_semaphore(%run_scoped3A_118 : memref<!tpu.dma_semaphore, #tpu.memory_space<semaphore_mem>>)
        %dma_wait3A_122 = arith.constant 0 : i32
        %dma_wait3A_123 = tpu.memref_slice %arg6[%add3A_107, %dma_wait3A_122] : memref<10240x128xf32, #tpu.memory_space<hbm>> -> memref<128x128xf32, #tpu.memory_space<hbm>>
        %dma_wait3A_124 = arith.constant 0 : i32
        %dma_wait3A_125 = tpu.memref_slice %arg6[%add3A_107, %dma_wait3A_124] : memref<10240x128xf32, #tpu.memory_space<hbm>> -> memref<128x128xf32, #tpu.memory_space<hbm>>
        tpu.wait_dma2 semaphore(%run_scoped3A_118 : memref<!tpu.dma_semaphore, #tpu.memory_space<semaphore_mem>>) src(%arg12 : memref<128x128xf32, #tpu.memory_space<vmem>>) dst(%dma_wait3A_125 : memref<128x128xf32, #tpu.memory_space<hbm>>)
        tpu.yield
      }) : () -> ()
    } else {
    }
    %eq3A_113 = arith.constant 1 : i32
    %eq3A_114 = arith.cmpi eq, %arg0, %eq3A_113 : i32
    %convert_element_type3A_115 = arith.extui %eq3A_114 : i1 to i32
    %cond3A_116 = arith.constant 0 : i32
    %cond3A_117 = arith.cmpi ne, %convert_element_type3A_115, %cond3A_116 : i32
    scf.if %cond3A_117 {
      "tpu.region"() ({
        %run_scoped3A_118 = tpu.sem_alloc : memref<!tpu.dma_semaphore, #tpu.memory_space<semaphore_mem>>
        %dma_start3A = arith.constant 0 : i32
        %dma_start3A_119 = tpu.memref_slice %arg7[%add3A_107, %dma_start3A] : memref<10240x128xf32, #tpu.memory_space<hbm>> -> memref<128x128xf32, #tpu.memory_space<hbm>>
        %dma_start3A_120 = arith.constant 0 : i32
        %dma_start3A_121 = tpu.memref_slice %arg7[%add3A_107, %dma_start3A_120] : memref<10240x128xf32, #tpu.memory_space<hbm>> -> memref<128x128xf32, #tpu.memory_space<hbm>>
        tpu.enqueue_dma source(%arg12 : memref<128x128xf32, #tpu.memory_space<vmem>>) target(%dma_start3A_121 : memref<128x128xf32, #tpu.memory_space<hbm>>) target_semaphore(%run_scoped3A_118 : memref<!tpu.dma_semaphore, #tpu.memory_space<semaphore_mem>>)
        %dma_wait3A_122 = arith.constant 0 : i32
        %dma_wait3A_123 = tpu.memref_slice %arg7[%add3A_107, %dma_wait3A_122] : memref<10240x128xf32, #tpu.memory_space<hbm>> -> memref<128x128xf32, #tpu.memory_space<hbm>>
        %dma_wait3A_124 = arith.constant 0 : i32
        %dma_wait3A_125 = tpu.memref_slice %arg7[%add3A_107, %dma_wait3A_124] : memref<10240x128xf32, #tpu.memory_space<hbm>> -> memref<128x128xf32, #tpu.memory_space<hbm>>
        tpu.wait_dma2 semaphore(%run_scoped3A_118 : memref<!tpu.dma_semaphore, #tpu.memory_space<semaphore_mem>>) src(%arg12 : memref<128x128xf32, #tpu.memory_space<vmem>>) dst(%dma_wait3A_125 : memref<128x128xf32, #tpu.memory_space<hbm>>)
        tpu.yield
      }) : () -> ()
    } else {
    }
    return
  }
}

#map = affine_map<(d0, d1) -> (0, 0)>
#map1 = affine_map<(d0, d1) -> (0, 0, 0, 0)>
module attributes {stable_mosaic.version = 14 : i64} {
  func.func @_sc_body(%arg0: i32, %arg1: i32, %arg2: memref<10000x128xf32, #tpu.memory_space<hbm>>, %arg3: memref<10000x128xf32, #tpu.memory_space<hbm>>, %arg4: memref<16x2x40x128xi32, #tpu.memory_space<hbm>>, %arg5: memref<16x2x40x128xi32, #tpu.memory_space<hbm>>, %arg6: memref<10240x128xf32, #tpu.memory_space<hbm>>, %arg7: memref<10240x128xf32, #tpu.memory_space<hbm>>, %arg8: memref<10240x128xf32, #tpu.memory_space<vmem_shared>>, %arg9: memref<40x128xi32, #tpu.memory_space<vmem>>, %arg10: memref<40x128xi32, #tpu.memory_space<vmem>>, %arg11: memref<128x128xf32, #tpu.memory_space<vmem>>, %arg12: memref<128x128xf32, #tpu.memory_space<vmem>>, %arg13: memref<!tpu.dma_semaphore, #tpu.memory_space<semaphore_mem>>, %arg14: memref<!tpu.dma_semaphore, #tpu.memory_space<semaphore_mem>>, %arg15: memref<!tpu.dma_semaphore, #tpu.memory_space<semaphore_mem>>, %arg16: memref<!tpu.dma_semaphore, #tpu.memory_space<semaphore_mem>>) attributes {dimension_semantics = [#tpu.dimension_semantics<core_parallel>, #tpu.dimension_semantics<subcore_parallel>], iteration_bounds = array<i64: 2, 16>, scalar_prefetch = 0 : i64, scratch_operands = 9 : i64, tpu.core_type = #tpu.core_type<sc_vector_subcore>, window_params = [{transform_indices = #map}, {transform_indices = #map}, {transform_indices = #map1}, {transform_indices = #map1}, {transform_indices = #map}, {transform_indices = #map}]} {
    %scan3A = arith.constant 0 : i32
    %scan3A_0 = arith.constant 0 : i32
    %scan3A_1 = arith.constant 1024 : i32
    %scan3A_2 = arith.addi %scan3A_0, %scan3A_1 : i32
    %scan3A_3 = arith.constant 1 : i32
    %scan3A_4 = scf.for %scan3A_118 = %scan3A_0 to %scan3A_2 step %scan3A_3 iter_args(%scan3A_119 = %scan3A) -> (i32)  : i32 {
      %broadcast_in_dim3A = arith.constant 0.000000e+00 : f32
      %broadcast_in_dim3A_120 = vector.broadcast %broadcast_in_dim3A : f32 to vector<16xf32>
      %jit3A = arith.constant 8 : i32
      %div3A = arith.divsi %scan3A_118, %jit3A : i32
      %sign3A = arith.constant 0 : i32
      %sign3A_121 = arith.cmpi sgt, %scan3A_118, %sign3A : i32
      %sign3A_122 = arith.extui %sign3A_121 : i1 to i32
      %sign3A_123 = arith.constant 0 : i32
      %sign3A_124 = arith.cmpi slt, %scan3A_118, %sign3A_123 : i32
      %sign3A_125 = arith.extui %sign3A_124 : i1 to i32
      %sign3A_126 = arith.subi %sign3A_122, %sign3A_125 : i32
      %sign3A_127 = arith.constant 0 : i32
      %sign3A_128 = arith.cmpi sgt, %jit3A, %sign3A_127 : i32
      %sign3A_129 = arith.extui %sign3A_128 : i1 to i32
      %sign3A_130 = arith.constant 0 : i32
      %sign3A_131 = arith.cmpi slt, %jit3A, %sign3A_130 : i32
      %sign3A_132 = arith.extui %sign3A_131 : i1 to i32
      %sign3A_133 = arith.subi %sign3A_129, %sign3A_132 : i32
      %ne3A = arith.cmpi ne, %sign3A_126, %sign3A_133 : i32
      %rem3A = arith.remsi %scan3A_118, %jit3A : i32
      %ne3A_134 = arith.constant 0 : i32
      %ne3A_135 = arith.cmpi ne, %rem3A, %ne3A_134 : i32
      %and3A = arith.andi %ne3A, %ne3A_135 : i1
      %sub3A = arith.constant 1 : i32
      %sub3A_136 = arith.subi %div3A, %sub3A : i32
      %select_n3A = arith.select %and3A, %sub3A_136, %div3A : i32
      %jit3A_137 = arith.constant 8 : i32
      %eq3A_138 = arith.constant 0 : i32
      %eq3A_139 = arith.cmpi eq, %jit3A_137, %eq3A_138 : i32
      %jit3A_140 = arith.constant 1 : i32
      %select_n3A_141 = arith.select %eq3A_139, %jit3A_140, %jit3A_137 : i32
      %rem3A_142 = arith.remsi %scan3A_118, %select_n3A_141 : i32
      %ne3A_143 = arith.constant 0 : i32
      %ne3A_144 = arith.cmpi ne, %rem3A_142, %ne3A_143 : i32
      %lt3A = arith.constant 0 : i32
      %lt3A_145 = arith.cmpi slt, %rem3A_142, %lt3A : i32
      %lt3A_146 = arith.constant 0 : i32
      %lt3A_147 = arith.cmpi slt, %select_n3A_141, %lt3A_146 : i32
      %ne3A_148 = arith.xori %lt3A_145, %lt3A_147 : i1
      %and3A_149 = arith.andi %ne3A_148, %ne3A_144 : i1
      %add3A_150 = arith.addi %rem3A_142, %select_n3A_141 : i32
      %select_n3A_151 = arith.select %and3A_149, %add3A_150, %rem3A_142 : i32
      %mul3A_152 = arith.constant 16 : i32
      %mul3A_153 = arith.muli %select_n3A_151, %mul3A_152 : i32
      %swap3A = arith.index_cast %select_n3A : i32 to index
      %swap3A_154 = arith.index_cast %mul3A_153 : i32 to index
      %swap3A_155 = tpu.vector_load %arg11[%swap3A, %swap3A_154] {strides = array<i32>} : memref<128x128xf32, #tpu.memory_space<vmem>>, vector<1x16xf32>,
      %swap3A_156 = vector.shape_cast %swap3A_155 : vector<1x16xf32> to vector<16xf32>
      %swap3A_157 = vector.shape_cast %broadcast_in_dim3A_120 : vector<16xf32> to vector<1x16xf32>
      tpu.vector_store %arg11[%swap3A, %swap3A_154], %swap3A_157 {strides = array<i32>} : memref<128x128xf32, #tpu.memory_space<vmem>>, vector<1x16xf32>,
      %scan3A_158 = arith.constant 0 : i32
      scf.yield %scan3A_158 : i32
    }
    %scan3A_5 = arith.constant 1024 : i32
    %mul3A = arith.constant 640 : i32
    %mul3A_6 = arith.muli %arg1, %mul3A : i32
    %add3A = arith.constant 0 : i32
    %add3A_7 = arith.addi %mul3A_6, %add3A : i32
    "tpu.region"() ({
      %run_scoped3A_118 = tpu.sem_alloc : memref<!tpu.dma_semaphore, #tpu.memory_space<semaphore_mem>>
      %dma_start3A = arith.constant 0 : i32
      %dma_start3A_119 = tpu.memref_slice %arg8[%add3A_7, %dma_start3A] : memref<10240x128xf32, #tpu.memory_space<vmem_shared>> -> memref<128x128xf32, #tpu.memory_space<vmem_shared>>
      %dma_start3A_120 = arith.constant 0 : i32
      %dma_start3A_121 = tpu.memref_slice %arg8[%add3A_7, %dma_start3A_120] : memref<10240x128xf32, #tpu.memory_space<vmem_shared>> -> memref<128x128xf32, #tpu.memory_space<vmem_shared>>
      tpu.enqueue_dma source(%arg11 : memref<128x128xf32, #tpu.memory_space<vmem>>) target(%dma_start3A_121 : memref<128x128xf32, #tpu.memory_space<vmem_shared>>) target_semaphore(%run_scoped3A_118 : memref<!tpu.dma_semaphore, #tpu.memory_space<semaphore_mem>>)
      %dma_wait3A_122 = arith.constant 0 : i32
      %dma_wait3A_123 = tpu.memref_slice %arg8[%add3A_7, %dma_wait3A_122] : memref<10240x128xf32, #tpu.memory_space<vmem_shared>> -> memref<128x128xf32, #tpu.memory_space<vmem_shared>>
      %dma_wait3A_124 = arith.constant 0 : i32
      %dma_wait3A_125 = tpu.memref_slice %arg8[%add3A_7, %dma_wait3A_124] : memref<10240x128xf32, #tpu.memory_space<vmem_shared>> -> memref<128x128xf32, #tpu.memory_space<vmem_shared>>
      tpu.wait_dma2 semaphore(%run_scoped3A_118 : memref<!tpu.dma_semaphore, #tpu.memory_space<semaphore_mem>>) src(%arg11 : memref<128x128xf32, #tpu.memory_space<vmem>>) dst(%dma_wait3A_125 : memref<128x128xf32, #tpu.memory_space<vmem_shared>>)
      tpu.yield
    }) : () -> ()
    %add3A_8 = arith.constant 128 : i32
    %add3A_9 = arith.addi %mul3A_6, %add3A_8 : i32
    "tpu.region"() ({
      %run_scoped3A_118 = tpu.sem_alloc : memref<!tpu.dma_semaphore, #tpu.memory_space<semaphore_mem>>
      %dma_start3A = arith.constant 0 : i32
      %dma_start3A_119 = tpu.memref_slice %arg8[%add3A_9, %dma_start3A] : memref<10240x128xf32, #tpu.memory_space<vmem_shared>> -> memref<128x128xf32, #tpu.memory_space<vmem_shared>>
      %dma_start3A_120 = arith.constant 0 : i32
      %dma_start3A_121 = tpu.memref_slice %arg8[%add3A_9, %dma_start3A_120] : memref<10240x128xf32, #tpu.memory_space<vmem_shared>> -> memref<128x128xf32, #tpu.memory_space<vmem_shared>>
      tpu.enqueue_dma source(%arg11 : memref<128x128xf32, #tpu.memory_space<vmem>>) target(%dma_start3A_121 : memref<128x128xf32, #tpu.memory_space<vmem_shared>>) target_semaphore(%run_scoped3A_118 : memref<!tpu.dma_semaphore, #tpu.memory_space<semaphore_mem>>)
      %dma_wait3A_122 = arith.constant 0 : i32
      %dma_wait3A_123 = tpu.memref_slice %arg8[%add3A_9, %dma_wait3A_122] : memref<10240x128xf32, #tpu.memory_space<vmem_shared>> -> memref<128x128xf32, #tpu.memory_space<vmem_shared>>
      %dma_wait3A_124 = arith.constant 0 : i32
      %dma_wait3A_125 = tpu.memref_slice %arg8[%add3A_9, %dma_wait3A_124] : memref<10240x128xf32, #tpu.memory_space<vmem_shared>> -> memref<128x128xf32, #tpu.memory_space<vmem_shared>>
      tpu.wait_dma2 semaphore(%run_scoped3A_118 : memref<!tpu.dma_semaphore, #tpu.memory_space<semaphore_mem>>) src(%arg11 : memref<128x128xf32, #tpu.memory_space<vmem>>) dst(%dma_wait3A_125 : memref<128x128xf32, #tpu.memory_space<vmem_shared>>)
      tpu.yield
    }) : () -> ()
    %add3A_10 = arith.constant 256 : i32
    %add3A_11 = arith.addi %mul3A_6, %add3A_10 : i32
    "tpu.region"() ({
      %run_scoped3A_118 = tpu.sem_alloc : memref<!tpu.dma_semaphore, #tpu.memory_space<semaphore_mem>>
      %dma_start3A = arith.constant 0 : i32
      %dma_start3A_119 = tpu.memref_slice %arg8[%add3A_11, %dma_start3A] : memref<10240x128xf32, #tpu.memory_space<vmem_shared>> -> memref<128x128xf32, #tpu.memory_space<vmem_shared>>
      %dma_start3A_120 = arith.constant 0 : i32
      %dma_start3A_121 = tpu.memref_slice %arg8[%add3A_11, %dma_start3A_120] : memref<10240x128xf32, #tpu.memory_space<vmem_shared>> -> memref<128x128xf32, #tpu.memory_space<vmem_shared>>
      tpu.enqueue_dma source(%arg11 : memref<128x128xf32, #tpu.memory_space<vmem>>) target(%dma_start3A_121 : memref<128x128xf32, #tpu.memory_space<vmem_shared>>) target_semaphore(%run_scoped3A_118 : memref<!tpu.dma_semaphore, #tpu.memory_space<semaphore_mem>>)
      %dma_wait3A_122 = arith.constant 0 : i32
      %dma_wait3A_123 = tpu.memref_slice %arg8[%add3A_11, %dma_wait3A_122] : memref<10240x128xf32, #tpu.memory_space<vmem_shared>> -> memref<128x128xf32, #tpu.memory_space<vmem_shared>>
      %dma_wait3A_124 = arith.constant 0 : i32
      %dma_wait3A_125 = tpu.memref_slice %arg8[%add3A_11, %dma_wait3A_124] : memref<10240x128xf32, #tpu.memory_space<vmem_shared>> -> memref<128x128xf32, #tpu.memory_space<vmem_shared>>
      tpu.wait_dma2 semaphore(%run_scoped3A_118 : memref<!tpu.dma_semaphore, #tpu.memory_space<semaphore_mem>>) src(%arg11 : memref<128x128xf32, #tpu.memory_space<vmem>>) dst(%dma_wait3A_125 : memref<128x128xf32, #tpu.memory_space<vmem_shared>>)
      tpu.yield
    }) : () -> ()
    %add3A_12 = arith.constant 384 : i32
    %add3A_13 = arith.addi %mul3A_6, %add3A_12 : i32
    "tpu.region"() ({
      %run_scoped3A_118 = tpu.sem_alloc : memref<!tpu.dma_semaphore, #tpu.memory_space<semaphore_mem>>
      %dma_start3A = arith.constant 0 : i32
      %dma_start3A_119 = tpu.memref_slice %arg8[%add3A_13, %dma_start3A] : memref<10240x128xf32, #tpu.memory_space<vmem_shared>> -> memref<128x128xf32, #tpu.memory_space<vmem_shared>>
      %dma_start3A_120 = arith.constant 0 : i32
      %dma_start3A_121 = tpu.memref_slice %arg8[%add3A_13, %dma_start3A_120] : memref<10240x128xf32, #tpu.memory_space<vmem_shared>> -> memref<128x128xf32, #tpu.memory_space<vmem_shared>>
      tpu.enqueue_dma source(%arg11 : memref<128x128xf32, #tpu.memory_space<vmem>>) target(%dma_start3A_121 : memref<128x128xf32, #tpu.memory_space<vmem_shared>>) target_semaphore(%run_scoped3A_118 : memref<!tpu.dma_semaphore, #tpu.memory_space<semaphore_mem>>)
      %dma_wait3A_122 = arith.constant 0 : i32
      %dma_wait3A_123 = tpu.memref_slice %arg8[%add3A_13, %dma_wait3A_122] : memref<10240x128xf32, #tpu.memory_space<vmem_shared>> -> memref<128x128xf32, #tpu.memory_space<vmem_shared>>
      %dma_wait3A_124 = arith.constant 0 : i32
      %dma_wait3A_125 = tpu.memref_slice %arg8[%add3A_13, %dma_wait3A_124] : memref<10240x128xf32, #tpu.memory_space<vmem_shared>> -> memref<128x128xf32, #tpu.memory_space<vmem_shared>>
      tpu.wait_dma2 semaphore(%run_scoped3A_118 : memref<!tpu.dma_semaphore, #tpu.memory_space<semaphore_mem>>) src(%arg11 : memref<128x128xf32, #tpu.memory_space<vmem>>) dst(%dma_wait3A_125 : memref<128x128xf32, #tpu.memory_space<vmem_shared>>)
      tpu.yield
    }) : () -> ()
    %add3A_14 = arith.constant 512 : i32
    %add3A_15 = arith.addi %mul3A_6, %add3A_14 : i32
    "tpu.region"() ({
      %run_scoped3A_118 = tpu.sem_alloc : memref<!tpu.dma_semaphore, #tpu.memory_space<semaphore_mem>>
      %dma_start3A = arith.constant 0 : i32
      %dma_start3A_119 = tpu.memref_slice %arg8[%add3A_15, %dma_start3A] : memref<10240x128xf32, #tpu.memory_space<vmem_shared>> -> memref<128x128xf32, #tpu.memory_space<vmem_shared>>
      %dma_start3A_120 = arith.constant 0 : i32
      %dma_start3A_121 = tpu.memref_slice %arg8[%add3A_15, %dma_start3A_120] : memref<10240x128xf32, #tpu.memory_space<vmem_shared>> -> memref<128x128xf32, #tpu.memory_space<vmem_shared>>
      tpu.enqueue_dma source(%arg11 : memref<128x128xf32, #tpu.memory_space<vmem>>) target(%dma_start3A_121 : memref<128x128xf32, #tpu.memory_space<vmem_shared>>) target_semaphore(%run_scoped3A_118 : memref<!tpu.dma_semaphore, #tpu.memory_space<semaphore_mem>>)
      %dma_wait3A_122 = arith.constant 0 : i32
      %dma_wait3A_123 = tpu.memref_slice %arg8[%add3A_15, %dma_wait3A_122] : memref<10240x128xf32, #tpu.memory_space<vmem_shared>> -> memref<128x128xf32, #tpu.memory_space<vmem_shared>>
      %dma_wait3A_124 = arith.constant 0 : i32
      %dma_wait3A_125 = tpu.memref_slice %arg8[%add3A_15, %dma_wait3A_124] : memref<10240x128xf32, #tpu.memory_space<vmem_shared>> -> memref<128x128xf32, #tpu.memory_space<vmem_shared>>
      tpu.wait_dma2 semaphore(%run_scoped3A_118 : memref<!tpu.dma_semaphore, #tpu.memory_space<semaphore_mem>>) src(%arg11 : memref<128x128xf32, #tpu.memory_space<vmem>>) dst(%dma_wait3A_125 : memref<128x128xf32, #tpu.memory_space<vmem_shared>>)
      tpu.yield
    }) : () -> ()
    %run_scoped3A = arith.constant 0 : i32
    "tpu.region"() ({
      %run_scoped3A_118 = tpu.sem_alloc : memref<!tpu.dma_semaphore, #tpu.memory_space<semaphore_mem>>
      %dma_start3A = arith.constant 0 : i32
      %dma_start3A_119 = arith.constant 0 : i32
      %dma_start3A_120 = tpu.memref_slice %arg4[%arg1, %run_scoped3A, %dma_start3A, %dma_start3A_119] : memref<16x2x40x128xi32, #tpu.memory_space<hbm>> -> memref<1x1x40x128xi32, #tpu.memory_space<hbm>>
      %dma_start3A_121 = tpu.memref_squeeze %dma_start3A_120 : memref<1x1x40x128xi32, #tpu.memory_space<hbm>> -> memref<40x128xi32, #tpu.memory_space<hbm>>
      %dma_start3A_122 = arith.constant 0 : i32
      %dma_start3A_123 = arith.constant 0 : i32
      %dma_start3A_124 = tpu.memref_slice %arg4[%arg1, %run_scoped3A, %dma_start3A_122, %dma_start3A_123] : memref<16x2x40x128xi32, #tpu.memory_space<hbm>> -> memref<1x1x40x128xi32, #tpu.memory_space<hbm>>
      %dma_start3A_125 = tpu.memref_squeeze %dma_start3A_124 : memref<1x1x40x128xi32, #tpu.memory_space<hbm>> -> memref<40x128xi32, #tpu.memory_space<hbm>>
      tpu.enqueue_dma source(%dma_start3A_125 : memref<40x128xi32, #tpu.memory_space<hbm>>) target(%arg9 : memref<40x128xi32, #tpu.memory_space<vmem>>) target_semaphore(%run_scoped3A_118 : memref<!tpu.dma_semaphore, #tpu.memory_space<semaphore_mem>>)
      %dma_wait3A_126 = arith.constant 0 : i32
      %dma_wait3A_127 = arith.constant 0 : i32
      %dma_wait3A_128 = tpu.memref_slice %arg4[%arg1, %run_scoped3A, %dma_wait3A_126, %dma_wait3A_127] : memref<16x2x40x128xi32, #tpu.memory_space<hbm>> -> memref<1x1x40x128xi32, #tpu.memory_space<hbm>>
      %dma_wait3A_129 = tpu.memref_squeeze %dma_wait3A_128 : memref<1x1x40x128xi32, #tpu.memory_space<hbm>> -> memref<40x128xi32, #tpu.memory_space<hbm>>
      %dma_wait3A_130 = arith.constant 0 : i32
      %dma_wait3A_131 = arith.constant 0 : i32
      %dma_wait3A_132 = tpu.memref_slice %arg4[%arg1, %run_scoped3A, %dma_wait3A_130, %dma_wait3A_131] : memref<16x2x40x128xi32, #tpu.memory_space<hbm>> -> memref<1x1x40x128xi32, #tpu.memory_space<hbm>>
      %dma_wait3A_133 = tpu.memref_squeeze %dma_wait3A_132 : memref<1x1x40x128xi32, #tpu.memory_space<hbm>> -> memref<40x128xi32, #tpu.memory_space<hbm>>
      tpu.wait_dma2 semaphore(%run_scoped3A_118 : memref<!tpu.dma_semaphore, #tpu.memory_space<semaphore_mem>>) src(%dma_wait3A_133 : memref<40x128xi32, #tpu.memory_space<hbm>>) dst(%arg9 : memref<40x128xi32, #tpu.memory_space<vmem>>)
      tpu.yield
    }) : () -> ()
    %run_scoped3A_16 = arith.constant 0 : i32
    "tpu.region"() ({
      %run_scoped3A_118 = tpu.sem_alloc : memref<!tpu.dma_semaphore, #tpu.memory_space<semaphore_mem>>
      %dma_start3A = arith.constant 0 : i32
      %dma_start3A_119 = arith.constant 0 : i32
      %dma_start3A_120 = tpu.memref_slice %arg5[%arg1, %run_scoped3A_16, %dma_start3A, %dma_start3A_119] : memref<16x2x40x128xi32, #tpu.memory_space<hbm>> -> memref<1x1x40x128xi32, #tpu.memory_space<hbm>>
      %dma_start3A_121 = tpu.memref_squeeze %dma_start3A_120 : memref<1x1x40x128xi32, #tpu.memory_space<hbm>> -> memref<40x128xi32, #tpu.memory_space<hbm>>
      %dma_start3A_122 = arith.constant 0 : i32
      %dma_start3A_123 = arith.constant 0 : i32
      %dma_start3A_124 = tpu.memref_slice %arg5[%arg1, %run_scoped3A_16, %dma_start3A_122, %dma_start3A_123] : memref<16x2x40x128xi32, #tpu.memory_space<hbm>> -> memref<1x1x40x128xi32, #tpu.memory_space<hbm>>
      %dma_start3A_125 = tpu.memref_squeeze %dma_start3A_124 : memref<1x1x40x128xi32, #tpu.memory_space<hbm>> -> memref<40x128xi32, #tpu.memory_space<hbm>>
      tpu.enqueue_dma source(%dma_start3A_125 : memref<40x128xi32, #tpu.memory_space<hbm>>) target(%arg10 : memref<40x128xi32, #tpu.memory_space<vmem>>) target_semaphore(%run_scoped3A_118 : memref<!tpu.dma_semaphore, #tpu.memory_space<semaphore_mem>>)
      %dma_wait3A_126 = arith.constant 0 : i32
      %dma_wait3A_127 = arith.constant 0 : i32
      %dma_wait3A_128 = tpu.memref_slice %arg5[%arg1, %run_scoped3A_16, %dma_wait3A_126, %dma_wait3A_127] : memref<16x2x40x128xi32, #tpu.memory_space<hbm>> -> memref<1x1x40x128xi32, #tpu.memory_space<hbm>>
      %dma_wait3A_129 = tpu.memref_squeeze %dma_wait3A_128 : memref<1x1x40x128xi32, #tpu.memory_space<hbm>> -> memref<40x128xi32, #tpu.memory_space<hbm>>
      %dma_wait3A_130 = arith.constant 0 : i32
      %dma_wait3A_131 = arith.constant 0 : i32
      %dma_wait3A_132 = tpu.memref_slice %arg5[%arg1, %run_scoped3A_16, %dma_wait3A_130, %dma_wait3A_131] : memref<16x2x40x128xi32, #tpu.memory_space<hbm>> -> memref<1x1x40x128xi32, #tpu.memory_space<hbm>>
      %dma_wait3A_133 = tpu.memref_squeeze %dma_wait3A_132 : memref<1x1x40x128xi32, #tpu.memory_space<hbm>> -> memref<40x128xi32, #tpu.memory_space<hbm>>
      tpu.wait_dma2 semaphore(%run_scoped3A_118 : memref<!tpu.dma_semaphore, #tpu.memory_space<semaphore_mem>>) src(%dma_wait3A_133 : memref<40x128xi32, #tpu.memory_space<hbm>>) dst(%arg10 : memref<40x128xi32, #tpu.memory_space<vmem>>)
      tpu.yield
    }) : () -> ()
    %barrier3A = arith.constant 0 : index
    tpu.barrier barrier_id(%barrier3A)
    %scan3A_17 = arith.constant 0 : i32
    %scan3A_18 = arith.constant 0 : i32
    %scan3A_19 = arith.constant 21 : i32
    %scan3A_20 = arith.addi %scan3A_18, %scan3A_19 : i32
    %scan3A_21 = arith.constant 1 : i32
    %scan3A_22 = scf.for %scan3A_118 = %scan3A_18 to %scan3A_20 step %scan3A_21 iter_args(%scan3A_119 = %scan3A_17) -> (i32)  : i32 {
      %mul3A_120 = arith.constant 2 : i32
      %mul3A_121 = arith.muli %scan3A_118, %mul3A_120 : i32
      %add3A_122 = arith.constant 0 : i32
      %add3A_123 = arith.addi %mul3A_121, %add3A_122 : i32
      %ge3A = arith.constant 2 : i32
      %ge3A_124 = arith.cmpi sge, %add3A_123, %ge3A : i32
      %lt3A = arith.constant 40 : i32
      %lt3A_125 = arith.cmpi slt, %add3A_123, %lt3A : i32
      %and3A = arith.andi %ge3A_124, %lt3A_125 : i1
      %convert_element_type3A_126 = arith.extui %and3A : i1 to i32
      %cond3A_127 = arith.constant 0 : i32
      %cond3A_128 = arith.cmpi ne, %convert_element_type3A_126, %cond3A_127 : i32
      scf.if %cond3A_128 {
        %dma_wait3A_171 = arith.constant 0 : i32
        %dma_wait3A_172 = arith.constant 0 : i32
        %dma_wait3A_173 = tpu.memref_slice %arg10[%dma_wait3A_171, %dma_wait3A_172] : memref<40x128xi32, #tpu.memory_space<vmem>> -> memref<1x128xi32, #tpu.memory_space<vmem>>
        %dma_wait3A_174 = tpu.memref_squeeze %dma_wait3A_173 : memref<1x128xi32, #tpu.memory_space<vmem>> -> memref<128xi32, #tpu.memory_space<vmem>>
        %dma_wait3A_175 = arith.constant 0 : i32
        %dma_wait3A_176 = arith.constant 0 : i32
        %dma_wait3A_177 = tpu.memref_slice %arg8[%dma_wait3A_175, %dma_wait3A_176] : memref<10240x128xf32, #tpu.memory_space<vmem_shared>> -> memref<10240x128xf32, #tpu.memory_space<vmem_shared>>
        tpu.wait_indirect_dma semaphore(%arg15 : memref<!tpu.dma_semaphore, #tpu.memory_space<semaphore_mem>>) src(%arg11 : memref<128x128xf32, #tpu.memory_space<vmem>>) dst(%dma_wait3A_177 : memref<10240x128xf32, #tpu.memory_space<vmem_shared>>)
      } else {
      }
      %lt3A_129 = arith.constant 40 : i32
      %lt3A_130 = arith.cmpi slt, %add3A_123, %lt3A_129 : i32
      %convert_element_type3A_131 = arith.extui %lt3A_130 : i1 to i32
      %cond3A_132 = arith.constant 0 : i32
      %cond3A_133 = arith.cmpi ne, %convert_element_type3A_131, %cond3A_132 : i32
      scf.if %cond3A_133 {
        %eq3A_171 = arith.constant 0 : i32
        %eq3A_172 = arith.cmpi eq, %arg0, %eq3A_171 : i32
        %convert_element_type3A_173 = arith.extui %eq3A_172 : i1 to i32
        %cond3A_174 = arith.constant 0 : i32
        %cond3A_175 = arith.cmpi ne, %convert_element_type3A_173, %cond3A_174 : i32
        scf.if %cond3A_175 {
          %mul3A_181 = arith.constant 8 : i32
          %mul3A_182 = arith.muli %add3A_123, %mul3A_181 : i32
          %dma_start3A = arith.constant 0 : i32
          %dma_start3A_183 = tpu.memref_slice %arg2[%mul3A_182, %dma_start3A] : memref<10000x128xf32, #tpu.memory_space<hbm>> -> memref<128x128xf32, #tpu.memory_space<hbm>>
          %dma_start3A_184 = arith.constant 0 : i32
          %dma_start3A_185 = tpu.memref_slice %arg2[%mul3A_182, %dma_start3A_184] : memref<10000x128xf32, #tpu.memory_space<hbm>> -> memref<128x128xf32, #tpu.memory_space<hbm>>
          tpu.enqueue_dma source(%dma_start3A_185 : memref<128x128xf32, #tpu.memory_space<hbm>>) target(%arg11 : memref<128x128xf32, #tpu.memory_space<vmem>>) target_semaphore(%arg13 : memref<!tpu.dma_semaphore, #tpu.memory_space<semaphore_mem>>)
        } else {
        }
        %eq3A_176 = arith.constant 1 : i32
        %eq3A_177 = arith.cmpi eq, %arg0, %eq3A_176 : i32
        %convert_element_type3A_178 = arith.extui %eq3A_177 : i1 to i32
        %cond3A_179 = arith.constant 0 : i32
        %cond3A_180 = arith.cmpi ne, %convert_element_type3A_178, %cond3A_179 : i32
        scf.if %cond3A_180 {
          %mul3A_181 = arith.constant 8 : i32
          %mul3A_182 = arith.muli %add3A_123, %mul3A_181 : i32
          %dma_start3A = arith.constant 0 : i32
          %dma_start3A_183 = tpu.memref_slice %arg3[%mul3A_182, %dma_start3A] : memref<10000x128xf32, #tpu.memory_space<hbm>> -> memref<128x128xf32, #tpu.memory_space<hbm>>
          %dma_start3A_184 = arith.constant 0 : i32
          %dma_start3A_185 = tpu.memref_slice %arg3[%mul3A_182, %dma_start3A_184] : memref<10000x128xf32, #tpu.memory_space<hbm>> -> memref<128x128xf32, #tpu.memory_space<hbm>>
          tpu.enqueue_dma source(%dma_start3A_185 : memref<128x128xf32, #tpu.memory_space<hbm>>) target(%arg11 : memref<128x128xf32, #tpu.memory_space<vmem>>) target_semaphore(%arg13 : memref<!tpu.dma_semaphore, #tpu.memory_space<semaphore_mem>>)
        } else {
        }
      } else {
      }
      %sub3A = arith.constant 1 : i32
      %sub3A_134 = arith.subi %add3A_123, %sub3A : i32
      %ge3A_135 = arith.constant 0 : i32
      %ge3A_136 = arith.cmpi sge, %sub3A_134, %ge3A_135 : i32
      %lt3A_137 = arith.constant 40 : i32
      %lt3A_138 = arith.cmpi slt, %sub3A_134, %lt3A_137 : i32
      %and3A_139 = arith.andi %ge3A_136, %lt3A_138 : i1
      %convert_element_type3A_140 = arith.extui %and3A_139 : i1 to i32
      %cond3A_141 = arith.constant 0 : i32
      %cond3A_142 = arith.cmpi ne, %convert_element_type3A_140, %cond3A_141 : i32
      scf.if %cond3A_142 {
        %dma_wait3A_171 = arith.constant 0 : i32
        %dma_wait3A_172 = arith.constant 0 : i32
        %dma_wait3A_173 = tpu.memref_slice %arg9[%dma_wait3A_171, %dma_wait3A_172] : memref<40x128xi32, #tpu.memory_space<vmem>> -> memref<1x128xi32, #tpu.memory_space<vmem>>
        %dma_wait3A_174 = tpu.memref_squeeze %dma_wait3A_173 : memref<1x128xi32, #tpu.memory_space<vmem>> -> memref<128xi32, #tpu.memory_space<vmem>>
        %dma_wait3A_175 = arith.constant 0 : i32
        %dma_wait3A_176 = arith.constant 0 : i32
        %dma_wait3A_177 = tpu.memref_slice %arg2[%dma_wait3A_175, %dma_wait3A_176] : memref<10000x128xf32, #tpu.memory_space<hbm>> -> memref<10000x128xf32, #tpu.memory_space<hbm>>
        tpu.wait_indirect_dma semaphore(%arg14 : memref<!tpu.dma_semaphore, #tpu.memory_space<semaphore_mem>>) src(%dma_wait3A_177 : memref<10000x128xf32, #tpu.memory_space<hbm>>) dst(%arg12 : memref<128x128xf32, #tpu.memory_space<vmem>>)
        %dma_start3A = arith.constant 0 : i32
        %dma_start3A_178 = arith.constant 0 : i32
        %dma_start3A_179 = tpu.memref_slice %arg8[%dma_start3A, %dma_start3A_178] : memref<10240x128xf32, #tpu.memory_space<vmem_shared>> -> memref<128x128xf32, #tpu.memory_space<vmem_shared>>
        %dma_start3A_180 = arith.constant 0 : i32
        %dma_start3A_181 = arith.constant 0 : i32
        %dma_start3A_182 = tpu.memref_slice %arg8[%dma_start3A_180, %dma_start3A_181] : memref<10240x128xf32, #tpu.memory_space<vmem_shared>> -> memref<128x128xf32, #tpu.memory_space<vmem_shared>>
        tpu.enqueue_dma source(%arg12 : memref<128x128xf32, #tpu.memory_space<vmem>>) target(%dma_start3A_182 : memref<128x128xf32, #tpu.memory_space<vmem_shared>>) target_semaphore(%arg16 : memref<!tpu.dma_semaphore, #tpu.memory_space<semaphore_mem>>)
      } else {
      }
      %mul3A_143 = arith.constant 2 : i32
      %mul3A_144 = arith.muli %scan3A_118, %mul3A_143 : i32
      %add3A_145 = arith.constant 1 : i32
      %add3A_146 = arith.addi %mul3A_144, %add3A_145 : i32
      %ge3A_147 = arith.constant 2 : i32
      %ge3A_148 = arith.cmpi sge, %add3A_146, %ge3A_147 : i32
      %lt3A_149 = arith.constant 40 : i32
      %lt3A_150 = arith.cmpi slt, %add3A_146, %lt3A_149 : i32
      %and3A_151 = arith.andi %ge3A_148, %lt3A_150 : i1
      %convert_element_type3A_152 = arith.extui %and3A_151 : i1 to i32
      %cond3A_153 = arith.constant 0 : i32
      %cond3A_154 = arith.cmpi ne, %convert_element_type3A_152, %cond3A_153 : i32
      scf.if %cond3A_154 {
        %dma_wait3A_171 = arith.constant 0 : i32
        %dma_wait3A_172 = arith.constant 0 : i32
        %dma_wait3A_173 = tpu.memref_slice %arg10[%dma_wait3A_171, %dma_wait3A_172] : memref<40x128xi32, #tpu.memory_space<vmem>> -> memref<1x128xi32, #tpu.memory_space<vmem>>
        %dma_wait3A_174 = tpu.memref_squeeze %dma_wait3A_173 : memref<1x128xi32, #tpu.memory_space<vmem>> -> memref<128xi32, #tpu.memory_space<vmem>>
        %dma_wait3A_175 = arith.constant 0 : i32
        %dma_wait3A_176 = arith.constant 0 : i32
        %dma_wait3A_177 = tpu.memref_slice %arg8[%dma_wait3A_175, %dma_wait3A_176] : memref<10240x128xf32, #tpu.memory_space<vmem_shared>> -> memref<10240x128xf32, #tpu.memory_space<vmem_shared>>
        tpu.wait_indirect_dma semaphore(%arg16 : memref<!tpu.dma_semaphore, #tpu.memory_space<semaphore_mem>>) src(%arg12 : memref<128x128xf32, #tpu.memory_space<vmem>>) dst(%dma_wait3A_177 : memref<10240x128xf32, #tpu.memory_space<vmem_shared>>)
      } else {
      }
      %lt3A_155 = arith.constant 40 : i32
      %lt3A_156 = arith.cmpi slt, %add3A_146, %lt3A_155 : i32
      %convert_element_type3A_157 = arith.extui %lt3A_156 : i1 to i32
      %cond3A_158 = arith.constant 0 : i32
      %cond3A_159 = arith.cmpi ne, %convert_element_type3A_157, %cond3A_158 : i32
      scf.if %cond3A_159 {
        %eq3A_171 = arith.constant 0 : i32
        %eq3A_172 = arith.cmpi eq, %arg0, %eq3A_171 : i32
        %convert_element_type3A_173 = arith.extui %eq3A_172 : i1 to i32
        %cond3A_174 = arith.constant 0 : i32
        %cond3A_175 = arith.cmpi ne, %convert_element_type3A_173, %cond3A_174 : i32
        scf.if %cond3A_175 {
          %mul3A_181 = arith.constant 8 : i32
          %mul3A_182 = arith.muli %add3A_146, %mul3A_181 : i32
          %dma_start3A = arith.constant 0 : i32
          %dma_start3A_183 = tpu.memref_slice %arg2[%mul3A_182, %dma_start3A] : memref<10000x128xf32, #tpu.memory_space<hbm>> -> memref<128x128xf32, #tpu.memory_space<hbm>>
          %dma_start3A_184 = arith.constant 0 : i32
          %dma_start3A_185 = tpu.memref_slice %arg2[%mul3A_182, %dma_start3A_184] : memref<10000x128xf32, #tpu.memory_space<hbm>> -> memref<128x128xf32, #tpu.memory_space<hbm>>
          tpu.enqueue_dma source(%dma_start3A_185 : memref<128x128xf32, #tpu.memory_space<hbm>>) target(%arg12 : memref<128x128xf32, #tpu.memory_space<vmem>>) target_semaphore(%arg14 : memref<!tpu.dma_semaphore, #tpu.memory_space<semaphore_mem>>)
        } else {
        }
        %eq3A_176 = arith.constant 1 : i32
        %eq3A_177 = arith.cmpi eq, %arg0, %eq3A_176 : i32
        %convert_element_type3A_178 = arith.extui %eq3A_177 : i1 to i32
        %cond3A_179 = arith.constant 0 : i32
        %cond3A_180 = arith.cmpi ne, %convert_element_type3A_178, %cond3A_179 : i32
        scf.if %cond3A_180 {
          %mul3A_181 = arith.constant 8 : i32
          %mul3A_182 = arith.muli %add3A_146, %mul3A_181 : i32
          %dma_start3A = arith.constant 0 : i32
          %dma_start3A_183 = tpu.memref_slice %arg3[%mul3A_182, %dma_start3A] : memref<10000x128xf32, #tpu.memory_space<hbm>> -> memref<128x128xf32, #tpu.memory_space<hbm>>
          %dma_start3A_184 = arith.constant 0 : i32
          %dma_start3A_185 = tpu.memref_slice %arg3[%mul3A_182, %dma_start3A_184] : memref<10000x128xf32, #tpu.memory_space<hbm>> -> memref<128x128xf32, #tpu.memory_space<hbm>>
          tpu.enqueue_dma source(%dma_start3A_185 : memref<128x128xf32, #tpu.memory_space<hbm>>) target(%arg12 : memref<128x128xf32, #tpu.memory_space<vmem>>) target_semaphore(%arg14 : memref<!tpu.dma_semaphore, #tpu.memory_space<semaphore_mem>>)
        } else {
        }
      } else {
      }
      %sub3A_160 = arith.constant 1 : i32
      %sub3A_161 = arith.subi %add3A_146, %sub3A_160 : i32
      %ge3A_162 = arith.constant 0 : i32
      %ge3A_163 = arith.cmpi sge, %sub3A_161, %ge3A_162 : i32
      %lt3A_164 = arith.constant 40 : i32
      %lt3A_165 = arith.cmpi slt, %sub3A_161, %lt3A_164 : i32
      %and3A_166 = arith.andi %ge3A_163, %lt3A_165 : i1
      %convert_element_type3A_167 = arith.extui %and3A_166 : i1 to i32
      %cond3A_168 = arith.constant 0 : i32
      %cond3A_169 = arith.cmpi ne, %convert_element_type3A_167, %cond3A_168 : i32
      scf.if %cond3A_169 {
        %dma_wait3A_171 = arith.constant 0 : i32
        %dma_wait3A_172 = arith.constant 0 : i32
        %dma_wait3A_173 = tpu.memref_slice %arg9[%dma_wait3A_171, %dma_wait3A_172] : memref<40x128xi32, #tpu.memory_space<vmem>> -> memref<1x128xi32, #tpu.memory_space<vmem>>
        %dma_wait3A_174 = tpu.memref_squeeze %dma_wait3A_173 : memref<1x128xi32, #tpu.memory_space<vmem>> -> memref<128xi32, #tpu.memory_space<vmem>>
        %dma_wait3A_175 = arith.constant 0 : i32
        %dma_wait3A_176 = arith.constant 0 : i32
        %dma_wait3A_177 = tpu.memref_slice %arg2[%dma_wait3A_175, %dma_wait3A_176] : memref<10000x128xf32, #tpu.memory_space<hbm>> -> memref<10000x128xf32, #tpu.memory_space<hbm>>
        tpu.wait_indirect_dma semaphore(%arg13 : memref<!tpu.dma_semaphore, #tpu.memory_space<semaphore_mem>>) src(%dma_wait3A_177 : memref<10000x128xf32, #tpu.memory_space<hbm>>) dst(%arg11 : memref<128x128xf32, #tpu.memory_space<vmem>>)
        %dma_start3A = arith.constant 0 : i32
        %dma_start3A_178 = arith.constant 0 : i32
        %dma_start3A_179 = tpu.memref_slice %arg8[%dma_start3A, %dma_start3A_178] : memref<10240x128xf32, #tpu.memory_space<vmem_shared>> -> memref<128x128xf32, #tpu.memory_space<vmem_shared>>
        %dma_start3A_180 = arith.constant 0 : i32
        %dma_start3A_181 = arith.constant 0 : i32
        %dma_start3A_182 = tpu.memref_slice %arg8[%dma_start3A_180, %dma_start3A_181] : memref<10240x128xf32, #tpu.memory_space<vmem_shared>> -> memref<128x128xf32, #tpu.memory_space<vmem_shared>>
        tpu.enqueue_dma source(%arg11 : memref<128x128xf32, #tpu.memory_space<vmem>>) target(%dma_start3A_182 : memref<128x128xf32, #tpu.memory_space<vmem_shared>>) target_semaphore(%arg15 : memref<!tpu.dma_semaphore, #tpu.memory_space<semaphore_mem>>)
      } else {
      }
      %scan3A_170 = arith.constant 0 : i32
      scf.yield %scan3A_170 : i32
    }
    %scan3A_23 = arith.constant 21 : i32
    %dma_wait3A = arith.constant 0 : i32
    %dma_wait3A_24 = arith.constant 0 : i32
    %dma_wait3A_25 = tpu.memref_slice %arg10[%dma_wait3A, %dma_wait3A_24] : memref<40x128xi32, #tpu.memory_space<vmem>> -> memref<1x128xi32, #tpu.memory_space<vmem>>
    %dma_wait3A_26 = tpu.memref_squeeze %dma_wait3A_25 : memref<1x128xi32, #tpu.memory_space<vmem>> -> memref<128xi32, #tpu.memory_space<vmem>>
    %dma_wait3A_27 = arith.constant 0 : i32
    %dma_wait3A_28 = arith.constant 0 : i32
    %dma_wait3A_29 = tpu.memref_slice %arg8[%dma_wait3A_27, %dma_wait3A_28] : memref<10240x128xf32, #tpu.memory_space<vmem_shared>> -> memref<10240x128xf32, #tpu.memory_space<vmem_shared>>
    tpu.wait_indirect_dma semaphore(%arg16 : memref<!tpu.dma_semaphore, #tpu.memory_space<semaphore_mem>>) src(%arg12 : memref<128x128xf32, #tpu.memory_space<vmem>>) dst(%dma_wait3A_29 : memref<10240x128xf32, #tpu.memory_space<vmem_shared>>)
    %dma_wait3A_30 = arith.constant 0 : i32
    %dma_wait3A_31 = arith.constant 0 : i32
    %dma_wait3A_32 = tpu.memref_slice %arg10[%dma_wait3A_30, %dma_wait3A_31] : memref<40x128xi32, #tpu.memory_space<vmem>> -> memref<1x128xi32, #tpu.memory_space<vmem>>
    %dma_wait3A_33 = tpu.memref_squeeze %dma_wait3A_32 : memref<1x128xi32, #tpu.memory_space<vmem>> -> memref<128xi32, #tpu.memory_space<vmem>>
    %dma_wait3A_34 = arith.constant 0 : i32
    %dma_wait3A_35 = arith.constant 0 : i32
    %dma_wait3A_36 = tpu.memref_slice %arg8[%dma_wait3A_34, %dma_wait3A_35] : memref<10240x128xf32, #tpu.memory_space<vmem_shared>> -> memref<10240x128xf32, #tpu.memory_space<vmem_shared>>
    tpu.wait_indirect_dma semaphore(%arg15 : memref<!tpu.dma_semaphore, #tpu.memory_space<semaphore_mem>>) src(%arg11 : memref<128x128xf32, #tpu.memory_space<vmem>>) dst(%dma_wait3A_36 : memref<10240x128xf32, #tpu.memory_space<vmem_shared>>)
    %run_scoped3A_37 = arith.constant 1 : i32
    "tpu.region"() ({
      %run_scoped3A_118 = tpu.sem_alloc : memref<!tpu.dma_semaphore, #tpu.memory_space<semaphore_mem>>
      %dma_start3A = arith.constant 0 : i32
      %dma_start3A_119 = arith.constant 0 : i32
      %dma_start3A_120 = tpu.memref_slice %arg4[%arg1, %run_scoped3A_37, %dma_start3A, %dma_start3A_119] : memref<16x2x40x128xi32, #tpu.memory_space<hbm>> -> memref<1x1x40x128xi32, #tpu.memory_space<hbm>>
      %dma_start3A_121 = tpu.memref_squeeze %dma_start3A_120 : memref<1x1x40x128xi32, #tpu.memory_space<hbm>> -> memref<40x128xi32, #tpu.memory_space<hbm>>
      %dma_start3A_122 = arith.constant 0 : i32
      %dma_start3A_123 = arith.constant 0 : i32
      %dma_start3A_124 = tpu.memref_slice %arg4[%arg1, %run_scoped3A_37, %dma_start3A_122, %dma_start3A_123] : memref<16x2x40x128xi32, #tpu.memory_space<hbm>> -> memref<1x1x40x128xi32, #tpu.memory_space<hbm>>
      %dma_start3A_125 = tpu.memref_squeeze %dma_start3A_124 : memref<1x1x40x128xi32, #tpu.memory_space<hbm>> -> memref<40x128xi32, #tpu.memory_space<hbm>>
      tpu.enqueue_dma source(%dma_start3A_125 : memref<40x128xi32, #tpu.memory_space<hbm>>) target(%arg9 : memref<40x128xi32, #tpu.memory_space<vmem>>) target_semaphore(%run_scoped3A_118 : memref<!tpu.dma_semaphore, #tpu.memory_space<semaphore_mem>>)
      %dma_wait3A_126 = arith.constant 0 : i32
      %dma_wait3A_127 = arith.constant 0 : i32
      %dma_wait3A_128 = tpu.memref_slice %arg4[%arg1, %run_scoped3A_37, %dma_wait3A_126, %dma_wait3A_127] : memref<16x2x40x128xi32, #tpu.memory_space<hbm>> -> memref<1x1x40x128xi32, #tpu.memory_space<hbm>>
      %dma_wait3A_129 = tpu.memref_squeeze %dma_wait3A_128 : memref<1x1x40x128xi32, #tpu.memory_space<hbm>> -> memref<40x128xi32, #tpu.memory_space<hbm>>
      %dma_wait3A_130 = arith.constant 0 : i32
      %dma_wait3A_131 = arith.constant 0 : i32
      %dma_wait3A_132 = tpu.memref_slice %arg4[%arg1, %run_scoped3A_37, %dma_wait3A_130, %dma_wait3A_131] : memref<16x2x40x128xi32, #tpu.memory_space<hbm>> -> memref<1x1x40x128xi32, #tpu.memory_space<hbm>>
      %dma_wait3A_133 = tpu.memref_squeeze %dma_wait3A_132 : memref<1x1x40x128xi32, #tpu.memory_space<hbm>> -> memref<40x128xi32, #tpu.memory_space<hbm>>
      tpu.wait_dma2 semaphore(%run_scoped3A_118 : memref<!tpu.dma_semaphore, #tpu.memory_space<semaphore_mem>>) src(%dma_wait3A_133 : memref<40x128xi32, #tpu.memory_space<hbm>>) dst(%arg9 : memref<40x128xi32, #tpu.memory_space<vmem>>)
      tpu.yield
    }) : () -> ()
    %run_scoped3A_38 = arith.constant 1 : i32
    "tpu.region"() ({
      %run_scoped3A_118 = tpu.sem_alloc : memref<!tpu.dma_semaphore, #tpu.memory_space<semaphore_mem>>
      %dma_start3A = arith.constant 0 : i32
      %dma_start3A_119 = arith.constant 0 : i32
      %dma_start3A_120 = tpu.memref_slice %arg5[%arg1, %run_scoped3A_38, %dma_start3A, %dma_start3A_119] : memref<16x2x40x128xi32, #tpu.memory_space<hbm>> -> memref<1x1x40x128xi32, #tpu.memory_space<hbm>>
      %dma_start3A_121 = tpu.memref_squeeze %dma_start3A_120 : memref<1x1x40x128xi32, #tpu.memory_space<hbm>> -> memref<40x128xi32, #tpu.memory_space<hbm>>
      %dma_start3A_122 = arith.constant 0 : i32
      %dma_start3A_123 = arith.constant 0 : i32
      %dma_start3A_124 = tpu.memref_slice %arg5[%arg1, %run_scoped3A_38, %dma_start3A_122, %dma_start3A_123] : memref<16x2x40x128xi32, #tpu.memory_space<hbm>> -> memref<1x1x40x128xi32, #tpu.memory_space<hbm>>
      %dma_start3A_125 = tpu.memref_squeeze %dma_start3A_124 : memref<1x1x40x128xi32, #tpu.memory_space<hbm>> -> memref<40x128xi32, #tpu.memory_space<hbm>>
      tpu.enqueue_dma source(%dma_start3A_125 : memref<40x128xi32, #tpu.memory_space<hbm>>) target(%arg10 : memref<40x128xi32, #tpu.memory_space<vmem>>) target_semaphore(%run_scoped3A_118 : memref<!tpu.dma_semaphore, #tpu.memory_space<semaphore_mem>>)
      %dma_wait3A_126 = arith.constant 0 : i32
      %dma_wait3A_127 = arith.constant 0 : i32
      %dma_wait3A_128 = tpu.memref_slice %arg5[%arg1, %run_scoped3A_38, %dma_wait3A_126, %dma_wait3A_127] : memref<16x2x40x128xi32, #tpu.memory_space<hbm>> -> memref<1x1x40x128xi32, #tpu.memory_space<hbm>>
      %dma_wait3A_129 = tpu.memref_squeeze %dma_wait3A_128 : memref<1x1x40x128xi32, #tpu.memory_space<hbm>> -> memref<40x128xi32, #tpu.memory_space<hbm>>
      %dma_wait3A_130 = arith.constant 0 : i32
      %dma_wait3A_131 = arith.constant 0 : i32
      %dma_wait3A_132 = tpu.memref_slice %arg5[%arg1, %run_scoped3A_38, %dma_wait3A_130, %dma_wait3A_131] : memref<16x2x40x128xi32, #tpu.memory_space<hbm>> -> memref<1x1x40x128xi32, #tpu.memory_space<hbm>>
      %dma_wait3A_133 = tpu.memref_squeeze %dma_wait3A_132 : memref<1x1x40x128xi32, #tpu.memory_space<hbm>> -> memref<40x128xi32, #tpu.memory_space<hbm>>
      tpu.wait_dma2 semaphore(%run_scoped3A_118 : memref<!tpu.dma_semaphore, #tpu.memory_space<semaphore_mem>>) src(%dma_wait3A_133 : memref<40x128xi32, #tpu.memory_space<hbm>>) dst(%arg10 : memref<40x128xi32, #tpu.memory_space<vmem>>)
      tpu.yield
    }) : () -> ()
    %scan3A_39 = arith.constant 0 : i32
    %scan3A_40 = arith.constant 0 : i32
    %scan3A_41 = arith.constant 21 : i32
    %scan3A_42 = arith.addi %scan3A_40, %scan3A_41 : i32
    %scan3A_43 = arith.constant 1 : i32
    %scan3A_44 = scf.for %scan3A_118 = %scan3A_40 to %scan3A_42 step %scan3A_43 iter_args(%scan3A_119 = %scan3A_39) -> (i32)  : i32 {
      %mul3A_120 = arith.constant 2 : i32
      %mul3A_121 = arith.muli %scan3A_118, %mul3A_120 : i32
      %add3A_122 = arith.constant 0 : i32
      %add3A_123 = arith.addi %mul3A_121, %add3A_122 : i32
      %ge3A = arith.constant 2 : i32
      %ge3A_124 = arith.cmpi sge, %add3A_123, %ge3A : i32
      %lt3A = arith.constant 40 : i32
      %lt3A_125 = arith.cmpi slt, %add3A_123, %lt3A : i32
      %and3A = arith.andi %ge3A_124, %lt3A_125 : i1
      %convert_element_type3A_126 = arith.extui %and3A : i1 to i32
      %cond3A_127 = arith.constant 0 : i32
      %cond3A_128 = arith.cmpi ne, %convert_element_type3A_126, %cond3A_127 : i32
      scf.if %cond3A_128 {
        %dma_wait3A_171 = arith.constant 0 : i32
        %dma_wait3A_172 = arith.constant 0 : i32
        %dma_wait3A_173 = tpu.memref_slice %arg10[%dma_wait3A_171, %dma_wait3A_172] : memref<40x128xi32, #tpu.memory_space<vmem>> -> memref<1x128xi32, #tpu.memory_space<vmem>>
        %dma_wait3A_174 = tpu.memref_squeeze %dma_wait3A_173 : memref<1x128xi32, #tpu.memory_space<vmem>> -> memref<128xi32, #tpu.memory_space<vmem>>
        %dma_wait3A_175 = arith.constant 0 : i32
        %dma_wait3A_176 = arith.constant 0 : i32
        %dma_wait3A_177 = tpu.memref_slice %arg8[%dma_wait3A_175, %dma_wait3A_176] : memref<10240x128xf32, #tpu.memory_space<vmem_shared>> -> memref<10240x128xf32, #tpu.memory_space<vmem_shared>>
        tpu.wait_indirect_dma semaphore(%arg15 : memref<!tpu.dma_semaphore, #tpu.memory_space<semaphore_mem>>) src(%arg11 : memref<128x128xf32, #tpu.memory_space<vmem>>) dst(%dma_wait3A_177 : memref<10240x128xf32, #tpu.memory_space<vmem_shared>>)
      } else {
      }
      %lt3A_129 = arith.constant 40 : i32
      %lt3A_130 = arith.cmpi slt, %add3A_123, %lt3A_129 : i32
      %convert_element_type3A_131 = arith.extui %lt3A_130 : i1 to i32
      %cond3A_132 = arith.constant 0 : i32
      %cond3A_133 = arith.cmpi ne, %convert_element_type3A_131, %cond3A_132 : i32
      scf.if %cond3A_133 {
        %eq3A_171 = arith.constant 0 : i32
        %eq3A_172 = arith.cmpi eq, %arg0, %eq3A_171 : i32
        %convert_element_type3A_173 = arith.extui %eq3A_172 : i1 to i32
        %cond3A_174 = arith.constant 0 : i32
        %cond3A_175 = arith.cmpi ne, %convert_element_type3A_173, %cond3A_174 : i32
        scf.if %cond3A_175 {
          %mul3A_181 = arith.constant 8 : i32
          %mul3A_182 = arith.muli %add3A_123, %mul3A_181 : i32
          %dma_start3A = arith.constant 0 : i32
          %dma_start3A_183 = tpu.memref_slice %arg2[%mul3A_182, %dma_start3A] : memref<10000x128xf32, #tpu.memory_space<hbm>> -> memref<128x128xf32, #tpu.memory_space<hbm>>
          %dma_start3A_184 = arith.constant 0 : i32
          %dma_start3A_185 = tpu.memref_slice %arg2[%mul3A_182, %dma_start3A_184] : memref<10000x128xf32, #tpu.memory_space<hbm>> -> memref<128x128xf32, #tpu.memory_space<hbm>>
          tpu.enqueue_dma source(%dma_start3A_185 : memref<128x128xf32, #tpu.memory_space<hbm>>) target(%arg11 : memref<128x128xf32, #tpu.memory_space<vmem>>) target_semaphore(%arg13 : memref<!tpu.dma_semaphore, #tpu.memory_space<semaphore_mem>>)
        } else {
        }
        %eq3A_176 = arith.constant 1 : i32
        %eq3A_177 = arith.cmpi eq, %arg0, %eq3A_176 : i32
        %convert_element_type3A_178 = arith.extui %eq3A_177 : i1 to i32
        %cond3A_179 = arith.constant 0 : i32
        %cond3A_180 = arith.cmpi ne, %convert_element_type3A_178, %cond3A_179 : i32
        scf.if %cond3A_180 {
          %mul3A_181 = arith.constant 8 : i32
          %mul3A_182 = arith.muli %add3A_123, %mul3A_181 : i32
          %dma_start3A = arith.constant 0 : i32
          %dma_start3A_183 = tpu.memref_slice %arg3[%mul3A_182, %dma_start3A] : memref<10000x128xf32, #tpu.memory_space<hbm>> -> memref<128x128xf32, #tpu.memory_space<hbm>>
          %dma_start3A_184 = arith.constant 0 : i32
          %dma_start3A_185 = tpu.memref_slice %arg3[%mul3A_182, %dma_start3A_184] : memref<10000x128xf32, #tpu.memory_space<hbm>> -> memref<128x128xf32, #tpu.memory_space<hbm>>
          tpu.enqueue_dma source(%dma_start3A_185 : memref<128x128xf32, #tpu.memory_space<hbm>>) target(%arg11 : memref<128x128xf32, #tpu.memory_space<vmem>>) target_semaphore(%arg13 : memref<!tpu.dma_semaphore, #tpu.memory_space<semaphore_mem>>)
        } else {
        }
      } else {
      }
      %sub3A = arith.constant 1 : i32
      %sub3A_134 = arith.subi %add3A_123, %sub3A : i32
      %ge3A_135 = arith.constant 0 : i32
      %ge3A_136 = arith.cmpi sge, %sub3A_134, %ge3A_135 : i32
      %lt3A_137 = arith.constant 40 : i32
      %lt3A_138 = arith.cmpi slt, %sub3A_134, %lt3A_137 : i32
      %and3A_139 = arith.andi %ge3A_136, %lt3A_138 : i1
      %convert_element_type3A_140 = arith.extui %and3A_139 : i1 to i32
      %cond3A_141 = arith.constant 0 : i32
      %cond3A_142 = arith.cmpi ne, %convert_element_type3A_140, %cond3A_141 : i32
      scf.if %cond3A_142 {
        %dma_wait3A_171 = arith.constant 0 : i32
        %dma_wait3A_172 = arith.constant 0 : i32
        %dma_wait3A_173 = tpu.memref_slice %arg9[%dma_wait3A_171, %dma_wait3A_172] : memref<40x128xi32, #tpu.memory_space<vmem>> -> memref<1x128xi32, #tpu.memory_space<vmem>>
        %dma_wait3A_174 = tpu.memref_squeeze %dma_wait3A_173 : memref<1x128xi32, #tpu.memory_space<vmem>> -> memref<128xi32, #tpu.memory_space<vmem>>
        %dma_wait3A_175 = arith.constant 0 : i32
        %dma_wait3A_176 = arith.constant 0 : i32
        %dma_wait3A_177 = tpu.memref_slice %arg2[%dma_wait3A_175, %dma_wait3A_176] : memref<10000x128xf32, #tpu.memory_space<hbm>> -> memref<10000x128xf32, #tpu.memory_space<hbm>>
        tpu.wait_indirect_dma semaphore(%arg14 : memref<!tpu.dma_semaphore, #tpu.memory_space<semaphore_mem>>) src(%dma_wait3A_177 : memref<10000x128xf32, #tpu.memory_space<hbm>>) dst(%arg12 : memref<128x128xf32, #tpu.memory_space<vmem>>)
        %dma_start3A = arith.constant 0 : i32
        %dma_start3A_178 = arith.constant 0 : i32
        %dma_start3A_179 = tpu.memref_slice %arg8[%dma_start3A, %dma_start3A_178] : memref<10240x128xf32, #tpu.memory_space<vmem_shared>> -> memref<128x128xf32, #tpu.memory_space<vmem_shared>>
        %dma_start3A_180 = arith.constant 0 : i32
        %dma_start3A_181 = arith.constant 0 : i32
        %dma_start3A_182 = tpu.memref_slice %arg8[%dma_start3A_180, %dma_start3A_181] : memref<10240x128xf32, #tpu.memory_space<vmem_shared>> -> memref<128x128xf32, #tpu.memory_space<vmem_shared>>
        tpu.enqueue_dma source(%arg12 : memref<128x128xf32, #tpu.memory_space<vmem>>) target(%dma_start3A_182 : memref<128x128xf32, #tpu.memory_space<vmem_shared>>) target_semaphore(%arg16 : memref<!tpu.dma_semaphore, #tpu.memory_space<semaphore_mem>>)
      } else {
      }
      %mul3A_143 = arith.constant 2 : i32
      %mul3A_144 = arith.muli %scan3A_118, %mul3A_143 : i32
      %add3A_145 = arith.constant 1 : i32
      %add3A_146 = arith.addi %mul3A_144, %add3A_145 : i32
      %ge3A_147 = arith.constant 2 : i32
      %ge3A_148 = arith.cmpi sge, %add3A_146, %ge3A_147 : i32
      %lt3A_149 = arith.constant 40 : i32
      %lt3A_150 = arith.cmpi slt, %add3A_146, %lt3A_149 : i32
      %and3A_151 = arith.andi %ge3A_148, %lt3A_150 : i1
      %convert_element_type3A_152 = arith.extui %and3A_151 : i1 to i32
      %cond3A_153 = arith.constant 0 : i32
      %cond3A_154 = arith.cmpi ne, %convert_element_type3A_152, %cond3A_153 : i32
      scf.if %cond3A_154 {
        %dma_wait3A_171 = arith.constant 0 : i32
        %dma_wait3A_172 = arith.constant 0 : i32
        %dma_wait3A_173 = tpu.memref_slice %arg10[%dma_wait3A_171, %dma_wait3A_172] : memref<40x128xi32, #tpu.memory_space<vmem>> -> memref<1x128xi32, #tpu.memory_space<vmem>>
        %dma_wait3A_174 = tpu.memref_squeeze %dma_wait3A_173 : memref<1x128xi32, #tpu.memory_space<vmem>> -> memref<128xi32, #tpu.memory_space<vmem>>
        %dma_wait3A_175 = arith.constant 0 : i32
        %dma_wait3A_176 = arith.constant 0 : i32
        %dma_wait3A_177 = tpu.memref_slice %arg8[%dma_wait3A_175, %dma_wait3A_176] : memref<10240x128xf32, #tpu.memory_space<vmem_shared>> -> memref<10240x128xf32, #tpu.memory_space<vmem_shared>>
        tpu.wait_indirect_dma semaphore(%arg16 : memref<!tpu.dma_semaphore, #tpu.memory_space<semaphore_mem>>) src(%arg12 : memref<128x128xf32, #tpu.memory_space<vmem>>) dst(%dma_wait3A_177 : memref<10240x128xf32, #tpu.memory_space<vmem_shared>>)
      } else {
      }
      %lt3A_155 = arith.constant 40 : i32
      %lt3A_156 = arith.cmpi slt, %add3A_146, %lt3A_155 : i32
      %convert_element_type3A_157 = arith.extui %lt3A_156 : i1 to i32
      %cond3A_158 = arith.constant 0 : i32
      %cond3A_159 = arith.cmpi ne, %convert_element_type3A_157, %cond3A_158 : i32
      scf.if %cond3A_159 {
        %eq3A_171 = arith.constant 0 : i32
        %eq3A_172 = arith.cmpi eq, %arg0, %eq3A_171 : i32
        %convert_element_type3A_173 = arith.extui %eq3A_172 : i1 to i32
        %cond3A_174 = arith.constant 0 : i32
        %cond3A_175 = arith.cmpi ne, %convert_element_type3A_173, %cond3A_174 : i32
        scf.if %cond3A_175 {
          %mul3A_181 = arith.constant 8 : i32
          %mul3A_182 = arith.muli %add3A_146, %mul3A_181 : i32
          %dma_start3A = arith.constant 0 : i32
          %dma_start3A_183 = tpu.memref_slice %arg2[%mul3A_182, %dma_start3A] : memref<10000x128xf32, #tpu.memory_space<hbm>> -> memref<128x128xf32, #tpu.memory_space<hbm>>
          %dma_start3A_184 = arith.constant 0 : i32
          %dma_start3A_185 = tpu.memref_slice %arg2[%mul3A_182, %dma_start3A_184] : memref<10000x128xf32, #tpu.memory_space<hbm>> -> memref<128x128xf32, #tpu.memory_space<hbm>>
          tpu.enqueue_dma source(%dma_start3A_185 : memref<128x128xf32, #tpu.memory_space<hbm>>) target(%arg12 : memref<128x128xf32, #tpu.memory_space<vmem>>) target_semaphore(%arg14 : memref<!tpu.dma_semaphore, #tpu.memory_space<semaphore_mem>>)
        } else {
        }
        %eq3A_176 = arith.constant 1 : i32
        %eq3A_177 = arith.cmpi eq, %arg0, %eq3A_176 : i32
        %convert_element_type3A_178 = arith.extui %eq3A_177 : i1 to i32
        %cond3A_179 = arith.constant 0 : i32
        %cond3A_180 = arith.cmpi ne, %convert_element_type3A_178, %cond3A_179 : i32
        scf.if %cond3A_180 {
          %mul3A_181 = arith.constant 8 : i32
          %mul3A_182 = arith.muli %add3A_146, %mul3A_181 : i32
          %dma_start3A = arith.constant 0 : i32
          %dma_start3A_183 = tpu.memref_slice %arg3[%mul3A_182, %dma_start3A] : memref<10000x128xf32, #tpu.memory_space<hbm>> -> memref<128x128xf32, #tpu.memory_space<hbm>>
          %dma_start3A_184 = arith.constant 0 : i32
          %dma_start3A_185 = tpu.memref_slice %arg3[%mul3A_182, %dma_start3A_184] : memref<10000x128xf32, #tpu.memory_space<hbm>> -> memref<128x128xf32, #tpu.memory_space<hbm>>
          tpu.enqueue_dma source(%dma_start3A_185 : memref<128x128xf32, #tpu.memory_space<hbm>>) target(%arg12 : memref<128x128xf32, #tpu.memory_space<vmem>>) target_semaphore(%arg14 : memref<!tpu.dma_semaphore, #tpu.memory_space<semaphore_mem>>)
        } else {
        }
      } else {
      }
      %sub3A_160 = arith.constant 1 : i32
      %sub3A_161 = arith.subi %add3A_146, %sub3A_160 : i32
      %ge3A_162 = arith.constant 0 : i32
      %ge3A_163 = arith.cmpi sge, %sub3A_161, %ge3A_162 : i32
      %lt3A_164 = arith.constant 40 : i32
      %lt3A_165 = arith.cmpi slt, %sub3A_161, %lt3A_164 : i32
      %and3A_166 = arith.andi %ge3A_163, %lt3A_165 : i1
      %convert_element_type3A_167 = arith.extui %and3A_166 : i1 to i32
      %cond3A_168 = arith.constant 0 : i32
      %cond3A_169 = arith.cmpi ne, %convert_element_type3A_167, %cond3A_168 : i32
      scf.if %cond3A_169 {
        %dma_wait3A_171 = arith.constant 0 : i32
        %dma_wait3A_172 = arith.constant 0 : i32
        %dma_wait3A_173 = tpu.memref_slice %arg9[%dma_wait3A_171, %dma_wait3A_172] : memref<40x128xi32, #tpu.memory_space<vmem>> -> memref<1x128xi32, #tpu.memory_space<vmem>>
        %dma_wait3A_174 = tpu.memref_squeeze %dma_wait3A_173 : memref<1x128xi32, #tpu.memory_space<vmem>> -> memref<128xi32, #tpu.memory_space<vmem>>
        %dma_wait3A_175 = arith.constant 0 : i32
        %dma_wait3A_176 = arith.constant 0 : i32
        %dma_wait3A_177 = tpu.memref_slice %arg2[%dma_wait3A_175, %dma_wait3A_176] : memref<10000x128xf32, #tpu.memory_space<hbm>> -> memref<10000x128xf32, #tpu.memory_space<hbm>>
        tpu.wait_indirect_dma semaphore(%arg13 : memref<!tpu.dma_semaphore, #tpu.memory_space<semaphore_mem>>) src(%dma_wait3A_177 : memref<10000x128xf32, #tpu.memory_space<hbm>>) dst(%arg11 : memref<128x128xf32, #tpu.memory_space<vmem>>)
        %dma_start3A = arith.constant 0 : i32
        %dma_start3A_178 = arith.constant 0 : i32
        %dma_start3A_179 = tpu.memref_slice %arg8[%dma_start3A, %dma_start3A_178] : memref<10240x128xf32, #tpu.memory_space<vmem_shared>> -> memref<128x128xf32, #tpu.memory_space<vmem_shared>>
        %dma_start3A_180 = arith.constant 0 : i32
        %dma_start3A_181 = arith.constant 0 : i32
        %dma_start3A_182 = tpu.memref_slice %arg8[%dma_start3A_180, %dma_start3A_181] : memref<10240x128xf32, #tpu.memory_space<vmem_shared>> -> memref<128x128xf32, #tpu.memory_space<vmem_shared>>
        tpu.enqueue_dma source(%arg11 : memref<128x128xf32, #tpu.memory_space<vmem>>) target(%dma_start3A_182 : memref<128x128xf32, #tpu.memory_space<vmem_shared>>) target_semaphore(%arg15 : memref<!tpu.dma_semaphore, #tpu.memory_space<semaphore_mem>>)
      } else {
      }
      %scan3A_170 = arith.constant 0 : i32
      scf.yield %scan3A_170 : i32
    }
    %scan3A_45 = arith.constant 21 : i32
    %dma_wait3A_46 = arith.constant 0 : i32
    %dma_wait3A_47 = arith.constant 0 : i32
    %dma_wait3A_48 = tpu.memref_slice %arg10[%dma_wait3A_46, %dma_wait3A_47] : memref<40x128xi32, #tpu.memory_space<vmem>> -> memref<1x128xi32, #tpu.memory_space<vmem>>
    %dma_wait3A_49 = tpu.memref_squeeze %dma_wait3A_48 : memref<1x128xi32, #tpu.memory_space<vmem>> -> memref<128xi32, #tpu.memory_space<vmem>>
    %dma_wait3A_50 = arith.constant 0 : i32
    %dma_wait3A_51 = arith.constant 0 : i32
    %dma_wait3A_52 = tpu.memref_slice %arg8[%dma_wait3A_50, %dma_wait3A_51] : memref<10240x128xf32, #tpu.memory_space<vmem_shared>> -> memref<10240x128xf32, #tpu.memory_space<vmem_shared>>
    tpu.wait_indirect_dma semaphore(%arg16 : memref<!tpu.dma_semaphore, #tpu.memory_space<semaphore_mem>>) src(%arg12 : memref<128x128xf32, #tpu.memory_space<vmem>>) dst(%dma_wait3A_52 : memref<10240x128xf32, #tpu.memory_space<vmem_shared>>)
    %dma_wait3A_53 = arith.constant 0 : i32
    %dma_wait3A_54 = arith.constant 0 : i32
    %dma_wait3A_55 = tpu.memref_slice %arg10[%dma_wait3A_53, %dma_wait3A_54] : memref<40x128xi32, #tpu.memory_space<vmem>> -> memref<1x128xi32, #tpu.memory_space<vmem>>
    %dma_wait3A_56 = tpu.memref_squeeze %dma_wait3A_55 : memref<1x128xi32, #tpu.memory_space<vmem>> -> memref<128xi32, #tpu.memory_space<vmem>>
    %dma_wait3A_57 = arith.constant 0 : i32
    %dma_wait3A_58 = arith.constant 0 : i32
    %dma_wait3A_59 = tpu.memref_slice %arg8[%dma_wait3A_57, %dma_wait3A_58] : memref<10240x128xf32, #tpu.memory_space<vmem_shared>> -> memref<10240x128xf32, #tpu.memory_space<vmem_shared>>
    tpu.wait_indirect_dma semaphore(%arg15 : memref<!tpu.dma_semaphore, #tpu.memory_space<semaphore_mem>>) src(%arg11 : memref<128x128xf32, #tpu.memory_space<vmem>>) dst(%dma_wait3A_59 : memref<10240x128xf32, #tpu.memory_space<vmem_shared>>)
    %barrier3A_60 = arith.constant 0 : index
    tpu.barrier barrier_id(%barrier3A_60)
    %add3A_61 = arith.constant 0 : i32
    %add3A_62 = arith.addi %mul3A_6, %add3A_61 : i32
    "tpu.region"() ({
      %run_scoped3A_118 = tpu.sem_alloc : memref<!tpu.dma_semaphore, #tpu.memory_space<semaphore_mem>>
      %dma_start3A = arith.constant 0 : i32
      %dma_start3A_119 = tpu.memref_slice %arg8[%add3A_62, %dma_start3A] : memref<10240x128xf32, #tpu.memory_space<vmem_shared>> -> memref<128x128xf32, #tpu.memory_space<vmem_shared>>
      %dma_start3A_120 = arith.constant 0 : i32
      %dma_start3A_121 = tpu.memref_slice %arg8[%add3A_62, %dma_start3A_120] : memref<10240x128xf32, #tpu.memory_space<vmem_shared>> -> memref<128x128xf32, #tpu.memory_space<vmem_shared>>
      tpu.enqueue_dma source(%dma_start3A_121 : memref<128x128xf32, #tpu.memory_space<vmem_shared>>) target(%arg12 : memref<128x128xf32, #tpu.memory_space<vmem>>) target_semaphore(%run_scoped3A_118 : memref<!tpu.dma_semaphore, #tpu.memory_space<semaphore_mem>>)
      %dma_wait3A_122 = arith.constant 0 : i32
      %dma_wait3A_123 = tpu.memref_slice %arg8[%add3A_62, %dma_wait3A_122] : memref<10240x128xf32, #tpu.memory_space<vmem_shared>> -> memref<128x128xf32, #tpu.memory_space<vmem_shared>>
      %dma_wait3A_124 = arith.constant 0 : i32
      %dma_wait3A_125 = tpu.memref_slice %arg8[%add3A_62, %dma_wait3A_124] : memref<10240x128xf32, #tpu.memory_space<vmem_shared>> -> memref<128x128xf32, #tpu.memory_space<vmem_shared>>
      tpu.wait_dma2 semaphore(%run_scoped3A_118 : memref<!tpu.dma_semaphore, #tpu.memory_space<semaphore_mem>>) src(%dma_wait3A_125 : memref<128x128xf32, #tpu.memory_space<vmem_shared>>) dst(%arg12 : memref<128x128xf32, #tpu.memory_space<vmem>>)
      tpu.yield
    }) : () -> ()
    %eq3A = arith.constant 0 : i32
    %eq3A_63 = arith.cmpi eq, %arg0, %eq3A : i32
    %convert_element_type3A = arith.extui %eq3A_63 : i1 to i32
    %cond3A = arith.constant 0 : i32
    %cond3A_64 = arith.cmpi ne, %convert_element_type3A, %cond3A : i32
    scf.if %cond3A_64 {
      "tpu.region"() ({
        %run_scoped3A_118 = tpu.sem_alloc : memref<!tpu.dma_semaphore, #tpu.memory_space<semaphore_mem>>
        %dma_start3A = arith.constant 0 : i32
        %dma_start3A_119 = tpu.memref_slice %arg6[%add3A_62, %dma_start3A] : memref<10240x128xf32, #tpu.memory_space<hbm>> -> memref<128x128xf32, #tpu.memory_space<hbm>>
        %dma_start3A_120 = arith.constant 0 : i32
        %dma_start3A_121 = tpu.memref_slice %arg6[%add3A_62, %dma_start3A_120] : memref<10240x128xf32, #tpu.memory_space<hbm>> -> memref<128x128xf32, #tpu.memory_space<hbm>>
        tpu.enqueue_dma source(%arg12 : memref<128x128xf32, #tpu.memory_space<vmem>>) target(%dma_start3A_121 : memref<128x128xf32, #tpu.memory_space<hbm>>) target_semaphore(%run_scoped3A_118 : memref<!tpu.dma_semaphore, #tpu.memory_space<semaphore_mem>>)
        %dma_wait3A_122 = arith.constant 0 : i32
        %dma_wait3A_123 = tpu.memref_slice %arg6[%add3A_62, %dma_wait3A_122] : memref<10240x128xf32, #tpu.memory_space<hbm>> -> memref<128x128xf32, #tpu.memory_space<hbm>>
        %dma_wait3A_124 = arith.constant 0 : i32
        %dma_wait3A_125 = tpu.memref_slice %arg6[%add3A_62, %dma_wait3A_124] : memref<10240x128xf32, #tpu.memory_space<hbm>> -> memref<128x128xf32, #tpu.memory_space<hbm>>
        tpu.wait_dma2 semaphore(%run_scoped3A_118 : memref<!tpu.dma_semaphore, #tpu.memory_space<semaphore_mem>>) src(%arg12 : memref<128x128xf32, #tpu.memory_space<vmem>>) dst(%dma_wait3A_125 : memref<128x128xf32, #tpu.memory_space<hbm>>)
        tpu.yield
      }) : () -> ()
    } else {
    }
    %eq3A_65 = arith.constant 1 : i32
    %eq3A_66 = arith.cmpi eq, %arg0, %eq3A_65 : i32
    %convert_element_type3A_67 = arith.extui %eq3A_66 : i1 to i32
    %cond3A_68 = arith.constant 0 : i32
    %cond3A_69 = arith.cmpi ne, %convert_element_type3A_67, %cond3A_68 : i32
    scf.if %cond3A_69 {
      "tpu.region"() ({
        %run_scoped3A_118 = tpu.sem_alloc : memref<!tpu.dma_semaphore, #tpu.memory_space<semaphore_mem>>
        %dma_start3A = arith.constant 0 : i32
        %dma_start3A_119 = tpu.memref_slice %arg7[%add3A_62, %dma_start3A] : memref<10240x128xf32, #tpu.memory_space<hbm>> -> memref<128x128xf32, #tpu.memory_space<hbm>>
        %dma_start3A_120 = arith.constant 0 : i32
        %dma_start3A_121 = tpu.memref_slice %arg7[%add3A_62, %dma_start3A_120] : memref<10240x128xf32, #tpu.memory_space<hbm>> -> memref<128x128xf32, #tpu.memory_space<hbm>>
        tpu.enqueue_dma source(%arg12 : memref<128x128xf32, #tpu.memory_space<vmem>>) target(%dma_start3A_121 : memref<128x128xf32, #tpu.memory_space<hbm>>) target_semaphore(%run_scoped3A_118 : memref<!tpu.dma_semaphore, #tpu.memory_space<semaphore_mem>>)
        %dma_wait3A_122 = arith.constant 0 : i32
        %dma_wait3A_123 = tpu.memref_slice %arg7[%add3A_62, %dma_wait3A_122] : memref<10240x128xf32, #tpu.memory_space<hbm>> -> memref<128x128xf32, #tpu.memory_space<hbm>>
        %dma_wait3A_124 = arith.constant 0 : i32
        %dma_wait3A_125 = tpu.memref_slice %arg7[%add3A_62, %dma_wait3A_124] : memref<10240x128xf32, #tpu.memory_space<hbm>> -> memref<128x128xf32, #tpu.memory_space<hbm>>
        tpu.wait_dma2 semaphore(%run_scoped3A_118 : memref<!tpu.dma_semaphore, #tpu.memory_space<semaphore_mem>>) src(%arg12 : memref<128x128xf32, #tpu.memory_space<vmem>>) dst(%dma_wait3A_125 : memref<128x128xf32, #tpu.memory_space<hbm>>)
        tpu.yield
      }) : () -> ()
    } else {
    }
    %add3A_70 = arith.constant 128 : i32
    %add3A_71 = arith.addi %mul3A_6, %add3A_70 : i32
    "tpu.region"() ({
      %run_scoped3A_118 = tpu.sem_alloc : memref<!tpu.dma_semaphore, #tpu.memory_space<semaphore_mem>>
      %dma_start3A = arith.constant 0 : i32
      %dma_start3A_119 = tpu.memref_slice %arg8[%add3A_71, %dma_start3A] : memref<10240x128xf32, #tpu.memory_space<vmem_shared>> -> memref<128x128xf32, #tpu.memory_space<vmem_shared>>
      %dma_start3A_120 = arith.constant 0 : i32
      %dma_start3A_121 = tpu.memref_slice %arg8[%add3A_71, %dma_start3A_120] : memref<10240x128xf32, #tpu.memory_space<vmem_shared>> -> memref<128x128xf32, #tpu.memory_space<vmem_shared>>
      tpu.enqueue_dma source(%dma_start3A_121 : memref<128x128xf32, #tpu.memory_space<vmem_shared>>) target(%arg12 : memref<128x128xf32, #tpu.memory_space<vmem>>) target_semaphore(%run_scoped3A_118 : memref<!tpu.dma_semaphore, #tpu.memory_space<semaphore_mem>>)
      %dma_wait3A_122 = arith.constant 0 : i32
      %dma_wait3A_123 = tpu.memref_slice %arg8[%add3A_71, %dma_wait3A_122] : memref<10240x128xf32, #tpu.memory_space<vmem_shared>> -> memref<128x128xf32, #tpu.memory_space<vmem_shared>>
      %dma_wait3A_124 = arith.constant 0 : i32
      %dma_wait3A_125 = tpu.memref_slice %arg8[%add3A_71, %dma_wait3A_124] : memref<10240x128xf32, #tpu.memory_space<vmem_shared>> -> memref<128x128xf32, #tpu.memory_space<vmem_shared>>
      tpu.wait_dma2 semaphore(%run_scoped3A_118 : memref<!tpu.dma_semaphore, #tpu.memory_space<semaphore_mem>>) src(%dma_wait3A_125 : memref<128x128xf32, #tpu.memory_space<vmem_shared>>) dst(%arg12 : memref<128x128xf32, #tpu.memory_space<vmem>>)
      tpu.yield
    }) : () -> ()
    %eq3A_72 = arith.constant 0 : i32
    %eq3A_73 = arith.cmpi eq, %arg0, %eq3A_72 : i32
    %convert_element_type3A_74 = arith.extui %eq3A_73 : i1 to i32
    %cond3A_75 = arith.constant 0 : i32
    %cond3A_76 = arith.cmpi ne, %convert_element_type3A_74, %cond3A_75 : i32
    scf.if %cond3A_76 {
      "tpu.region"() ({
        %run_scoped3A_118 = tpu.sem_alloc : memref<!tpu.dma_semaphore, #tpu.memory_space<semaphore_mem>>
        %dma_start3A = arith.constant 0 : i32
        %dma_start3A_119 = tpu.memref_slice %arg6[%add3A_71, %dma_start3A] : memref<10240x128xf32, #tpu.memory_space<hbm>> -> memref<128x128xf32, #tpu.memory_space<hbm>>
        %dma_start3A_120 = arith.constant 0 : i32
        %dma_start3A_121 = tpu.memref_slice %arg6[%add3A_71, %dma_start3A_120] : memref<10240x128xf32, #tpu.memory_space<hbm>> -> memref<128x128xf32, #tpu.memory_space<hbm>>
        tpu.enqueue_dma source(%arg12 : memref<128x128xf32, #tpu.memory_space<vmem>>) target(%dma_start3A_121 : memref<128x128xf32, #tpu.memory_space<hbm>>) target_semaphore(%run_scoped3A_118 : memref<!tpu.dma_semaphore, #tpu.memory_space<semaphore_mem>>)
        %dma_wait3A_122 = arith.constant 0 : i32
        %dma_wait3A_123 = tpu.memref_slice %arg6[%add3A_71, %dma_wait3A_122] : memref<10240x128xf32, #tpu.memory_space<hbm>> -> memref<128x128xf32, #tpu.memory_space<hbm>>
        %dma_wait3A_124 = arith.constant 0 : i32
        %dma_wait3A_125 = tpu.memref_slice %arg6[%add3A_71, %dma_wait3A_124] : memref<10240x128xf32, #tpu.memory_space<hbm>> -> memref<128x128xf32, #tpu.memory_space<hbm>>
        tpu.wait_dma2 semaphore(%run_scoped3A_118 : memref<!tpu.dma_semaphore, #tpu.memory_space<semaphore_mem>>) src(%arg12 : memref<128x128xf32, #tpu.memory_space<vmem>>) dst(%dma_wait3A_125 : memref<128x128xf32, #tpu.memory_space<hbm>>)
        tpu.yield
      }) : () -> ()
    } else {
    }
    %eq3A_77 = arith.constant 1 : i32
    %eq3A_78 = arith.cmpi eq, %arg0, %eq3A_77 : i32
    %convert_element_type3A_79 = arith.extui %eq3A_78 : i1 to i32
    %cond3A_80 = arith.constant 0 : i32
    %cond3A_81 = arith.cmpi ne, %convert_element_type3A_79, %cond3A_80 : i32
    scf.if %cond3A_81 {
      "tpu.region"() ({
        %run_scoped3A_118 = tpu.sem_alloc : memref<!tpu.dma_semaphore, #tpu.memory_space<semaphore_mem>>
        %dma_start3A = arith.constant 0 : i32
        %dma_start3A_119 = tpu.memref_slice %arg7[%add3A_71, %dma_start3A] : memref<10240x128xf32, #tpu.memory_space<hbm>> -> memref<128x128xf32, #tpu.memory_space<hbm>>
        %dma_start3A_120 = arith.constant 0 : i32
        %dma_start3A_121 = tpu.memref_slice %arg7[%add3A_71, %dma_start3A_120] : memref<10240x128xf32, #tpu.memory_space<hbm>> -> memref<128x128xf32, #tpu.memory_space<hbm>>
        tpu.enqueue_dma source(%arg12 : memref<128x128xf32, #tpu.memory_space<vmem>>) target(%dma_start3A_121 : memref<128x128xf32, #tpu.memory_space<hbm>>) target_semaphore(%run_scoped3A_118 : memref<!tpu.dma_semaphore, #tpu.memory_space<semaphore_mem>>)
        %dma_wait3A_122 = arith.constant 0 : i32
        %dma_wait3A_123 = tpu.memref_slice %arg7[%add3A_71, %dma_wait3A_122] : memref<10240x128xf32, #tpu.memory_space<hbm>> -> memref<128x128xf32, #tpu.memory_space<hbm>>
        %dma_wait3A_124 = arith.constant 0 : i32
        %dma_wait3A_125 = tpu.memref_slice %arg7[%add3A_71, %dma_wait3A_124] : memref<10240x128xf32, #tpu.memory_space<hbm>> -> memref<128x128xf32, #tpu.memory_space<hbm>>
        tpu.wait_dma2 semaphore(%run_scoped3A_118 : memref<!tpu.dma_semaphore, #tpu.memory_space<semaphore_mem>>) src(%arg12 : memref<128x128xf32, #tpu.memory_space<vmem>>) dst(%dma_wait3A_125 : memref<128x128xf32, #tpu.memory_space<hbm>>)
        tpu.yield
      }) : () -> ()
    } else {
    }
    %add3A_82 = arith.constant 256 : i32
    %add3A_83 = arith.addi %mul3A_6, %add3A_82 : i32
    "tpu.region"() ({
      %run_scoped3A_118 = tpu.sem_alloc : memref<!tpu.dma_semaphore, #tpu.memory_space<semaphore_mem>>
      %dma_start3A = arith.constant 0 : i32
      %dma_start3A_119 = tpu.memref_slice %arg8[%add3A_83, %dma_start3A] : memref<10240x128xf32, #tpu.memory_space<vmem_shared>> -> memref<128x128xf32, #tpu.memory_space<vmem_shared>>
      %dma_start3A_120 = arith.constant 0 : i32
      %dma_start3A_121 = tpu.memref_slice %arg8[%add3A_83, %dma_start3A_120] : memref<10240x128xf32, #tpu.memory_space<vmem_shared>> -> memref<128x128xf32, #tpu.memory_space<vmem_shared>>
      tpu.enqueue_dma source(%dma_start3A_121 : memref<128x128xf32, #tpu.memory_space<vmem_shared>>) target(%arg12 : memref<128x128xf32, #tpu.memory_space<vmem>>) target_semaphore(%run_scoped3A_118 : memref<!tpu.dma_semaphore, #tpu.memory_space<semaphore_mem>>)
      %dma_wait3A_122 = arith.constant 0 : i32
      %dma_wait3A_123 = tpu.memref_slice %arg8[%add3A_83, %dma_wait3A_122] : memref<10240x128xf32, #tpu.memory_space<vmem_shared>> -> memref<128x128xf32, #tpu.memory_space<vmem_shared>>
      %dma_wait3A_124 = arith.constant 0 : i32
      %dma_wait3A_125 = tpu.memref_slice %arg8[%add3A_83, %dma_wait3A_124] : memref<10240x128xf32, #tpu.memory_space<vmem_shared>> -> memref<128x128xf32, #tpu.memory_space<vmem_shared>>
      tpu.wait_dma2 semaphore(%run_scoped3A_118 : memref<!tpu.dma_semaphore, #tpu.memory_space<semaphore_mem>>) src(%dma_wait3A_125 : memref<128x128xf32, #tpu.memory_space<vmem_shared>>) dst(%arg12 : memref<128x128xf32, #tpu.memory_space<vmem>>)
      tpu.yield
    }) : () -> ()
    %eq3A_84 = arith.constant 0 : i32
    %eq3A_85 = arith.cmpi eq, %arg0, %eq3A_84 : i32
    %convert_element_type3A_86 = arith.extui %eq3A_85 : i1 to i32
    %cond3A_87 = arith.constant 0 : i32
    %cond3A_88 = arith.cmpi ne, %convert_element_type3A_86, %cond3A_87 : i32
    scf.if %cond3A_88 {
      "tpu.region"() ({
        %run_scoped3A_118 = tpu.sem_alloc : memref<!tpu.dma_semaphore, #tpu.memory_space<semaphore_mem>>
        %dma_start3A = arith.constant 0 : i32
        %dma_start3A_119 = tpu.memref_slice %arg6[%add3A_83, %dma_start3A] : memref<10240x128xf32, #tpu.memory_space<hbm>> -> memref<128x128xf32, #tpu.memory_space<hbm>>
        %dma_start3A_120 = arith.constant 0 : i32
        %dma_start3A_121 = tpu.memref_slice %arg6[%add3A_83, %dma_start3A_120] : memref<10240x128xf32, #tpu.memory_space<hbm>> -> memref<128x128xf32, #tpu.memory_space<hbm>>
        tpu.enqueue_dma source(%arg12 : memref<128x128xf32, #tpu.memory_space<vmem>>) target(%dma_start3A_121 : memref<128x128xf32, #tpu.memory_space<hbm>>) target_semaphore(%run_scoped3A_118 : memref<!tpu.dma_semaphore, #tpu.memory_space<semaphore_mem>>)
        %dma_wait3A_122 = arith.constant 0 : i32
        %dma_wait3A_123 = tpu.memref_slice %arg6[%add3A_83, %dma_wait3A_122] : memref<10240x128xf32, #tpu.memory_space<hbm>> -> memref<128x128xf32, #tpu.memory_space<hbm>>
        %dma_wait3A_124 = arith.constant 0 : i32
        %dma_wait3A_125 = tpu.memref_slice %arg6[%add3A_83, %dma_wait3A_124] : memref<10240x128xf32, #tpu.memory_space<hbm>> -> memref<128x128xf32, #tpu.memory_space<hbm>>
        tpu.wait_dma2 semaphore(%run_scoped3A_118 : memref<!tpu.dma_semaphore, #tpu.memory_space<semaphore_mem>>) src(%arg12 : memref<128x128xf32, #tpu.memory_space<vmem>>) dst(%dma_wait3A_125 : memref<128x128xf32, #tpu.memory_space<hbm>>)
        tpu.yield
      }) : () -> ()
    } else {
    }
    %eq3A_89 = arith.constant 1 : i32
    %eq3A_90 = arith.cmpi eq, %arg0, %eq3A_89 : i32
    %convert_element_type3A_91 = arith.extui %eq3A_90 : i1 to i32
    %cond3A_92 = arith.constant 0 : i32
    %cond3A_93 = arith.cmpi ne, %convert_element_type3A_91, %cond3A_92 : i32
    scf.if %cond3A_93 {
      "tpu.region"() ({
        %run_scoped3A_118 = tpu.sem_alloc : memref<!tpu.dma_semaphore, #tpu.memory_space<semaphore_mem>>
        %dma_start3A = arith.constant 0 : i32
        %dma_start3A_119 = tpu.memref_slice %arg7[%add3A_83, %dma_start3A] : memref<10240x128xf32, #tpu.memory_space<hbm>> -> memref<128x128xf32, #tpu.memory_space<hbm>>
        %dma_start3A_120 = arith.constant 0 : i32
        %dma_start3A_121 = tpu.memref_slice %arg7[%add3A_83, %dma_start3A_120] : memref<10240x128xf32, #tpu.memory_space<hbm>> -> memref<128x128xf32, #tpu.memory_space<hbm>>
        tpu.enqueue_dma source(%arg12 : memref<128x128xf32, #tpu.memory_space<vmem>>) target(%dma_start3A_121 : memref<128x128xf32, #tpu.memory_space<hbm>>) target_semaphore(%run_scoped3A_118 : memref<!tpu.dma_semaphore, #tpu.memory_space<semaphore_mem>>)
        %dma_wait3A_122 = arith.constant 0 : i32
        %dma_wait3A_123 = tpu.memref_slice %arg7[%add3A_83, %dma_wait3A_122] : memref<10240x128xf32, #tpu.memory_space<hbm>> -> memref<128x128xf32, #tpu.memory_space<hbm>>
        %dma_wait3A_124 = arith.constant 0 : i32
        %dma_wait3A_125 = tpu.memref_slice %arg7[%add3A_83, %dma_wait3A_124] : memref<10240x128xf32, #tpu.memory_space<hbm>> -> memref<128x128xf32, #tpu.memory_space<hbm>>
        tpu.wait_dma2 semaphore(%run_scoped3A_118 : memref<!tpu.dma_semaphore, #tpu.memory_space<semaphore_mem>>) src(%arg12 : memref<128x128xf32, #tpu.memory_space<vmem>>) dst(%dma_wait3A_125 : memref<128x128xf32, #tpu.memory_space<hbm>>)
        tpu.yield
      }) : () -> ()
    } else {
    }
    %add3A_94 = arith.constant 384 : i32
    %add3A_95 = arith.addi %mul3A_6, %add3A_94 : i32
    "tpu.region"() ({
      %run_scoped3A_118 = tpu.sem_alloc : memref<!tpu.dma_semaphore, #tpu.memory_space<semaphore_mem>>
      %dma_start3A = arith.constant 0 : i32
      %dma_start3A_119 = tpu.memref_slice %arg8[%add3A_95, %dma_start3A] : memref<10240x128xf32, #tpu.memory_space<vmem_shared>> -> memref<128x128xf32, #tpu.memory_space<vmem_shared>>
      %dma_start3A_120 = arith.constant 0 : i32
      %dma_start3A_121 = tpu.memref_slice %arg8[%add3A_95, %dma_start3A_120] : memref<10240x128xf32, #tpu.memory_space<vmem_shared>> -> memref<128x128xf32, #tpu.memory_space<vmem_shared>>
      tpu.enqueue_dma source(%dma_start3A_121 : memref<128x128xf32, #tpu.memory_space<vmem_shared>>) target(%arg12 : memref<128x128xf32, #tpu.memory_space<vmem>>) target_semaphore(%run_scoped3A_118 : memref<!tpu.dma_semaphore, #tpu.memory_space<semaphore_mem>>)
      %dma_wait3A_122 = arith.constant 0 : i32
      %dma_wait3A_123 = tpu.memref_slice %arg8[%add3A_95, %dma_wait3A_122] : memref<10240x128xf32, #tpu.memory_space<vmem_shared>> -> memref<128x128xf32, #tpu.memory_space<vmem_shared>>
      %dma_wait3A_124 = arith.constant 0 : i32
      %dma_wait3A_125 = tpu.memref_slice %arg8[%add3A_95, %dma_wait3A_124] : memref<10240x128xf32, #tpu.memory_space<vmem_shared>> -> memref<128x128xf32, #tpu.memory_space<vmem_shared>>
      tpu.wait_dma2 semaphore(%run_scoped3A_118 : memref<!tpu.dma_semaphore, #tpu.memory_space<semaphore_mem>>) src(%dma_wait3A_125 : memref<128x128xf32, #tpu.memory_space<vmem_shared>>) dst(%arg12 : memref<128x128xf32, #tpu.memory_space<vmem>>)
      tpu.yield
    }) : () -> ()
    %eq3A_96 = arith.constant 0 : i32
    %eq3A_97 = arith.cmpi eq, %arg0, %eq3A_96 : i32
    %convert_element_type3A_98 = arith.extui %eq3A_97 : i1 to i32
    %cond3A_99 = arith.constant 0 : i32
    %cond3A_100 = arith.cmpi ne, %convert_element_type3A_98, %cond3A_99 : i32
    scf.if %cond3A_100 {
      "tpu.region"() ({
        %run_scoped3A_118 = tpu.sem_alloc : memref<!tpu.dma_semaphore, #tpu.memory_space<semaphore_mem>>
        %dma_start3A = arith.constant 0 : i32
        %dma_start3A_119 = tpu.memref_slice %arg6[%add3A_95, %dma_start3A] : memref<10240x128xf32, #tpu.memory_space<hbm>> -> memref<128x128xf32, #tpu.memory_space<hbm>>
        %dma_start3A_120 = arith.constant 0 : i32
        %dma_start3A_121 = tpu.memref_slice %arg6[%add3A_95, %dma_start3A_120] : memref<10240x128xf32, #tpu.memory_space<hbm>> -> memref<128x128xf32, #tpu.memory_space<hbm>>
        tpu.enqueue_dma source(%arg12 : memref<128x128xf32, #tpu.memory_space<vmem>>) target(%dma_start3A_121 : memref<128x128xf32, #tpu.memory_space<hbm>>) target_semaphore(%run_scoped3A_118 : memref<!tpu.dma_semaphore, #tpu.memory_space<semaphore_mem>>)
        %dma_wait3A_122 = arith.constant 0 : i32
        %dma_wait3A_123 = tpu.memref_slice %arg6[%add3A_95, %dma_wait3A_122] : memref<10240x128xf32, #tpu.memory_space<hbm>> -> memref<128x128xf32, #tpu.memory_space<hbm>>
        %dma_wait3A_124 = arith.constant 0 : i32
        %dma_wait3A_125 = tpu.memref_slice %arg6[%add3A_95, %dma_wait3A_124] : memref<10240x128xf32, #tpu.memory_space<hbm>> -> memref<128x128xf32, #tpu.memory_space<hbm>>
        tpu.wait_dma2 semaphore(%run_scoped3A_118 : memref<!tpu.dma_semaphore, #tpu.memory_space<semaphore_mem>>) src(%arg12 : memref<128x128xf32, #tpu.memory_space<vmem>>) dst(%dma_wait3A_125 : memref<128x128xf32, #tpu.memory_space<hbm>>)
        tpu.yield
      }) : () -> ()
    } else {
    }
    %eq3A_101 = arith.constant 1 : i32
    %eq3A_102 = arith.cmpi eq, %arg0, %eq3A_101 : i32
    %convert_element_type3A_103 = arith.extui %eq3A_102 : i1 to i32
    %cond3A_104 = arith.constant 0 : i32
    %cond3A_105 = arith.cmpi ne, %convert_element_type3A_103, %cond3A_104 : i32
    scf.if %cond3A_105 {
      "tpu.region"() ({
        %run_scoped3A_118 = tpu.sem_alloc : memref<!tpu.dma_semaphore, #tpu.memory_space<semaphore_mem>>
        %dma_start3A = arith.constant 0 : i32
        %dma_start3A_119 = tpu.memref_slice %arg7[%add3A_95, %dma_start3A] : memref<10240x128xf32, #tpu.memory_space<hbm>> -> memref<128x128xf32, #tpu.memory_space<hbm>>
        %dma_start3A_120 = arith.constant 0 : i32
        %dma_start3A_121 = tpu.memref_slice %arg7[%add3A_95, %dma_start3A_120] : memref<10240x128xf32, #tpu.memory_space<hbm>> -> memref<128x128xf32, #tpu.memory_space<hbm>>
        tpu.enqueue_dma source(%arg12 : memref<128x128xf32, #tpu.memory_space<vmem>>) target(%dma_start3A_121 : memref<128x128xf32, #tpu.memory_space<hbm>>) target_semaphore(%run_scoped3A_118 : memref<!tpu.dma_semaphore, #tpu.memory_space<semaphore_mem>>)
        %dma_wait3A_122 = arith.constant 0 : i32
        %dma_wait3A_123 = tpu.memref_slice %arg7[%add3A_95, %dma_wait3A_122] : memref<10240x128xf32, #tpu.memory_space<hbm>> -> memref<128x128xf32, #tpu.memory_space<hbm>>
        %dma_wait3A_124 = arith.constant 0 : i32
        %dma_wait3A_125 = tpu.memref_slice %arg7[%add3A_95, %dma_wait3A_124] : memref<10240x128xf32, #tpu.memory_space<hbm>> -> memref<128x128xf32, #tpu.memory_space<hbm>>
        tpu.wait_dma2 semaphore(%run_scoped3A_118 : memref<!tpu.dma_semaphore, #tpu.memory_space<semaphore_mem>>) src(%arg12 : memref<128x128xf32, #tpu.memory_space<vmem>>) dst(%dma_wait3A_125 : memref<128x128xf32, #tpu.memory_space<hbm>>)
        tpu.yield
      }) : () -> ()
    } else {
    }
    %add3A_106 = arith.constant 512 : i32
    %add3A_107 = arith.addi %mul3A_6, %add3A_106 : i32
    "tpu.region"() ({
      %run_scoped3A_118 = tpu.sem_alloc : memref<!tpu.dma_semaphore, #tpu.memory_space<semaphore_mem>>
      %dma_start3A = arith.constant 0 : i32
      %dma_start3A_119 = tpu.memref_slice %arg8[%add3A_107, %dma_start3A] : memref<10240x128xf32, #tpu.memory_space<vmem_shared>> -> memref<128x128xf32, #tpu.memory_space<vmem_shared>>
      %dma_start3A_120 = arith.constant 0 : i32
      %dma_start3A_121 = tpu.memref_slice %arg8[%add3A_107, %dma_start3A_120] : memref<10240x128xf32, #tpu.memory_space<vmem_shared>> -> memref<128x128xf32, #tpu.memory_space<vmem_shared>>
      tpu.enqueue_dma source(%dma_start3A_121 : memref<128x128xf32, #tpu.memory_space<vmem_shared>>) target(%arg12 : memref<128x128xf32, #tpu.memory_space<vmem>>) target_semaphore(%run_scoped3A_118 : memref<!tpu.dma_semaphore, #tpu.memory_space<semaphore_mem>>)
      %dma_wait3A_122 = arith.constant 0 : i32
      %dma_wait3A_123 = tpu.memref_slice %arg8[%add3A_107, %dma_wait3A_122] : memref<10240x128xf32, #tpu.memory_space<vmem_shared>> -> memref<128x128xf32, #tpu.memory_space<vmem_shared>>
      %dma_wait3A_124 = arith.constant 0 : i32
      %dma_wait3A_125 = tpu.memref_slice %arg8[%add3A_107, %dma_wait3A_124] : memref<10240x128xf32, #tpu.memory_space<vmem_shared>> -> memref<128x128xf32, #tpu.memory_space<vmem_shared>>
      tpu.wait_dma2 semaphore(%run_scoped3A_118 : memref<!tpu.dma_semaphore, #tpu.memory_space<semaphore_mem>>) src(%dma_wait3A_125 : memref<128x128xf32, #tpu.memory_space<vmem_shared>>) dst(%arg12 : memref<128x128xf32, #tpu.memory_space<vmem>>)
      tpu.yield
    }) : () -> ()
    %eq3A_108 = arith.constant 0 : i32
    %eq3A_109 = arith.cmpi eq, %arg0, %eq3A_108 : i32
    %convert_element_type3A_110 = arith.extui %eq3A_109 : i1 to i32
    %cond3A_111 = arith.constant 0 : i32
    %cond3A_112 = arith.cmpi ne, %convert_element_type3A_110, %cond3A_111 : i32
    scf.if %cond3A_112 {
      "tpu.region"() ({
        %run_scoped3A_118 = tpu.sem_alloc : memref<!tpu.dma_semaphore, #tpu.memory_space<semaphore_mem>>
        %dma_start3A = arith.constant 0 : i32
        %dma_start3A_119 = tpu.memref_slice %arg6[%add3A_107, %dma_start3A] : memref<10240x128xf32, #tpu.memory_space<hbm>> -> memref<128x128xf32, #tpu.memory_space<hbm>>
        %dma_start3A_120 = arith.constant 0 : i32
        %dma_start3A_121 = tpu.memref_slice %arg6[%add3A_107, %dma_start3A_120] : memref<10240x128xf32, #tpu.memory_space<hbm>> -> memref<128x128xf32, #tpu.memory_space<hbm>>
        tpu.enqueue_dma source(%arg12 : memref<128x128xf32, #tpu.memory_space<vmem>>) target(%dma_start3A_121 : memref<128x128xf32, #tpu.memory_space<hbm>>) target_semaphore(%run_scoped3A_118 : memref<!tpu.dma_semaphore, #tpu.memory_space<semaphore_mem>>)
        %dma_wait3A_122 = arith.constant 0 : i32
        %dma_wait3A_123 = tpu.memref_slice %arg6[%add3A_107, %dma_wait3A_122] : memref<10240x128xf32, #tpu.memory_space<hbm>> -> memref<128x128xf32, #tpu.memory_space<hbm>>
        %dma_wait3A_124 = arith.constant 0 : i32
        %dma_wait3A_125 = tpu.memref_slice %arg6[%add3A_107, %dma_wait3A_124] : memref<10240x128xf32, #tpu.memory_space<hbm>> -> memref<128x128xf32, #tpu.memory_space<hbm>>
        tpu.wait_dma2 semaphore(%run_scoped3A_118 : memref<!tpu.dma_semaphore, #tpu.memory_space<semaphore_mem>>) src(%arg12 : memref<128x128xf32, #tpu.memory_space<vmem>>) dst(%dma_wait3A_125 : memref<128x128xf32, #tpu.memory_space<hbm>>)
        tpu.yield
      }) : () -> ()
    } else {
    }
    %eq3A_113 = arith.constant 1 : i32
    %eq3A_114 = arith.cmpi eq, %arg0, %eq3A_113 : i32
    %convert_element_type3A_115 = arith.extui %eq3A_114 : i1 to i32
    %cond3A_116 = arith.constant 0 : i32
    %cond3A_117 = arith.cmpi ne, %convert_element_type3A_115, %cond3A_116 : i32
    scf.if %cond3A_117 {
      "tpu.region"() ({
        %run_scoped3A_118 = tpu.sem_alloc : memref<!tpu.dma_semaphore, #tpu.memory_space<semaphore_mem>>
        %dma_start3A = arith.constant 0 : i32
        %dma_start3A_119 = tpu.memref_slice %arg7[%add3A_107, %dma_start3A] : memref<10240x128xf32, #tpu.memory_space<hbm>> -> memref<128x128xf32, #tpu.memory_space<hbm>>
        %dma_start3A_120 = arith.constant 0 : i32
        %dma_start3A_121 = tpu.memref_slice %arg7[%add3A_107, %dma_start3A_120] : memref<10240x128xf32, #tpu.memory_space<hbm>> -> memref<128x128xf32, #tpu.memory_space<hbm>>
        tpu.enqueue_dma source(%arg12 : memref<128x128xf32, #tpu.memory_space<vmem>>) target(%dma_start3A_121 : memref<128x128xf32, #tpu.memory_space<hbm>>) target_semaphore(%run_scoped3A_118 : memref<!tpu.dma_semaphore, #tpu.memory_space<semaphore_mem>>)
        %dma_wait3A_122 = arith.constant 0 : i32
        %dma_wait3A_123 = tpu.memref_slice %arg7[%add3A_107, %dma_wait3A_122] : memref<10240x128xf32, #tpu.memory_space<hbm>> -> memref<128x128xf32, #tpu.memory_space<hbm>>
        %dma_wait3A_124 = arith.constant 0 : i32
        %dma_wait3A_125 = tpu.memref_slice %arg7[%add3A_107, %dma_wait3A_124] : memref<10240x128xf32, #tpu.memory_space<hbm>> -> memref<128x128xf32, #tpu.memory_space<hbm>>
        tpu.wait_dma2 semaphore(%run_scoped3A_118 : memref<!tpu.dma_semaphore, #tpu.memory_space<semaphore_mem>>) src(%arg12 : memref<128x128xf32, #tpu.memory_space<vmem>>) dst(%dma_wait3A_125 : memref<128x128xf32, #tpu.memory_space<hbm>>)
        tpu.yield
      }) : () -> ()
    } else {
    }
    return
  }
}

module attributes {stable_mosaic.version = 14 : i64} {
  func.func @_mm_body2(%arg0: i32, %arg1: memref<1000x128xf32, #tpu.memory_space<vmem>>, %arg2: memref<1000x128xf32, #tpu.memory_space<vmem>>, %arg3: memref<128x256xf32, #tpu.memory_space<vmem>>, %arg4: memref<128x256xf32, #tpu.memory_space<vmem>>, %arg5: memref<1000x128xf32, #tpu.memory_space<vmem>>, %arg6: memref<1000x128xf32, #tpu.memory_space<vmem>>) attributes {dimension_semantics = [#tpu.dimension_semantics<arbitrary>], iteration_bounds = array<i64: 10>, scalar_prefetch = 0 : i64, scratch_operands = 0 : i64, tpu.core_type = #tpu.core_type<tc>, window_params = [{transform_indices = @transform_0, window_bounds = array<i64: 1000, 128>}, {transform_indices = @transform_1, window_bounds = array<i64: 1000, 128>}, {pipeline_mode = #tpu.pipeline_mode<synchronous>, transform_indices = @transform_2, window_bounds = array<i64: 128, 256>}, {pipeline_mode = #tpu.pipeline_mode<synchronous>, transform_indices = @transform_3, window_bounds = array<i64: 128, 256>}, {transform_indices = @transform_4, window_bounds = array<i64: 1000, 128>}, {transform_indices = @transform_5, window_bounds = array<i64: 1000, 128>}]} {
    %get3A = arith.constant 0 : index
    %get3A_0 = arith.constant 0 : index
    %get3A_1 = vector.load %arg1[%get3A, %get3A_0] : memref<1000x128xf32, #tpu.memory_space<vmem>>, vector<1000x128xf32>
    %get3A_2 = arith.constant 0 : index
    %get3A_3 = arith.constant 0 : index
    %get3A_4 = vector.load %arg3[%get3A_2, %get3A_3] : memref<128x256xf32, #tpu.memory_space<vmem>>, vector<128x256xf32>
    %dot_general3A = arith.constant dense<0.000000e+00> : vector<1000x256xf32>
    %dot_general3A_5 = tpu.matmul %get3A_1, %get3A_4, %dot_general3A {dimension_numbers = #tpu.dot_dimension_numbers<[1], [0], [0], [1], [0, 0, 1, 1], [], []>, precision = #tpu.contract_precision<fp32>, transpose_lhs_hint = false} : vector<1000x128xf32>, vector<128x256xf32>, vector<1000x256xf32> -> vector<1000x256xf32>
    %get3A_6 = arith.constant 0 : index
    %get3A_7 = arith.constant 0 : index
    %get3A_8 = vector.load %arg2[%get3A_6, %get3A_7] : memref<1000x128xf32, #tpu.memory_space<vmem>>, vector<1000x128xf32>
    %get3A_9 = arith.constant 0 : index
    %get3A_10 = arith.constant 0 : index
    %get3A_11 = vector.load %arg4[%get3A_9, %get3A_10] : memref<128x256xf32, #tpu.memory_space<vmem>>, vector<128x256xf32>
    %dot_general3A_12 = arith.constant dense<0.000000e+00> : vector<1000x256xf32>
    %dot_general3A_13 = tpu.matmul %get3A_8, %get3A_11, %dot_general3A_12 {dimension_numbers = #tpu.dot_dimension_numbers<[1], [0], [0], [1], [0, 0, 1, 1], [], []>, precision = #tpu.contract_precision<fp32>, transpose_lhs_hint = false} : vector<1000x128xf32>, vector<128x256xf32>, vector<1000x256xf32> -> vector<1000x256xf32>
    %add3A = arith.addf %dot_general3A_5, %dot_general3A_13 : vector<1000x256xf32>
    %max3A = arith.constant 0.000000e+00 : f32
    %max3A_14 = vector.broadcast %max3A : f32 to vector<1000x256xf32>
    %max3A_15 = arith.maximumf %add3A, %max3A_14 : vector<1000x256xf32>
    %slice3A = vector.extract_strided_slice %max3A_15 {offsets = [0, 0], sizes = [1000, 128], strides = [1, 1]} : vector<1000x256xf32> to vector<1000x128xf32>
    %swap3A = arith.constant 0 : index
    %swap3A_16 = arith.constant 0 : index
    %swap3A_17 = vector.load %arg5[%swap3A, %swap3A_16] : memref<1000x128xf32, #tpu.memory_space<vmem>>, vector<1000x128xf32>
    tpu.vector_store %arg5[%swap3A, %swap3A_16], %slice3A {strides = array<i32>} : memref<1000x128xf32, #tpu.memory_space<vmem>>, vector<1000x128xf32>,
    %slice3A_18 = vector.extract_strided_slice %max3A_15 {offsets = [0, 128], sizes = [1000, 128], strides = [1, 1]} : vector<1000x256xf32> to vector<1000x128xf32>
    %swap3A_19 = arith.constant 0 : index
    %swap3A_20 = arith.constant 0 : index
    %swap3A_21 = vector.load %arg6[%swap3A_19, %swap3A_20] : memref<1000x128xf32, #tpu.memory_space<vmem>>, vector<1000x128xf32>
    tpu.vector_store %arg6[%swap3A_19, %swap3A_20], %slice3A_18 {strides = array<i32>} : memref<1000x128xf32, #tpu.memory_space<vmem>>, vector<1000x128xf32>,
    return
  }
  func.func @transform_0(%arg0: i32) -> (i32, i32) {
    %c0_i32 = arith.constant 0 : i32
    %c0_i32_0 = arith.constant 0 : i32
    return %arg0, %c0_i32 : i32, i32
  }
  func.func @transform_1(%arg0: i32) -> (i32, i32) {
    %c0_i32 = arith.constant 0 : i32
    %c0_i32_0 = arith.constant 0 : i32
    return %arg0, %c0_i32 : i32, i32
  }
  func.func @transform_2(%arg0: i32) -> (i32, i32) {
    %c0_i32 = arith.constant 0 : i32
    %c0_i32_0 = arith.constant 0 : i32
    %c0_i32_1 = arith.constant 0 : i32
    return %c0_i32, %c0_i32_0 : i32, i32
  }
  func.func @transform_3(%arg0: i32) -> (i32, i32) {
    %c0_i32 = arith.constant 0 : i32
    %c0_i32_0 = arith.constant 0 : i32
    %c0_i32_1 = arith.constant 0 : i32
    return %c0_i32, %c0_i32_0 : i32, i32
  }
  func.func @transform_4(%arg0: i32) -> (i32, i32) {
    %c0_i32 = arith.constant 0 : i32
    %c0_i32_0 = arith.constant 0 : i32
    return %arg0, %c0_i32 : i32, i32
  }
  func.func @transform_5(%arg0: i32) -> (i32, i32) {
    %c0_i32 = arith.constant 0 : i32
    %c0_i32_0 = arith.constant 0 : i32
    return %arg0, %c0_i32 : i32, i32
  }
}

module attributes {stable_mosaic.version = 14 : i64} {
  func.func @_mm_body1(%arg0: i32, %arg1: memref<1000x128xf32, #tpu.memory_space<vmem>>, %arg2: memref<1000x128xf32, #tpu.memory_space<vmem>>, %arg3: memref<128x256xf32, #tpu.memory_space<vmem>>, %arg4: memref<128x256xf32, #tpu.memory_space<vmem>>, %arg5: memref<1000x256xf32, #tpu.memory_space<vmem>>) attributes {dimension_semantics = [#tpu.dimension_semantics<arbitrary>], iteration_bounds = array<i64: 10>, scalar_prefetch = 0 : i64, scratch_operands = 0 : i64, tpu.core_type = #tpu.core_type<tc>, window_params = [{transform_indices = @transform_0, window_bounds = array<i64: 1000, 128>}, {transform_indices = @transform_1, window_bounds = array<i64: 1000, 128>}, {pipeline_mode = #tpu.pipeline_mode<synchronous>, transform_indices = @transform_2, window_bounds = array<i64: 128, 256>}, {pipeline_mode = #tpu.pipeline_mode<synchronous>, transform_indices = @transform_3, window_bounds = array<i64: 128, 256>}, {transform_indices = @transform_4, window_bounds = array<i64: 1000, 256>}]} {
    %get3A = arith.constant 0 : index
    %get3A_0 = arith.constant 0 : index
    %get3A_1 = vector.load %arg1[%get3A, %get3A_0] : memref<1000x128xf32, #tpu.memory_space<vmem>>, vector<1000x128xf32>
    %get3A_2 = arith.constant 0 : index
    %get3A_3 = arith.constant 0 : index
    %get3A_4 = vector.load %arg3[%get3A_2, %get3A_3] : memref<128x256xf32, #tpu.memory_space<vmem>>, vector<128x256xf32>
    %dot_general3A = arith.constant dense<0.000000e+00> : vector<1000x256xf32>
    %dot_general3A_5 = tpu.matmul %get3A_1, %get3A_4, %dot_general3A {dimension_numbers = #tpu.dot_dimension_numbers<[1], [0], [0], [1], [0, 0, 1, 1], [], []>, precision = #tpu.contract_precision<fp32>, transpose_lhs_hint = false} : vector<1000x128xf32>, vector<128x256xf32>, vector<1000x256xf32> -> vector<1000x256xf32>
    %get3A_6 = arith.constant 0 : index
    %get3A_7 = arith.constant 0 : index
    %get3A_8 = vector.load %arg2[%get3A_6, %get3A_7] : memref<1000x128xf32, #tpu.memory_space<vmem>>, vector<1000x128xf32>
    %get3A_9 = arith.constant 0 : index
    %get3A_10 = arith.constant 0 : index
    %get3A_11 = vector.load %arg4[%get3A_9, %get3A_10] : memref<128x256xf32, #tpu.memory_space<vmem>>, vector<128x256xf32>
    %dot_general3A_12 = arith.constant dense<0.000000e+00> : vector<1000x256xf32>
    %dot_general3A_13 = tpu.matmul %get3A_8, %get3A_11, %dot_general3A_12 {dimension_numbers = #tpu.dot_dimension_numbers<[1], [0], [0], [1], [0, 0, 1, 1], [], []>, precision = #tpu.contract_precision<fp32>, transpose_lhs_hint = false} : vector<1000x128xf32>, vector<128x256xf32>, vector<1000x256xf32> -> vector<1000x256xf32>
    %add3A = arith.addf %dot_general3A_5, %dot_general3A_13 : vector<1000x256xf32>
    %max3A = arith.constant 0.000000e+00 : f32
    %max3A_14 = vector.broadcast %max3A : f32 to vector<1000x256xf32>
    %max3A_15 = arith.maximumf %add3A, %max3A_14 : vector<1000x256xf32>
    %swap3A = arith.constant 0 : index
    %swap3A_16 = arith.constant 0 : index
    %swap3A_17 = vector.load %arg5[%swap3A, %swap3A_16] : memref<1000x256xf32, #tpu.memory_space<vmem>>, vector<1000x256xf32>
    tpu.vector_store %arg5[%swap3A, %swap3A_16], %max3A_15 {strides = array<i32>} : memref<1000x256xf32, #tpu.memory_space<vmem>>, vector<1000x256xf32>,
    return
  }
  func.func @transform_0(%arg0: i32) -> (i32, i32) {
    %c0_i32 = arith.constant 0 : i32
    %c0_i32_0 = arith.constant 0 : i32
    return %arg0, %c0_i32 : i32, i32
  }
  func.func @transform_1(%arg0: i32) -> (i32, i32) {
    %c0_i32 = arith.constant 0 : i32
    %c0_i32_0 = arith.constant 0 : i32
    return %arg0, %c0_i32 : i32, i32
  }
  func.func @transform_2(%arg0: i32) -> (i32, i32) {
    %c0_i32 = arith.constant 0 : i32
    %c0_i32_0 = arith.constant 0 : i32
    %c0_i32_1 = arith.constant 0 : i32
    return %c0_i32, %c0_i32_0 : i32, i32
  }
  func.func @transform_3(%arg0: i32) -> (i32, i32) {
    %c0_i32 = arith.constant 0 : i32
    %c0_i32_0 = arith.constant 0 : i32
    %c0_i32_1 = arith.constant 0 : i32
    return %c0_i32, %c0_i32_0 : i32, i32
  }
  func.func @transform_4(%arg0: i32) -> (i32, i32) {
    %c0_i32 = arith.constant 0 : i32
    %c0_i32_0 = arith.constant 0 : i32
    return %arg0, %c0_i32 : i32, i32
  }
}

</mosaic_0001>

<sc_bundles>
// kernel: kernel.6.cloned.1.call-start
scs
__scs_entry_jumppad:
0x0: {  	(pc) =	sbr.rel $0x88, $3  }
0x1: {  	(tag) =	ssettag $0x0;
	lr =	simm.s32 $0x1  }
0x2: {  	[smem:$0x3F9D] =	sst lr;
	_ =	strace $0xD0000000  }
0x3: {  	_ = 	snop  }
0x4: {  	_ = 	snop  }
0x5: {  	_ = 	snop  }
0x6: {  	_ = 	snop  }
0x7: {  	_ = 	snop  }
__scs_overlays_trampoline_lowered:
0x8: {  	[smem:$0x3FAC] =	sst s0  }
0x9: {  	[smem:$0x3FAD] =	sst s1  }
0xa: {  	[smem:$0x3FAE] =	sst s2  }
0xb: {  	[smem:$0x3FAF] =	sst s3  }
0xc: {  	[smem:$0x3FB0] =	sst s4  }
0xd: {  	[smem:$0x3FB1] =	sst s5  }
0xe: {  	[smem:$0x3FB2] =	sst s6  }
0xf: {  	[smem:$0x3FB3] =	sst s7  }
0x10: {  	[smem:$0x3FB4] =	sst s8  }
0x11: {  	[smem:$0x3FB5] =	sst s9;
	s0 =	simm.s32 @!p0 $0x0  }
0x12: {  	s1 =	sld [smem:$0x3F9B];
	s0 =	simm.s32 @p0 $0x1  }
0x13: {  	[smem:$0x3FB6] =	sst s0;
	s0 =	simm.s32 @!p1 $0x0  }
0x14: {  	s2 =	sld [smem:$0x3F9A];
	s0 =	simm.s32 @p1 $0x1  }
0x15: {  	[smem:$0x3FB7] =	sst s0;
	s0 =	simm.s32 @!p2 $0x0  }
0x16: {  	s3 =	sld [smem:$0x3FDB];
	s0 =	simm.s32 @p2 $0x1  }
0x17: {  	s4 =	simm.s32 $0x1BF5;
	[smem:$0x3FB9] =	sst s0  }
0x18: {  	s0 =	sld [smem:$0x3F9C];
	_ =	swait.ge [sflag:s4], $0x0  }
0x19: {  	s7 =	sld [smem:$0x3F9D]  }
0x1a: {  	s8 =	sadd.s32 $0xFFFFE003, lr  }
0x1b: {  	s9 =	sadd.s32 $0xFFFFFEF7, lr;
	s5 =	simm.s32 $0xFFFFFFFF;
	p2 =	slt.u32 s8, $0xFFFFF086  }
0x1c: {  	p1 =	slt.u32 s9, $0xF7A;
	s5 =	simm.s32 @!p2 $0x0  }
0x1d: {  	s5 =	simm.s32 @p1 $0x1;
	p0 =	seq.s32 s7, s2  }
0x1e: {  	s7 =	smul.u32 @!p0 $0xF7A, s2;
	p2 =	seq.s32 @!p0 s5, $0x0  }
0x1f: {  	s9 =	smul.u32 $0xF7A, s1;
	s8 =	simm.s32 @!p0 $0x1BF5;
	p2 =	por !p2, p0  }
0x20: {  	[sflag:s8] =	ssyncset.s32 @!p0 $0xFFFFF086;
	s6 =	sadd.s32 @!p0 s3, s7;
	s7 =	simm.s32 @!p0 $0x108  }
0x21: {  	s3 =	sadd.s32 s3, s9;
	s6 =	sadd.s32 @!p0 $0x88, s6;
	s7 =	simm.s32 @p2 $0x1082  }
0x22: {  	[simem:s7], [sflag:s8] =	dma.local @!p0 [hbm:s6], $0xF7A  }
0x23: {  	s9 =	sor.u32 $0xD0000000, s2;
	s6 =	simm.s32 $0x108;
	_ =	swait.ge @!p0 [sflag:s8], $0x0  }
0x24: {  	s3 =	sadd.s32 $0x88, s3;
	s6 =	simm.s32 @!p1 $0x1082;
	[sflag:s4] =	ssyncset.s32 $0xFFFFF086  }
0x25: {  	[simem:s6], [sflag:s4] =	dma.local [hbm:s3], $0xF7A  }
0x26: {  	[smem:$0x3F9D] =	sst s1;
	(tag) =	ssettag s2;
	_ =	strace s9  }
0x27: {  	s1 =	sld [smem:$0x3FAD]  }
0x28: {  	s2 =	sld [smem:$0x3FAE]  }
0x29: {  	s4 =	sld [smem:$0x3FB0]  }
0x2a: {  	p0 =	seq.s32 s5, $0x0;
	s5 =	sld [smem:$0x3FB1]  }
0x2b: {  	s6 =	sld [smem:$0x3FB2]  }
0x2c: {  	s7 =	sld [smem:$0x3FB3]  }
0x2d: {  	s3 =	simm.s32 $0x108;
	s8 =	sld [smem:$0x3FB4]  }
0x2e: {  	s3 =	simm.s32 @!p0 $0x1082;
	s9 =	sld [smem:$0x3FB5]  }
0x2f: {  	lr =	sadd.s32 s0, s3;
	s0 =	sld [smem:$0x3FAC]  }
0x30: {  	s3 =	sld [smem:$0x3FAF]  }
0x31: {  	[smem:$0x3FB8] =	sst s10  }
0x32: {  	s10 =	sld [smem:$0x3FB6];
	_ =	sdelay $0x3  }
0x33: {  	p0 =	seq.s32 s10, $0x1;
	s10 =	sld [smem:$0x3FB8];
	_ =	sdelay $0x3  }
0x34: {  	[smem:$0x3FB8] =	sst s10  }
0x35: {  	s10 =	sld [smem:$0x3FB7];
	_ =	sdelay $0x3  }
0x36: {  	p1 =	seq.s32 s10, $0x1;
	s10 =	sld [smem:$0x3FB8];
	_ =	sdelay $0x3  }
0x37: {  	[smem:$0x3FB8] =	sst s10  }
0x38: {  	s10 =	sld [smem:$0x3FB9]  }
0x39: {  	_ = 	snop;
	(pc) =	sbr.ind lr, $3  }
0x3a: {  	_ = 	snop  }
0x3b: {  	_ = 	snop  }
0x3c: {  	p2 =	seq.s32 s10, $0x1;
	s10 =	sld [smem:$0x3FB8]  }
0x3d: {  	_ =	shalt  }
0x3e: {  	_ =	shalt  }
0x3f: {  	_ =	shalt  }
0x40: {  	_ =	shalt  }
0x41: {  	_ =	shalt  }
0x42: {  	_ =	shalt  }
0x43: {  	_ =	shalt  }
0x44: {  	_ =	shalt  }
0x45: {  	_ =	shalt  }
0x46: {  	_ =	shalt  }
0x47: {  	_ =	shalt  }
0x48: {  	_ =	shalt  }
0x49: {  	_ =	shalt  }
0x4a: {  	_ =	shalt  }
0x4b: {  	_ =	shalt  }
0x4c: {  	_ =	shalt  }
0x4d: {  	_ =	shalt  }
0x4e: {  	_ =	shalt  }
0x4f: {  	_ =	shalt  }
0x50: {  	_ =	shalt  }
0x51: {  	_ =	shalt  }
0x52: {  	_ =	shalt  }
0x53: {  	_ =	shalt  }
0x54: {  	_ =	shalt  }
0x55: {  	_ =	shalt  }
0x56: {  	_ =	shalt  }
0x57: {  	_ =	shalt  }
0x58: {  	_ =	shalt  }
0x59: {  	_ =	shalt  }
0x5a: {  	_ =	shalt  }
0x5b: {  	_ =	shalt  }
0x5c: {  	_ =	shalt  }
0x5d: {  	_ =	shalt  }
0x5e: {  	_ =	shalt  }
0x5f: {  	_ =	shalt  }
0x60: {  	_ =	shalt  }
0x61: {  	_ =	shalt  }
0x62: {  	_ =	shalt  }
0x63: {  	_ =	shalt  }
0x64: {  	_ =	shalt  }
0x65: {  	_ =	shalt  }
0x66: {  	_ =	shalt  }
0x67: {  	_ =	shalt  }
0x68: {  	_ =	shalt  }
0x69: {  	_ =	shalt  }
0x6a: {  	_ =	shalt  }
0x6b: {  	_ =	shalt  }
0x6c: {  	_ =	shalt  }
0x6d: {  	_ =	shalt  }
0x6e: {  	_ =	shalt  }
0x6f: {  	_ =	shalt  }
0x70: {  	_ =	shalt  }
0x71: {  	_ =	shalt  }
0x72: {  	_ =	shalt  }
0x73: {  	_ =	shalt  }
0x74: {  	_ =	shalt  }
0x75: {  	_ =	shalt  }
0x76: {  	_ =	shalt  }
0x77: {  	_ =	shalt  }
0x78: {  	_ =	shalt  }
0x79: {  	_ =	shalt  }
0x7a: {  	_ =	shalt  }
0x7b: {  	_ =	shalt  }
0x7c: {  	_ =	shalt  }
0x7d: {  	_ =	shalt  }
0x7e: {  	_ =	shalt  }
0x7f: {  	_ =	shalt  }
0x80: {  	_ =	shalt  }
0x81: {  	_ =	shalt  }
0x82: {  	_ =	shalt  }
0x83: {  	_ =	shalt  }
0x84: {  	_ =	shalt  }
0x85: {  	_ =	shalt  }
0x86: {  	_ =	shalt  }
0x87: {  	_ =	shalt  }
.Lfunc_end0:
.L_simem_size_0:
called_computation_lowered:
.L_overlay_start_0:
0x88: {  	s2 =	sld [smem:$0x3FD9]  }
0x89: {  	s3 =	sld [smem:$0x3FFE];
	_ =	sdelay $0x1  }
0x8a: {  	s1 =	srdreg.scid  }
0x8b: {  	s0 =	sand.u32 $0x1, s1  }
0x8c: {  	s17 =	sshll.u32 s0, $0xA;
	s2 =	sadd.s32 s3, s2  }
0x8d: {  	s2 =	sadd.s32 s2, s17  }
0x8e: {  	[smem:$0x3FC4] =	sst s2  }
0x8f: {  	_ = 	snop  }
0x90: {  	s2 =	sld [smem:$0x3FD0];
	(tm) =	ssettm $0x1  }
0x91: {  	s18 =	sld [smem:$0x3FFB];
	_ =	sdelay $0x3  }
0x92: {  	_ =	strace s18  }
0x93: {  	s3 =	sld [smem:$0x3FFC];
	_ =	sdelay $0x3  }
0x94: {  	_ =	strace s3  }
0x95: {  	s3 =	sld [smem:$0x3FFD];
	_ =	sdelay $0x3  }
0x96: {  	_ =	strace s3  }
0x97: {  	_ =	strace $0x8FFFFFFF  }
0x98: {  	s19 =	sld [smem:$0x3FDB];
	_ =	sdelay $0x1  }
0x99: {  	s4 =	simm.s32 $_scs_section_size  }
0x9a: {  	s5 =	simm.s32 $_size__tile_overlayer_lowered;
	s6 =	simm.s32 $_tile_overlayer_lowered  }
0x9b: {  	s22 =	simm.s32 $0x1BFF;
	s21 =	sshll.u32 s6, $0x1;
	s3 =	sadd.s32 s4, s19  }
0x9c: {  	s7 =	simm.s32 $0x0;
	s20 =	sshll.u32 s5, $0x1;
	s5 =	sadd.s32 s21, s3  }
0x9d: {  	[timem:s7], [sflag:s22] =	dma.local [hbm:s5], s20  }
0x9e: {  	_ =	swait.ge [sflag:s22], s20  }
0x9f: {  	s4 =	ssub.s32 $0x0, s20;
	[sflag:s22] =	ssyncset.done $0x0  }
0xa0: {  	[sflag:s22] =	ssyncadd.s32 s4;
	_ =	sdelay $0x1  }
0xa1: {  	s23 =	simm.s32 $0x1B8B  }
0xa2: {  	_ =	swait.ge [sflag:s23], $0x1  }
0xa3: {  	[sflag:s23] =	ssyncset.done $0x0  }
0xa4: {  	s25 =	simm.s32 $0x1B8E;
	s24 =	sld [smem:$0x3FFE];
	[sflag:s23] =	ssyncadd.s32 $0xFFFFFFFF  }
0xa5: {  	s26 =	simm.s32 $execute0_lowered;
	[smem:$0x3FD2] =	sst s25  }
0xa6: {  	s5 =	sshll.u32 s26, $0x1;
	_ =	strace $0x80000046;
	[dreg:$0x1] =	wrdreg $0xFFFFFFFF  }
0xa7: {  	s28 =	simm.s32 $_size_execute0_lowered;
	s3 =	sadd.s32 s3, s5;
	[dreg:$0x0] =	wrdreg $0x0  }
0xa8: {  	s5 =	sshll.u32 s28, $0x1;
	[dreg:$0x2] =	wrdreg s3  }
0xa9: {  	[dreg:$0x3] =	wrdreg s5  }
0xaa: {  	[dreg:$0x4] =	wrdreg $0xC0  }
0xab: {  	_ =	task [dreg:s7], $0x5FFFF  }
0xac: {  	[dreg:$0x1] =	wrdreg $0xFFFFFFFF  }
0xad: {  	[dreg:$0x0] =	wrdreg $0x60  }
0xae: {  	[dreg:$0x2] =	wrdreg s24  }
0xaf: {  	[dreg:$0x3] =	wrdreg s2  }
0xb0: {  	[dreg:$0x4] =	wrdreg $0x0  }
0xb1: {  	[dreg:$0x5] =	wrdreg $0x9  }
0xb2: {  	_ =	task.clear_ibuf [dreg:s7], $0x6FFFF;
	_ =	strace $0x90000046  }
0xb3: {  	s29 =	simm.s32 $0x9;
	_ =	strace $0x80000048  }
0xb4: {  	_ =	swait.ge [sflag:s29], $0x1  }
0xb5: {  	[sflag:s29] =	ssyncadd.s32 $0xFFFFFFFF  }
0xb6: {  	_ =	strace $0x90000048  }
0xb7: {  	_ =	sfence  }
0xb8: {  	s30 =	sld [smem:$0x0];
	_ =	sdelay $0x2  }
0xb9: {  	s31 =	sshll.u32 s1, $0xD;
	s1 =	sshrl.u32 s1, $0x2  }
0xba: {  	s3 =	sand.u32 $0x4000, s31;
	s1 =	sadd.s32 s1, s30  }
0xbb: {  	s0 =	sor.u32 s3, s0;
	s1 =	sshll.u32 s1, $0x11  }
0xbc: {  	s0 =	sor.u32 s1, s0  }
0xbd: {  	s0 =	sadd.s32 $0x8F2B, s0  }
0xbe: {  	[sflag:s0] =	ssyncadd.remote.s32 $0x1  }
0xbf: {  	_ =	sfence.sel $0xFFFF  }
0xc0: {  	[dreg:$0x0] =	wrdreg $0xFFFFFFFF;
	(pc) =	sbr.abs _section_cstart, $3  }
0xc1: {  	[dreg:$0x1] =	wrdreg $0xFFFFFFFF  }
0xc2: {  	_ =	task.clear_ibuf [dreg:s7], $0x2FFFF;
	_ =	strace $0x9FFFFFFF  }
0xc3: {  	(tm) =	ssettm $0x7FFFFFFF  }
tec
execute0_lowered:
.L_overlay_start_1:
0x0: {  	(tag) =	ssettag $0x1  }
0x1: {  	s0 =	rddreg [dreg:$0x0]  }
0x2: {  	s2 =	rddreg [dreg:$0x1]  }
0x3: {  	s1 =	rddreg [dreg:$0x2];
	s3 =	simm.s32 $0x0  }
0x4: {  	s4 =	srdreg.scid;
	s8 =	stileid.u32;
	s28 =	simm.s32 $0x4  }
0x5: {  	s29 =	simm.s32 $0x3;
	s30 =	simm.s32 $0x0;
	[smem:$0x7FF] =	sst s3  }
0x6: {  	s11 =	sadd.s32 $0x50400, s0;
	s13 =	sand.u32 $0x1, s4;
	s7 =	smul.u32 $0x280, s8  }
0x7: {  	s12 =	sadd.s32 $0x55400, s0;
	s5 =	smul.u32 $0x50000, s8;
	s18 =	sadd.s32 $0x5A400, s0  }
0x8: {  	s19 =	smul.u32 $0x2800, s8;
	_ =	strace $0x80000047;
	s4 =	ssub.s32 $0x2, s13  }
0x9: {  	p0 =	seq.s32 s13, $0x1;
	p1 =	seq.s32 s13, $0x0;
	s6 =	sshrl.u32 s4, $0x1  }
0xa: {  	s14 =	sadd.s32 $0x80, s7;
	s22 =	sshrl.u32 s5, $0x2;
	s16 =	sadd.s32 $0x100, s7  }
0xb: {  	s17 =	sadd.s32 $0x180, s7;
	s20 =	sadd.s32 $0x200, s7;
	s10 =	sshrl.u32 s19, $0x3  }
0xc: {  	s18 =	smov.u32 @p1 s2;
	s15 =	ssub.s32 s4, s6;
	s23 =	sshll.u32 s14, $0x7  }
0xd: {  	s4 =	sadd.s32 s22, s1;
	s24 =	sshll.u32 s16, $0x7;
	s25 =	sshll.u32 s17, $0x7  }
0xe: {  	s26 =	sshll.u32 s20, $0x7;
	s9 =	sadd.s32 s11, s10;
	s21 =	sadd.s32 $0x280, s10  }
0xf: {  	s10 =	sadd.s32 s12, s10;
	s31 =	sshll.u32 s14, $0x4;
	s16 =	sshll.u32 s16, $0x4  }
0x10: {  	s17 =	sshll.u32 s17, $0x4;
	s14 =	simm.s32 $0x2000;
	s20 =	sshll.u32 s20, $0x4  }
0x11: {  	s22 =	simm.s32 $0x14000;
	s5 =	sadd.s32 s23, s1;
	s6 =	sadd.s32 s24, s1  }
0x12: {  	s7 =	sadd.s32 s25, s1;
	s8 =	sadd.s32 s26, s1;
	[dreg:$0x4] =	wrdreg s9  }
0x13: {  	s11 =	sadd.s32 s11, s21;
	s12 =	sadd.s32 s12, s21;
	s14 =	simm.s32 @!p0 $0x29200  }
.Ltmp0:
0x14: {  	s13 =	smax.u32 s15, $0x1;
	s15 =	sadd.s32 s18, s31;
	(pc) =	sbr.rel .LBB2_1-.Ltmp0, $4  }
0x15: {  	s16 =	sadd.s32 s18, s16;
	s17 =	sadd.s32 s18, s17;
	s21 =	simm.s32 $0x5  }
0x16: {  	s23 =	simm.s32 $0x15400;
	s24 =	simm.s32 $0x1A800;
	s25 =	simm.s32 $0x1  }
0x17: {  	s26 =	simm.s32 $0x2;
	s0 =	sadd.s32 s14, s0;
	s14 =	sadd.s32 s18, s19  }
0x18: {  	v0 =	vimm.f32 $0.0e+00;
	s18 =	sadd.s32 s18, s20;
	s20 =	simm.s32 $0x16800;
	s2 =	sadd.s32 $0x80, s0  }
.LBB2_15:
0x19: {  	_ =	swait.ge [sflag:s26], $0x4000  }
0x1a: {  	[sflag:s26] =	ssyncset.done $0x0  }
0x1b: {  	[sflag:s26] =	ssyncadd.s32 $0xFFFFC000  }
0x1c: {  	[spmem:s1] =	stream.linear.scatter [tilespmem:s24], [sflag:$0x4], $0x4000, $0x38;
	[tilespmem:$0x1E800] =	vst v63  }
0x1d: {  	_ =	swait.ge [sflag:s28], $0x4000  }
0x1e: {  	[sflag:s28] =	ssyncset.done $0x0  }
0x1f: {  	[sflag:s28] =	ssyncadd.s32 $0xFFFFC000  }
0x20: {  	_ =	swait.ge [sflag:s29], $0x4000  }
0x21: {  	[sflag:s29] =	ssyncset.done $0x0  }
0x22: {  	[sflag:s29] =	ssyncadd.s32 $0xFFFFC000  }
0x23: {  	[bflag:$0x0] =	sbarrier.arrive $0xFFFF  }
0x24: {  	[tilespmem:s24], [sflag:$0x5] =	stream.linear.gather [spmem:s4], $0x4000, $0x38;
	[tilespmem:$0x1E800] =	vst v63  }
0x25: {  	_ =	swait.ge [sflag:s21], $0x4000  }
0x26: {  	[sflag:s21] =	ssyncset.done $0x0  }
0x27: {  	[sflag:s21] =	ssyncadd.s32 $0xFFFFC000  }
0x28: {  	[hbm4b:s14+s3] =	stream.linear.scatter [tilespmem:s24], [sflag:$0x5], $0x4000, $0x38;
	[tilespmem:$0x1E800] =	vst v63  }
0x29: {  	_ =	swait.ge [sflag:s21], $0x4000  }
0x2a: {  	[sflag:s21] =	ssyncset.done $0x0  }
0x2b: {  	[sflag:s21] =	ssyncadd.s32 $0xFFFFC000  }
0x2c: {  	[tilespmem:s24], [sflag:$0x5] =	stream.linear.gather [spmem:s5], $0x4000, $0x38;
	[tilespmem:$0x1E800] =	vst v63  }
0x2d: {  	_ =	swait.ge [sflag:s21], $0x4000  }
0x2e: {  	[sflag:s21] =	ssyncset.done $0x0  }
0x2f: {  	[sflag:s21] =	ssyncadd.s32 $0xFFFFC000  }
0x30: {  	[hbm4b:s15+s3] =	stream.linear.scatter [tilespmem:s24], [sflag:$0x5], $0x4000, $0x38;
	[tilespmem:$0x1E800] =	vst v63  }
0x31: {  	_ =	swait.ge [sflag:s21], $0x4000  }
0x32: {  	[sflag:s21] =	ssyncset.done $0x0  }
0x33: {  	[sflag:s21] =	ssyncadd.s32 $0xFFFFC000  }
0x34: {  	[tilespmem:s24], [sflag:$0x5] =	stream.linear.gather [spmem:s6], $0x4000, $0x38;
	[tilespmem:$0x1E800] =	vst v63  }
0x35: {  	_ =	swait.ge [sflag:s21], $0x4000  }
0x36: {  	[sflag:s21] =	ssyncset.done $0x0  }
0x37: {  	[sflag:s21] =	ssyncadd.s32 $0xFFFFC000  }
0x38: {  	[hbm4b:s16+s3] =	stream.linear.scatter [tilespmem:s24], [sflag:$0x5], $0x4000, $0x38;
	[tilespmem:$0x1E800] =	vst v63  }
0x39: {  	_ =	swait.ge [sflag:s21], $0x4000  }
0x3a: {  	[sflag:s21] =	ssyncset.done $0x0  }
0x3b: {  	[sflag:s21] =	ssyncadd.s32 $0xFFFFC000  }
0x3c: {  	[tilespmem:s24], [sflag:$0x5] =	stream.linear.gather [spmem:s7], $0x4000, $0x38;
	[tilespmem:$0x1E800] =	vst v63  }
0x3d: {  	_ =	swait.ge [sflag:s21], $0x4000  }
0x3e: {  	[sflag:s21] =	ssyncset.done $0x0  }
0x3f: {  	[sflag:s21] =	ssyncadd.s32 $0xFFFFC000  }
0x40: {  	[hbm4b:s17+s3] =	stream.linear.scatter [tilespmem:s24], [sflag:$0x5], $0x4000, $0x38;
	[tilespmem:$0x1E800] =	vst v63  }
0x41: {  	_ =	swait.ge [sflag:s21], $0x4000  }
0x42: {  	[sflag:s21] =	ssyncset.done $0x0  }
0x43: {  	[sflag:s21] =	ssyncadd.s32 $0xFFFFC000  }
0x44: {  	[tilespmem:s24], [sflag:$0x5] =	stream.linear.gather [spmem:s8], $0x4000, $0x38;
	[tilespmem:$0x1E800] =	vst v63  }
0x45: {  	s30 =	sadd.s32 $0x1, s30;
	_ =	swait.ge [sflag:s21], $0x4000  }
0x46: {  	p0 =	sne.s32 s30, s13;
	[sflag:s21] =	ssyncset.done $0x0  }
.Ltmp1:
0x47: {  	[sflag:s21] =	ssyncadd.s32 $0xFFFFC000;
	(pc) =	sbr.rel @!p0 .LBB2_16-.Ltmp1, $4  }
0x48: {  	[hbm4b:s18+s3] =	stream.linear.scatter [tilespmem:s24], [sflag:$0x5], $0x4000, $0x38;
	[tilespmem:$0x1E800] =	vst v63  }
0x49: {  	_ =	swait.ge [sflag:s21], $0x4000  }
0x4a: {  	[sflag:s21] =	ssyncset.done $0x0  }
0x4b: {  	[sflag:s21] =	ssyncadd.s32 $0xFFFFC000  }
.LBB2_1:
0x4c: {  	s0 =	sand.u32 $0xFE00, s3  }
0x4d: {  	s19 =	sand.u32 $0x70, s3;
	s31 =	sshrl.u32 s0, $0x2  }
0x4e: {  	s0 =	simm.s32 $0x40;
	s31 =	sor.u32 s19, s31;
	s19 =	simm.s32 $0x0  }
.LBB2_2:
0x4f: {  	p0 =	sne.s32 s0, $0xFFC0  }
0x50: {  	[tilespmem:s31+$0x16800] =	vst v0;
	s19 =	sadd.s32 $0x10, s19;
	s31 =	smov.u32 s0;
	s0 =	sadd.s32 $0x40, s0  }
.Ltmp2:
0x51: {  	(pc) =	sbr.rel @p0 .LBB2_2-.Ltmp2, $4  }
0x52: {  	_ = 	snop  }
0x53: {  	s31 =	sand.u32 $0xFE00, s31  }
0x54: {  	s9 =	sand.u32 $0x70, s19;
	s31 =	sshrl.u32 s31, $0x2  }
0x55: {  	s31 =	sor.u32 s9, s31  }
0x56: {  	[tilespmem:s31+$0x16800] =	vst v0  }
0x57: {  	[spmem:s4] =	stream.linear.scatter [tilespmem:s20], [sflag:$0x5], $0x4000, $0x38;
	[tilespmem:$0x1E800] =	vst v63  }
0x58: {  	_ =	swait.ge [sflag:s21], $0x4000  }
0x59: {  	[sflag:s21] =	ssyncset.done $0x0  }
0x5a: {  	[sflag:s21] =	ssyncadd.s32 $0xFFFFC000  }
0x5b: {  	[spmem:s5] =	stream.linear.scatter [tilespmem:s20], [sflag:$0x5], $0x4000, $0x38;
	[tilespmem:$0x1E800] =	vst v63  }
0x5c: {  	_ =	swait.ge [sflag:s21], $0x4000  }
0x5d: {  	[sflag:s21] =	ssyncset.done $0x0  }
0x5e: {  	[sflag:s21] =	ssyncadd.s32 $0xFFFFC000  }
0x5f: {  	[spmem:s6] =	stream.linear.scatter [tilespmem:s20], [sflag:$0x5], $0x4000, $0x38;
	[tilespmem:$0x1E800] =	vst v63  }
0x60: {  	_ =	swait.ge [sflag:s21], $0x4000  }
0x61: {  	[sflag:s21] =	ssyncset.done $0x0  }
0x62: {  	[sflag:s21] =	ssyncadd.s32 $0xFFFFC000  }
0x63: {  	[spmem:s7] =	stream.linear.scatter [tilespmem:s20], [sflag:$0x5], $0x4000, $0x38;
	[tilespmem:$0x1E800] =	vst v63  }
0x64: {  	_ =	swait.ge [sflag:s21], $0x4000  }
0x65: {  	[sflag:s21] =	ssyncset.done $0x0  }
0x66: {  	[sflag:s21] =	ssyncadd.s32 $0xFFFFC000  }
0x67: {  	[spmem:s8] =	stream.linear.scatter [tilespmem:s20], [sflag:$0x5], $0x4000, $0x38;
	[tilespmem:$0x1E800] =	vst v63  }
0x68: {  	_ =	swait.ge [sflag:s21], $0x4000  }
0x69: {  	[sflag:s21] =	ssyncset.done $0x0  }
0x6a: {  	s31 =	simm.s32 $0x0;
	s0 =	rddreg [dreg:$0x4];
	[sflag:s21] =	ssyncadd.s32 $0xFFFFC000  }
0x6b: {  	[tilespmem:s22], [sflag:$0x5] =	stream.linear.gather [hbm4b:s0+s31], $0x1400, $0x38;
	[tilespmem:$0x1E800] =	vst v63  }
0x6c: {  	_ =	swait.ge [sflag:s21], $0x1400  }
0x6d: {  	[sflag:s21] =	ssyncset.done $0x0  }
0x6e: {  	[sflag:s21] =	ssyncadd.s32 $0xFFFFEC00  }
0x6f: {  	[tilespmem:s23], [sflag:$0x5] =	stream.linear.gather [hbm4b:s10+s31], $0x1400, $0x38;
	[tilespmem:$0x1E800] =	vst v63  }
.Ltmp3:
0x70: {  	_ =	swait.ge [sflag:s21], $0x1400;
	(pc) =	sbr.rel .LBB2_4-.Ltmp3, $4  }
0x71: {  	[sflag:s21] =	ssyncset.done $0x0  }
0x72: {  	[sflag:s21] =	ssyncadd.s32 $0xFFFFEC00  }
0x73: {  	[bflag:$0x0] =	sbarrier.arrive $0xFFFF  }
0x74: {  	s19 =	smov.u32 s2;
	s0 =	simm.s32 $0xFFFFFFFE  }
.LBB2_7:
0x75: {  	[tilespmem:s24], [sflag:$0x2] =	stream.linear.gather [hbm4b:s19+s3], $0x4000, $0x38;
	[tilespmem:$0x1E800] =	vst v63  }
0x76: {  	_ =	swait.ge [sflag:s25], $0x4000  }
0x77: {  	[sflag:s25] =	ssyncset.done $0x0  }
0x78: {  	[sflag:s25] =	ssyncadd.s32 $0xFFFFC000  }
0x79: {  	[spmem:s1] =	stream.linear.scatter [tilespmem:s20], [sflag:$0x3], $0x4000, $0x38;
	[tilespmem:$0x1E800] =	vst v63  }
.LBB2_8:
0x7a: {  	s31 =	sadd.s32 $0x1, s31  }
0x7b: {  	p0 =	sne.s32 s31, $0x14  }
.Ltmp4:
0x7c: {  	_ = 	snop;
	(pc) =	sbr.rel @!p0 .LBB2_9-.Ltmp4, $2  }
0x7d: {  	_ =	sdelay $0x2  }
0x7e: {  	s19 =	sadd.s32 $0x100, s19;
	s0 =	sadd.s32 $0x2, s0  }
.LBB2_4:
0x7f: {  	p0 =	sgt.u32 s0, $0x25  }
0x80: {  	s9 =	simm.s32 @!p0 $0x3  }
0x81: {  	_ =	swait.ge @!p0 [sflag:s9], $0x4000  }
0x82: {  	[sflag:s9] =	ssyncset.done @!p0 $0x0  }
0x83: {  	[sflag:s9] =	ssyncadd.s32 @!p0 $0xFFFFC000;
	s9 =	sadd.s32 $0xFFFFFF80, s19;
	p0 =	sgt.u32 s0, $0x27  }
0x84: {  	[tilespmem:s20], [sflag:$0x1] =	stream.linear.gather [hbm4b:s9+s3], $0x4000, $0x38;
	[tilespmem:$0x1E800] =	vst v63  }
0x85: {  	s9 =	simm.s32 @!p0 $0x2  }
0x86: {  	_ =	swait.ge @!p0 [sflag:s9], $0x4000  }
0x87: {  	[sflag:s9] =	ssyncset.done @!p0 $0x0  }
0x88: {  	[sflag:s9] =	ssyncadd.s32 @!p0 $0xFFFFC000;
	s9 =	simm.s32 @!p0 $0x1A800  }
0x89: {  	[spmem:s1] =	stream.linear.scatter @!p0 [tilespmem:s9], [sflag:$0x4], $0x4000, $0x38;
	[tilespmem:$0x1E800] =	vst v63  }
0x8a: {  	p0 =	seq.s32 s31, $0x0  }
.Ltmp5:
0x8b: {  	_ = 	snop;
	(pc) =	sbr.rel @p0 .LBB2_7-.Ltmp5, $1  }
0x8c: {  	_ =	sdelay $0x3  }
0x8d: {  	p0 =	seq.s32 s31, $0x14  }
.Ltmp6:
0x8e: {  	_ = 	snop;
	(pc) =	sbr.rel @p0 .LBB2_8-.Ltmp6, $1  }
0x8f: {  	_ =	sdelay $0x3  }
.Ltmp7:
0x90: {  	(pc) =	sbr.rel .LBB2_7-.Ltmp7, $4  }
0x91: {  	_ = 	snop  }
0x92: {  	_ =	swait.ge [sflag:s28], $0x4000  }
0x93: {  	[sflag:s28] =	ssyncset.done $0x0  }
0x94: {  	[sflag:s28] =	ssyncadd.s32 $0xFFFFC000  }
.LBB2_9:
0x95: {  	_ =	swait.ge [sflag:s26], $0x4000  }
0x96: {  	[sflag:s26] =	ssyncset.done $0x0  }
0x97: {  	[sflag:s26] =	ssyncadd.s32 $0xFFFFC000  }
0x98: {  	[spmem:s1] =	stream.linear.scatter [tilespmem:s24], [sflag:$0x4], $0x4000, $0x38;
	[tilespmem:$0x1E800] =	vst v63  }
0x99: {  	_ =	swait.ge [sflag:s28], $0x4000  }
0x9a: {  	[sflag:s28] =	ssyncset.done $0x0  }
0x9b: {  	[sflag:s28] =	ssyncadd.s32 $0xFFFFC000  }
0x9c: {  	_ =	swait.ge [sflag:s29], $0x4000  }
0x9d: {  	[sflag:s29] =	ssyncset.done $0x0  }
0x9e: {  	s31 =	simm.s32 $0x0;
	[sflag:s29] =	ssyncadd.s32 $0xFFFFC000  }
0x9f: {  	[tilespmem:s22], [sflag:$0x5] =	stream.linear.gather [hbm4b:s11+s31], $0x1400, $0x38;
	[tilespmem:$0x1E800] =	vst v63  }
0xa0: {  	_ =	swait.ge [sflag:s21], $0x1400  }
0xa1: {  	[sflag:s21] =	ssyncset.done $0x0  }
.Ltmp8:
0xa2: {  	[sflag:s21] =	ssyncadd.s32 $0xFFFFEC00;
	(pc) =	sbr.rel .LBB2_10-.Ltmp8, $4  }
0xa3: {  	[tilespmem:s23], [sflag:$0x5] =	stream.linear.gather [hbm4b:s12+s31], $0x1400, $0x38;
	[tilespmem:$0x1E800] =	vst v63  }
0xa4: {  	_ =	swait.ge [sflag:s21], $0x1400  }
0xa5: {  	[sflag:s21] =	ssyncset.done $0x0  }
0xa6: {  	s0 =	simm.s32 $0xFFFFFFFE;
	s19 =	smov.u32 s2;
	[sflag:s21] =	ssyncadd.s32 $0xFFFFEC00  }
.LBB2_13:
0xa7: {  	[tilespmem:s24], [sflag:$0x2] =	stream.linear.gather [hbm4b:s19+s3], $0x4000, $0x38;
	[tilespmem:$0x1E800] =	vst v63  }
0xa8: {  	_ =	swait.ge [sflag:s25], $0x4000  }
0xa9: {  	[sflag:s25] =	ssyncset.done $0x0  }
0xaa: {  	[sflag:s25] =	ssyncadd.s32 $0xFFFFC000  }
0xab: {  	[spmem:s1] =	stream.linear.scatter [tilespmem:s20], [sflag:$0x3], $0x4000, $0x38;
	[tilespmem:$0x1E800] =	vst v63  }
.LBB2_14:
0xac: {  	s31 =	sadd.s32 $0x1, s31  }
0xad: {  	p0 =	sne.s32 s31, $0x14  }
.Ltmp9:
0xae: {  	_ = 	snop;
	(pc) =	sbr.rel @!p0 .LBB2_15-.Ltmp9, $2  }
0xaf: {  	_ =	sdelay $0x2  }
0xb0: {  	s19 =	sadd.s32 $0x100, s19;
	s0 =	sadd.s32 $0x2, s0  }
.LBB2_10:
0xb1: {  	p0 =	sgt.u32 s0, $0x25  }
0xb2: {  	s9 =	simm.s32 @!p0 $0x3  }
0xb3: {  	_ =	swait.ge @!p0 [sflag:s9], $0x4000  }
0xb4: {  	[sflag:s9] =	ssyncset.done @!p0 $0x0  }
0xb5: {  	[sflag:s9] =	ssyncadd.s32 @!p0 $0xFFFFC000;
	s9 =	sadd.s32 $0xFFFFFF80, s19;
	p0 =	sgt.u32 s0, $0x27  }
0xb6: {  	[tilespmem:s20], [sflag:$0x1] =	stream.linear.gather [hbm4b:s9+s3], $0x4000, $0x38;
	[tilespmem:$0x1E800] =	vst v63  }
0xb7: {  	s9 =	simm.s32 @!p0 $0x2  }
0xb8: {  	_ =	swait.ge @!p0 [sflag:s9], $0x4000  }
0xb9: {  	[sflag:s9] =	ssyncset.done @!p0 $0x0  }
0xba: {  	[sflag:s9] =	ssyncadd.s32 @!p0 $0xFFFFC000;
	s9 =	simm.s32 @!p0 $0x1A800  }
0xbb: {  	[spmem:s1] =	stream.linear.scatter @!p0 [tilespmem:s9], [sflag:$0x4], $0x4000, $0x38;
	[tilespmem:$0x1E800] =	vst v63  }
0xbc: {  	p0 =	seq.s32 s31, $0x0  }
.Ltmp10:
0xbd: {  	_ = 	snop;
	(pc) =	sbr.rel @p0 .LBB2_13-.Ltmp10, $1  }
0xbe: {  	_ =	sdelay $0x3  }
0xbf: {  	p0 =	seq.s32 s31, $0x14  }
.Ltmp11:
0xc0: {  	_ = 	snop;
	(pc) =	sbr.rel @p0 .LBB2_14-.Ltmp11, $1  }
0xc1: {  	_ =	sdelay $0x3  }
.Ltmp12:
0xc2: {  	(pc) =	sbr.rel .LBB2_13-.Ltmp12, $4  }
0xc3: {  	_ = 	snop  }
0xc4: {  	_ =	swait.ge [sflag:s28], $0x4000  }
0xc5: {  	[sflag:s28] =	ssyncset.done $0x0  }
0xc6: {  	[sflag:s28] =	ssyncadd.s32 $0xFFFFC000  }
.LBB2_16:
0xc7: {  	_ =	sfence.sel $0x180000  }
0xc8: {  	[bflag:$0x0] =	sbarrier.arrive $0xFFFF  }
0xc9: {  	_ =	strace $0x90000047  }
0xca: {  	s0 =	stileid.u32;
	[bflag:$0x2] =	sbarrier.arrive $0xFFFF  }
0xcb: {  	p0 =	sne.s32 s0, $0x0;
	s0 =	rddreg [dreg:$0x3]  }
0xcc: {  	s0 =	sadd.s32 @!p0 $0x100000, s0  }
0xcd: {  	[sflag:s0] =	ssyncadd.tile.s32 @!p0 $0x1;
	_ =	shalt  }
.Lfunc_end2:
_tile_overlayer_lowered:
.L_overlay_start_2:
0xce: {  	(tag) =	ssettag $0x2  }
0xcf: {  	s0 =	rddreg [dreg:$0x0];
	s2 =	stileid.u32  }
0xd0: {  	s1 =	rddreg [dreg:$0x1];
	p0 =	sne.s32 s2, $0x0  }
0xd1: {  	s3 =	rddreg [dreg:$0x2];
	[bflag:$0x3] =	sbarrier.arrive $0xFFFF;
	s2 =	simm.s32 @!p0 $0x1C05  }
0xd2: {  	[timem:s3], [sflag:s2] =	dma.local @!p0 [hbm:s0], s1  }
0xd3: {  	s0 =	simm.s32 @!p0 $0x5  }
0xd4: {  	_ =	swait.ge @!p0 [sflag:s0], s1  }
0xd5: {  	s1 =	ssub.s32 @!p0 $0x0, s1;
	[sflag:s0] =	ssyncset.done @!p0 $0x0  }
0xd6: {  	[sflag:s0] =	ssyncadd.s32 @!p0 s1  }
0xd7: {  	[bflag:$0x3] =	sbarrier.arrive $0xFFFF  }
0xd8: {  	_ =	shalt  }

// kernel: kernel.9.cloned.1.call-start
scs
__scs_entry_jumppad:
0x0: {  	(pc) =	sbr.rel $0x88, $3  }
0x1: {  	(tag) =	ssettag $0x0;
	lr =	simm.s32 $0x1  }
0x2: {  	[smem:$0x3F9D] =	sst lr;
	_ =	strace $0xD0000000  }
0x3: {  	_ = 	snop  }
0x4: {  	_ = 	snop  }
0x5: {  	_ = 	snop  }
0x6: {  	_ = 	snop  }
0x7: {  	_ = 	snop  }
__scs_overlays_trampoline_lowered:
0x8: {  	[smem:$0x3FAC] =	sst s0  }
0x9: {  	[smem:$0x3FAD] =	sst s1  }
0xa: {  	[smem:$0x3FAE] =	sst s2  }
0xb: {  	[smem:$0x3FAF] =	sst s3  }
0xc: {  	[smem:$0x3FB0] =	sst s4  }
0xd: {  	[smem:$0x3FB1] =	sst s5  }
0xe: {  	[smem:$0x3FB2] =	sst s6  }
0xf: {  	[smem:$0x3FB3] =	sst s7  }
0x10: {  	[smem:$0x3FB4] =	sst s8  }
0x11: {  	[smem:$0x3FB5] =	sst s9;
	s0 =	simm.s32 @!p0 $0x0  }
0x12: {  	s1 =	sld [smem:$0x3F9B];
	s0 =	simm.s32 @p0 $0x1  }
0x13: {  	[smem:$0x3FB6] =	sst s0;
	s0 =	simm.s32 @!p1 $0x0  }
0x14: {  	s2 =	sld [smem:$0x3F9A];
	s0 =	simm.s32 @p1 $0x1  }
0x15: {  	[smem:$0x3FB7] =	sst s0;
	s0 =	simm.s32 @!p2 $0x0  }
0x16: {  	s3 =	sld [smem:$0x3FDB];
	s0 =	simm.s32 @p2 $0x1  }
0x17: {  	s4 =	simm.s32 $0x1BF5;
	[smem:$0x3FB9] =	sst s0  }
0x18: {  	s0 =	sld [smem:$0x3F9C];
	_ =	swait.ge [sflag:s4], $0x0  }
0x19: {  	s7 =	sld [smem:$0x3F9D]  }
0x1a: {  	s8 =	sadd.s32 $0xFFFFE003, lr  }
0x1b: {  	s9 =	sadd.s32 $0xFFFFFEF7, lr;
	s5 =	simm.s32 $0xFFFFFFFF;
	p2 =	slt.u32 s8, $0xFFFFF086  }
0x1c: {  	p1 =	slt.u32 s9, $0xF7A;
	s5 =	simm.s32 @!p2 $0x0  }
0x1d: {  	s5 =	simm.s32 @p1 $0x1;
	p0 =	seq.s32 s7, s2  }
0x1e: {  	s7 =	smul.u32 @!p0 $0xF7A, s2;
	p2 =	seq.s32 @!p0 s5, $0x0  }
0x1f: {  	s9 =	smul.u32 $0xF7A, s1;
	s8 =	simm.s32 @!p0 $0x1BF5;
	p2 =	por !p2, p0  }
0x20: {  	[sflag:s8] =	ssyncset.s32 @!p0 $0xFFFFF086;
	s6 =	sadd.s32 @!p0 s3, s7;
	s7 =	simm.s32 @!p0 $0x108  }
0x21: {  	s3 =	sadd.s32 s3, s9;
	s6 =	sadd.s32 @!p0 $0x88, s6;
	s7 =	simm.s32 @p2 $0x1082  }
0x22: {  	[simem:s7], [sflag:s8] =	dma.local @!p0 [hbm:s6], $0xF7A  }
0x23: {  	s9 =	sor.u32 $0xD0000000, s2;
	s6 =	simm.s32 $0x108;
	_ =	swait.ge @!p0 [sflag:s8], $0x0  }
0x24: {  	s3 =	sadd.s32 $0x88, s3;
	s6 =	simm.s32 @!p1 $0x1082;
	[sflag:s4] =	ssyncset.s32 $0xFFFFF086  }
0x25: {  	[simem:s6], [sflag:s4] =	dma.local [hbm:s3], $0xF7A  }
0x26: {  	[smem:$0x3F9D] =	sst s1;
	(tag) =	ssettag s2;
	_ =	strace s9  }
0x27: {  	s1 =	sld [smem:$0x3FAD]  }
0x28: {  	s2 =	sld [smem:$0x3FAE]  }
0x29: {  	s4 =	sld [smem:$0x3FB0]  }
0x2a: {  	p0 =	seq.s32 s5, $0x0;
	s5 =	sld [smem:$0x3FB1]  }
0x2b: {  	s6 =	sld [smem:$0x3FB2]  }
0x2c: {  	s7 =	sld [smem:$0x3FB3]  }
0x2d: {  	s3 =	simm.s32 $0x108;
	s8 =	sld [smem:$0x3FB4]  }
0x2e: {  	s3 =	simm.s32 @!p0 $0x1082;
	s9 =	sld [smem:$0x3FB5]  }
0x2f: {  	lr =	sadd.s32 s0, s3;
	s0 =	sld [smem:$0x3FAC]  }
0x30: {  	s3 =	sld [smem:$0x3FAF]  }
0x31: {  	[smem:$0x3FB8] =	sst s10  }
0x32: {  	s10 =	sld [smem:$0x3FB6];
	_ =	sdelay $0x3  }
0x33: {  	p0 =	seq.s32 s10, $0x1;
	s10 =	sld [smem:$0x3FB8];
	_ =	sdelay $0x3  }
0x34: {  	[smem:$0x3FB8] =	sst s10  }
0x35: {  	s10 =	sld [smem:$0x3FB7];
	_ =	sdelay $0x3  }
0x36: {  	p1 =	seq.s32 s10, $0x1;
	s10 =	sld [smem:$0x3FB8];
	_ =	sdelay $0x3  }
0x37: {  	[smem:$0x3FB8] =	sst s10  }
0x38: {  	s10 =	sld [smem:$0x3FB9]  }
0x39: {  	_ = 	snop;
	(pc) =	sbr.ind lr, $3  }
0x3a: {  	_ = 	snop  }
0x3b: {  	_ = 	snop  }
0x3c: {  	p2 =	seq.s32 s10, $0x1;
	s10 =	sld [smem:$0x3FB8]  }
0x3d: {  	_ =	shalt  }
0x3e: {  	_ =	shalt  }
0x3f: {  	_ =	shalt  }
0x40: {  	_ =	shalt  }
0x41: {  	_ =	shalt  }
0x42: {  	_ =	shalt  }
0x43: {  	_ =	shalt  }
0x44: {  	_ =	shalt  }
0x45: {  	_ =	shalt  }
0x46: {  	_ =	shalt  }
0x47: {  	_ =	shalt  }
0x48: {  	_ =	shalt  }
0x49: {  	_ =	shalt  }
0x4a: {  	_ =	shalt  }
0x4b: {  	_ =	shalt  }
0x4c: {  	_ =	shalt  }
0x4d: {  	_ =	shalt  }
0x4e: {  	_ =	shalt  }
0x4f: {  	_ =	shalt  }
0x50: {  	_ =	shalt  }
0x51: {  	_ =	shalt  }
0x52: {  	_ =	shalt  }
0x53: {  	_ =	shalt  }
0x54: {  	_ =	shalt  }
0x55: {  	_ =	shalt  }
0x56: {  	_ =	shalt  }
0x57: {  	_ =	shalt  }
0x58: {  	_ =	shalt  }
0x59: {  	_ =	shalt  }
0x5a: {  	_ =	shalt  }
0x5b: {  	_ =	shalt  }
0x5c: {  	_ =	shalt  }
0x5d: {  	_ =	shalt  }
0x5e: {  	_ =	shalt  }
0x5f: {  	_ =	shalt  }
0x60: {  	_ =	shalt  }
0x61: {  	_ =	shalt  }
0x62: {  	_ =	shalt  }
0x63: {  	_ =	shalt  }
0x64: {  	_ =	shalt  }
0x65: {  	_ =	shalt  }
0x66: {  	_ =	shalt  }
0x67: {  	_ =	shalt  }
0x68: {  	_ =	shalt  }
0x69: {  	_ =	shalt  }
0x6a: {  	_ =	shalt  }
0x6b: {  	_ =	shalt  }
0x6c: {  	_ =	shalt  }
0x6d: {  	_ =	shalt  }
0x6e: {  	_ =	shalt  }
0x6f: {  	_ =	shalt  }
0x70: {  	_ =	shalt  }
0x71: {  	_ =	shalt  }
0x72: {  	_ =	shalt  }
0x73: {  	_ =	shalt  }
0x74: {  	_ =	shalt  }
0x75: {  	_ =	shalt  }
0x76: {  	_ =	shalt  }
0x77: {  	_ =	shalt  }
0x78: {  	_ =	shalt  }
0x79: {  	_ =	shalt  }
0x7a: {  	_ =	shalt  }
0x7b: {  	_ =	shalt  }
0x7c: {  	_ =	shalt  }
0x7d: {  	_ =	shalt  }
0x7e: {  	_ =	shalt  }
0x7f: {  	_ =	shalt  }
0x80: {  	_ =	shalt  }
0x81: {  	_ =	shalt  }
0x82: {  	_ =	shalt  }
0x83: {  	_ =	shalt  }
0x84: {  	_ =	shalt  }
0x85: {  	_ =	shalt  }
0x86: {  	_ =	shalt  }
0x87: {  	_ =	shalt  }
.Lfunc_end0:
.L_simem_size_0:
called_computation.1_lowered:
.L_overlay_start_0:
0x88: {  	s2 =	sld [smem:$0x3FD9]  }
0x89: {  	s3 =	sld [smem:$0x3FFE];
	_ =	sdelay $0x1  }
0x8a: {  	s1 =	srdreg.scid  }
0x8b: {  	s0 =	sand.u32 $0x1, s1  }
0x8c: {  	s17 =	sshll.u32 s0, $0xA;
	s2 =	sadd.s32 s3, s2  }
0x8d: {  	s2 =	sadd.s32 s2, s17  }
0x8e: {  	[smem:$0x3FC4] =	sst s2  }
0x8f: {  	_ = 	snop  }
0x90: {  	s2 =	sld [smem:$0x3FD0];
	(tm) =	ssettm $0x1  }
0x91: {  	s18 =	sld [smem:$0x3FFB];
	_ =	sdelay $0x3  }
0x92: {  	_ =	strace s18  }
0x93: {  	s3 =	sld [smem:$0x3FFC];
	_ =	sdelay $0x3  }
0x94: {  	_ =	strace s3  }
0x95: {  	s3 =	sld [smem:$0x3FFD];
	_ =	sdelay $0x3  }
0x96: {  	_ =	strace s3  }
0x97: {  	_ =	strace $0x8FFFFFFF  }
0x98: {  	s19 =	sld [smem:$0x3FDB];
	_ =	sdelay $0x1  }
0x99: {  	s4 =	simm.s32 $_scs_section_size  }
0x9a: {  	s5 =	simm.s32 $_size__tile_overlayer_lowered;
	s6 =	simm.s32 $_tile_overlayer_lowered  }
0x9b: {  	s22 =	simm.s32 $0x1BFF;
	s21 =	sshll.u32 s6, $0x1;
	s3 =	sadd.s32 s4, s19  }
0x9c: {  	s7 =	simm.s32 $0x0;
	s20 =	sshll.u32 s5, $0x1;
	s5 =	sadd.s32 s21, s3  }
0x9d: {  	[timem:s7], [sflag:s22] =	dma.local [hbm:s5], s20  }
0x9e: {  	_ =	swait.ge [sflag:s22], s20  }
0x9f: {  	s4 =	ssub.s32 $0x0, s20;
	[sflag:s22] =	ssyncset.done $0x0  }
0xa0: {  	[sflag:s22] =	ssyncadd.s32 s4;
	_ =	sdelay $0x1  }
0xa1: {  	s23 =	simm.s32 $0x1B8B  }
0xa2: {  	_ =	swait.ge [sflag:s23], $0x1  }
0xa3: {  	[sflag:s23] =	ssyncset.done $0x0  }
0xa4: {  	s25 =	simm.s32 $0x1B8E;
	s24 =	sld [smem:$0x3FFE];
	[sflag:s23] =	ssyncadd.s32 $0xFFFFFFFF  }
0xa5: {  	s26 =	simm.s32 $execute0_lowered;
	[smem:$0x3FD2] =	sst s25  }
0xa6: {  	s5 =	sshll.u32 s26, $0x1;
	_ =	strace $0x80000049;
	[dreg:$0x1] =	wrdreg $0xFFFFFFFF  }
0xa7: {  	s28 =	simm.s32 $_size_execute0_lowered;
	s3 =	sadd.s32 s3, s5;
	[dreg:$0x0] =	wrdreg $0x0  }
0xa8: {  	s5 =	sshll.u32 s28, $0x1;
	[dreg:$0x2] =	wrdreg s3  }
0xa9: {  	[dreg:$0x3] =	wrdreg s5  }
0xaa: {  	[dreg:$0x4] =	wrdreg $0xC0  }
0xab: {  	_ =	task [dreg:s7], $0x5FFFF  }
0xac: {  	[dreg:$0x1] =	wrdreg $0xFFFFFFFF  }
0xad: {  	[dreg:$0x0] =	wrdreg $0x60  }
0xae: {  	[dreg:$0x2] =	wrdreg s24  }
0xaf: {  	[dreg:$0x3] =	wrdreg s2  }
0xb0: {  	[dreg:$0x4] =	wrdreg $0x0  }
0xb1: {  	[dreg:$0x5] =	wrdreg $0x9  }
0xb2: {  	_ =	task.clear_ibuf [dreg:s7], $0x6FFFF;
	_ =	strace $0x90000049  }
0xb3: {  	s29 =	simm.s32 $0x9;
	_ =	strace $0x8000004B  }
0xb4: {  	_ =	swait.ge [sflag:s29], $0x1  }
0xb5: {  	[sflag:s29] =	ssyncadd.s32 $0xFFFFFFFF  }
0xb6: {  	_ =	strace $0x9000004B  }
0xb7: {  	_ =	sfence  }
0xb8: {  	s30 =	sld [smem:$0x0];
	_ =	sdelay $0x2  }
0xb9: {  	s31 =	sshll.u32 s1, $0xD;
	s1 =	sshrl.u32 s1, $0x2  }
0xba: {  	s3 =	sand.u32 $0x4000, s31;
	s1 =	sadd.s32 s1, s30  }
0xbb: {  	s0 =	sor.u32 s3, s0;
	s1 =	sshll.u32 s1, $0x11  }
0xbc: {  	s0 =	sor.u32 s1, s0  }
0xbd: {  	s0 =	sadd.s32 $0x8F2B, s0  }
0xbe: {  	[sflag:s0] =	ssyncadd.remote.s32 $0x1  }
0xbf: {  	_ =	sfence.sel $0xFFFF  }
0xc0: {  	[dreg:$0x0] =	wrdreg $0xFFFFFFFF;
	(pc) =	sbr.abs _section_cstart, $3  }
0xc1: {  	[dreg:$0x1] =	wrdreg $0xFFFFFFFF  }
0xc2: {  	_ =	task.clear_ibuf [dreg:s7], $0x2FFFF;
	_ =	strace $0x9FFFFFFF  }
0xc3: {  	(tm) =	ssettm $0x7FFFFFFF  }
tec
execute0_lowered:
.L_overlay_start_1:
0x0: {  	(tag) =	ssettag $0x1  }
0x1: {  	s0 =	rddreg [dreg:$0x0]  }
0x2: {  	s2 =	rddreg [dreg:$0x1]  }
0x3: {  	s1 =	rddreg [dreg:$0x2];
	s3 =	simm.s32 $0x0  }
0x4: {  	s4 =	srdreg.scid;
	s8 =	stileid.u32;
	s28 =	simm.s32 $0x4  }
0x5: {  	s29 =	simm.s32 $0x3;
	s30 =	simm.s32 $0x0;
	[smem:$0x7FF] =	sst s3  }
0x6: {  	s11 =	sadd.s32 $0x50400, s0;
	s13 =	sand.u32 $0x1, s4;
	s7 =	smul.u32 $0x280, s8  }
0x7: {  	s12 =	sadd.s32 $0x55400, s0;
	s5 =	smul.u32 $0x50000, s8;
	s18 =	sadd.s32 $0x5A400, s0  }
0x8: {  	s19 =	smul.u32 $0x2800, s8;
	_ =	strace $0x8000004A;
	s4 =	ssub.s32 $0x2, s13  }
0x9: {  	p0 =	seq.s32 s13, $0x1;
	p1 =	seq.s32 s13, $0x0;
	s6 =	sshrl.u32 s4, $0x1  }
0xa: {  	s14 =	sadd.s32 $0x80, s7;
	s22 =	sshrl.u32 s5, $0x2;
	s16 =	sadd.s32 $0x100, s7  }
0xb: {  	s17 =	sadd.s32 $0x180, s7;
	s20 =	sadd.s32 $0x200, s7;
	s10 =	sshrl.u32 s19, $0x3  }
0xc: {  	s18 =	smov.u32 @p1 s2;
	s15 =	ssub.s32 s4, s6;
	s23 =	sshll.u32 s14, $0x7  }
0xd: {  	s4 =	sadd.s32 s22, s1;
	s24 =	sshll.u32 s16, $0x7;
	s25 =	sshll.u32 s17, $0x7  }
0xe: {  	s26 =	sshll.u32 s20, $0x7;
	s9 =	sadd.s32 s11, s10;
	s21 =	sadd.s32 $0x280, s10  }
0xf: {  	s10 =	sadd.s32 s12, s10;
	s31 =	sshll.u32 s14, $0x4;
	s16 =	sshll.u32 s16, $0x4  }
0x10: {  	s17 =	sshll.u32 s17, $0x4;
	s14 =	simm.s32 $0x29200;
	s20 =	sshll.u32 s20, $0x4  }
0x11: {  	s22 =	simm.s32 $0x14000;
	s5 =	sadd.s32 s23, s1;
	s6 =	sadd.s32 s24, s1  }
0x12: {  	s7 =	sadd.s32 s25, s1;
	s8 =	sadd.s32 s26, s1;
	[dreg:$0x4] =	wrdreg s9  }
0x13: {  	s11 =	sadd.s32 s11, s21;
	s12 =	sadd.s32 s12, s21;
	s14 =	simm.s32 @!p0 $0x2000  }
.Ltmp0:
0x14: {  	s13 =	smax.u32 s15, $0x1;
	s15 =	sadd.s32 s18, s31;
	(pc) =	sbr.rel .LBB2_1-.Ltmp0, $4  }
0x15: {  	s16 =	sadd.s32 s18, s16;
	s17 =	sadd.s32 s18, s17;
	s21 =	simm.s32 $0x5  }
0x16: {  	s23 =	simm.s32 $0x15400;
	s24 =	simm.s32 $0x1A800;
	s25 =	simm.s32 $0x1  }
0x17: {  	s26 =	simm.s32 $0x2;
	s0 =	sadd.s32 s14, s0;
	s14 =	sadd.s32 s18, s19  }
0x18: {  	v0 =	vimm.f32 $0.0e+00;
	s18 =	sadd.s32 s18, s20;
	s20 =	simm.s32 $0x16800;
	s2 =	sadd.s32 $0x80, s0  }
.LBB2_15:
0x19: {  	_ =	swait.ge [sflag:s26], $0x4000  }
0x1a: {  	[sflag:s26] =	ssyncset.done $0x0  }
0x1b: {  	[sflag:s26] =	ssyncadd.s32 $0xFFFFC000  }
0x1c: {  	[spmem:s1] =	stream.linear.scatter [tilespmem:s24], [sflag:$0x4], $0x4000, $0x38;
	[tilespmem:$0x1E800] =	vst v63  }
0x1d: {  	_ =	swait.ge [sflag:s28], $0x4000  }
0x1e: {  	[sflag:s28] =	ssyncset.done $0x0  }
0x1f: {  	[sflag:s28] =	ssyncadd.s32 $0xFFFFC000  }
0x20: {  	_ =	swait.ge [sflag:s29], $0x4000  }
0x21: {  	[sflag:s29] =	ssyncset.done $0x0  }
0x22: {  	[sflag:s29] =	ssyncadd.s32 $0xFFFFC000  }
0x23: {  	[bflag:$0x0] =	sbarrier.arrive $0xFFFF  }
0x24: {  	[tilespmem:s24], [sflag:$0x5] =	stream.linear.gather [spmem:s4], $0x4000, $0x38;
	[tilespmem:$0x1E800] =	vst v63  }
0x25: {  	_ =	swait.ge [sflag:s21], $0x4000  }
0x26: {  	[sflag:s21] =	ssyncset.done $0x0  }
0x27: {  	[sflag:s21] =	ssyncadd.s32 $0xFFFFC000  }
0x28: {  	[hbm4b:s14+s3] =	stream.linear.scatter [tilespmem:s24], [sflag:$0x5], $0x4000, $0x38;
	[tilespmem:$0x1E800] =	vst v63  }
0x29: {  	_ =	swait.ge [sflag:s21], $0x4000  }
0x2a: {  	[sflag:s21] =	ssyncset.done $0x0  }
0x2b: {  	[sflag:s21] =	ssyncadd.s32 $0xFFFFC000  }
0x2c: {  	[tilespmem:s24], [sflag:$0x5] =	stream.linear.gather [spmem:s5], $0x4000, $0x38;
	[tilespmem:$0x1E800] =	vst v63  }
0x2d: {  	_ =	swait.ge [sflag:s21], $0x4000  }
0x2e: {  	[sflag:s21] =	ssyncset.done $0x0  }
0x2f: {  	[sflag:s21] =	ssyncadd.s32 $0xFFFFC000  }
0x30: {  	[hbm4b:s15+s3] =	stream.linear.scatter [tilespmem:s24], [sflag:$0x5], $0x4000, $0x38;
	[tilespmem:$0x1E800] =	vst v63  }
0x31: {  	_ =	swait.ge [sflag:s21], $0x4000  }
0x32: {  	[sflag:s21] =	ssyncset.done $0x0  }
0x33: {  	[sflag:s21] =	ssyncadd.s32 $0xFFFFC000  }
0x34: {  	[tilespmem:s24], [sflag:$0x5] =	stream.linear.gather [spmem:s6], $0x4000, $0x38;
	[tilespmem:$0x1E800] =	vst v63  }
0x35: {  	_ =	swait.ge [sflag:s21], $0x4000  }
0x36: {  	[sflag:s21] =	ssyncset.done $0x0  }
0x37: {  	[sflag:s21] =	ssyncadd.s32 $0xFFFFC000  }
0x38: {  	[hbm4b:s16+s3] =	stream.linear.scatter [tilespmem:s24], [sflag:$0x5], $0x4000, $0x38;
	[tilespmem:$0x1E800] =	vst v63  }
0x39: {  	_ =	swait.ge [sflag:s21], $0x4000  }
0x3a: {  	[sflag:s21] =	ssyncset.done $0x0  }
0x3b: {  	[sflag:s21] =	ssyncadd.s32 $0xFFFFC000  }
0x3c: {  	[tilespmem:s24], [sflag:$0x5] =	stream.linear.gather [spmem:s7], $0x4000, $0x38;
	[tilespmem:$0x1E800] =	vst v63  }
0x3d: {  	_ =	swait.ge [sflag:s21], $0x4000  }
0x3e: {  	[sflag:s21] =	ssyncset.done $0x0  }
0x3f: {  	[sflag:s21] =	ssyncadd.s32 $0xFFFFC000  }
0x40: {  	[hbm4b:s17+s3] =	stream.linear.scatter [tilespmem:s24], [sflag:$0x5], $0x4000, $0x38;
	[tilespmem:$0x1E800] =	vst v63  }
0x41: {  	_ =	swait.ge [sflag:s21], $0x4000  }
0x42: {  	[sflag:s21] =	ssyncset.done $0x0  }
0x43: {  	[sflag:s21] =	ssyncadd.s32 $0xFFFFC000  }
0x44: {  	[tilespmem:s24], [sflag:$0x5] =	stream.linear.gather [spmem:s8], $0x4000, $0x38;
	[tilespmem:$0x1E800] =	vst v63  }
0x45: {  	s30 =	sadd.s32 $0x1, s30;
	_ =	swait.ge [sflag:s21], $0x4000  }
0x46: {  	p0 =	sne.s32 s30, s13;
	[sflag:s21] =	ssyncset.done $0x0  }
.Ltmp1:
0x47: {  	[sflag:s21] =	ssyncadd.s32 $0xFFFFC000;
	(pc) =	sbr.rel @!p0 .LBB2_16-.Ltmp1, $4  }
0x48: {  	[hbm4b:s18+s3] =	stream.linear.scatter [tilespmem:s24], [sflag:$0x5], $0x4000, $0x38;
	[tilespmem:$0x1E800] =	vst v63  }
0x49: {  	_ =	swait.ge [sflag:s21], $0x4000  }
0x4a: {  	[sflag:s21] =	ssyncset.done $0x0  }
0x4b: {  	[sflag:s21] =	ssyncadd.s32 $0xFFFFC000  }
.LBB2_1:
0x4c: {  	s0 =	sand.u32 $0xFE00, s3  }
0x4d: {  	s19 =	sand.u32 $0x70, s3;
	s31 =	sshrl.u32 s0, $0x2  }
0x4e: {  	s0 =	simm.s32 $0x40;
	s31 =	sor.u32 s19, s31;
	s19 =	simm.s32 $0x0  }
.LBB2_2:
0x4f: {  	p0 =	sne.s32 s0, $0xFFC0  }
0x50: {  	[tilespmem:s31+$0x16800] =	vst v0;
	s19 =	sadd.s32 $0x10, s19;
	s31 =	smov.u32 s0;
	s0 =	sadd.s32 $0x40, s0  }
.Ltmp2:
0x51: {  	(pc) =	sbr.rel @p0 .LBB2_2-.Ltmp2, $4  }
0x52: {  	_ = 	snop  }
0x53: {  	s31 =	sand.u32 $0xFE00, s31  }
0x54: {  	s9 =	sand.u32 $0x70, s19;
	s31 =	sshrl.u32 s31, $0x2  }
0x55: {  	s31 =	sor.u32 s9, s31  }
0x56: {  	[tilespmem:s31+$0x16800] =	vst v0  }
0x57: {  	[spmem:s4] =	stream.linear.scatter [tilespmem:s20], [sflag:$0x5], $0x4000, $0x38;
	[tilespmem:$0x1E800] =	vst v63  }
0x58: {  	_ =	swait.ge [sflag:s21], $0x4000  }
0x59: {  	[sflag:s21] =	ssyncset.done $0x0  }
0x5a: {  	[sflag:s21] =	ssyncadd.s32 $0xFFFFC000  }
0x5b: {  	[spmem:s5] =	stream.linear.scatter [tilespmem:s20], [sflag:$0x5], $0x4000, $0x38;
	[tilespmem:$0x1E800] =	vst v63  }
0x5c: {  	_ =	swait.ge [sflag:s21], $0x4000  }
0x5d: {  	[sflag:s21] =	ssyncset.done $0x0  }
0x5e: {  	[sflag:s21] =	ssyncadd.s32 $0xFFFFC000  }
0x5f: {  	[spmem:s6] =	stream.linear.scatter [tilespmem:s20], [sflag:$0x5], $0x4000, $0x38;
	[tilespmem:$0x1E800] =	vst v63  }
0x60: {  	_ =	swait.ge [sflag:s21], $0x4000  }
0x61: {  	[sflag:s21] =	ssyncset.done $0x0  }
0x62: {  	[sflag:s21] =	ssyncadd.s32 $0xFFFFC000  }
0x63: {  	[spmem:s7] =	stream.linear.scatter [tilespmem:s20], [sflag:$0x5], $0x4000, $0x38;
	[tilespmem:$0x1E800] =	vst v63  }
0x64: {  	_ =	swait.ge [sflag:s21], $0x4000  }
0x65: {  	[sflag:s21] =	ssyncset.done $0x0  }
0x66: {  	[sflag:s21] =	ssyncadd.s32 $0xFFFFC000  }
0x67: {  	[spmem:s8] =	stream.linear.scatter [tilespmem:s20], [sflag:$0x5], $0x4000, $0x38;
	[tilespmem:$0x1E800] =	vst v63  }
0x68: {  	_ =	swait.ge [sflag:s21], $0x4000  }
0x69: {  	[sflag:s21] =	ssyncset.done $0x0  }
0x6a: {  	s31 =	simm.s32 $0x0;
	s0 =	rddreg [dreg:$0x4];
	[sflag:s21] =	ssyncadd.s32 $0xFFFFC000  }
0x6b: {  	[tilespmem:s22], [sflag:$0x5] =	stream.linear.gather [hbm4b:s0+s31], $0x1400, $0x38;
	[tilespmem:$0x1E800] =	vst v63  }
0x6c: {  	_ =	swait.ge [sflag:s21], $0x1400  }
0x6d: {  	[sflag:s21] =	ssyncset.done $0x0  }
0x6e: {  	[sflag:s21] =	ssyncadd.s32 $0xFFFFEC00  }
0x6f: {  	[tilespmem:s23], [sflag:$0x5] =	stream.linear.gather [hbm4b:s10+s31], $0x1400, $0x38;
	[tilespmem:$0x1E800] =	vst v63  }
.Ltmp3:
0x70: {  	_ =	swait.ge [sflag:s21], $0x1400;
	(pc) =	sbr.rel .LBB2_4-.Ltmp3, $4  }
0x71: {  	[sflag:s21] =	ssyncset.done $0x0  }
0x72: {  	[sflag:s21] =	ssyncadd.s32 $0xFFFFEC00  }
0x73: {  	[bflag:$0x0] =	sbarrier.arrive $0xFFFF  }
0x74: {  	s19 =	smov.u32 s2;
	s0 =	simm.s32 $0xFFFFFFFE  }
.LBB2_7:
0x75: {  	[tilespmem:s24], [sflag:$0x2] =	stream.linear.gather [hbm4b:s19+s3], $0x4000, $0x38;
	[tilespmem:$0x1E800] =	vst v63  }
0x76: {  	_ =	swait.ge [sflag:s25], $0x4000  }
0x77: {  	[sflag:s25] =	ssyncset.done $0x0  }
0x78: {  	[sflag:s25] =	ssyncadd.s32 $0xFFFFC000  }
0x79: {  	[spmem:s1] =	stream.linear.scatter [tilespmem:s20], [sflag:$0x3], $0x4000, $0x38;
	[tilespmem:$0x1E800] =	vst v63  }
.LBB2_8:
0x7a: {  	s31 =	sadd.s32 $0x1, s31  }
0x7b: {  	p0 =	sne.s32 s31, $0x14  }
.Ltmp4:
0x7c: {  	_ = 	snop;
	(pc) =	sbr.rel @!p0 .LBB2_9-.Ltmp4, $2  }
0x7d: {  	_ =	sdelay $0x2  }
0x7e: {  	s19 =	sadd.s32 $0x100, s19;
	s0 =	sadd.s32 $0x2, s0  }
.LBB2_4:
0x7f: {  	p0 =	sgt.u32 s0, $0x25  }
0x80: {  	s9 =	simm.s32 @!p0 $0x3  }
0x81: {  	_ =	swait.ge @!p0 [sflag:s9], $0x4000  }
0x82: {  	[sflag:s9] =	ssyncset.done @!p0 $0x0  }
0x83: {  	[sflag:s9] =	ssyncadd.s32 @!p0 $0xFFFFC000;
	s9 =	sadd.s32 $0xFFFFFF80, s19;
	p0 =	sgt.u32 s0, $0x27  }
0x84: {  	[tilespmem:s20], [sflag:$0x1] =	stream.linear.gather [hbm4b:s9+s3], $0x4000, $0x38;
	[tilespmem:$0x1E800] =	vst v63  }
0x85: {  	s9 =	simm.s32 @!p0 $0x2  }
0x86: {  	_ =	swait.ge @!p0 [sflag:s9], $0x4000  }
0x87: {  	[sflag:s9] =	ssyncset.done @!p0 $0x0  }
0x88: {  	[sflag:s9] =	ssyncadd.s32 @!p0 $0xFFFFC000;
	s9 =	simm.s32 @!p0 $0x1A800  }
0x89: {  	[spmem:s1] =	stream.linear.scatter @!p0 [tilespmem:s9], [sflag:$0x4], $0x4000, $0x38;
	[tilespmem:$0x1E800] =	vst v63  }
0x8a: {  	p0 =	seq.s32 s31, $0x0  }
.Ltmp5:
0x8b: {  	_ = 	snop;
	(pc) =	sbr.rel @p0 .LBB2_7-.Ltmp5, $1  }
0x8c: {  	_ =	sdelay $0x3  }
0x8d: {  	p0 =	seq.s32 s31, $0x14  }
.Ltmp6:
0x8e: {  	_ = 	snop;
	(pc) =	sbr.rel @p0 .LBB2_8-.Ltmp6, $1  }
0x8f: {  	_ =	sdelay $0x3  }
.Ltmp7:
0x90: {  	(pc) =	sbr.rel .LBB2_7-.Ltmp7, $4  }
0x91: {  	_ = 	snop  }
0x92: {  	_ =	swait.ge [sflag:s28], $0x4000  }
0x93: {  	[sflag:s28] =	ssyncset.done $0x0  }
0x94: {  	[sflag:s28] =	ssyncadd.s32 $0xFFFFC000  }
.LBB2_9:
0x95: {  	_ =	swait.ge [sflag:s26], $0x4000  }
0x96: {  	[sflag:s26] =	ssyncset.done $0x0  }
0x97: {  	[sflag:s26] =	ssyncadd.s32 $0xFFFFC000  }
0x98: {  	[spmem:s1] =	stream.linear.scatter [tilespmem:s24], [sflag:$0x4], $0x4000, $0x38;
	[tilespmem:$0x1E800] =	vst v63  }
0x99: {  	_ =	swait.ge [sflag:s28], $0x4000  }
0x9a: {  	[sflag:s28] =	ssyncset.done $0x0  }
0x9b: {  	[sflag:s28] =	ssyncadd.s32 $0xFFFFC000  }
0x9c: {  	_ =	swait.ge [sflag:s29], $0x4000  }
0x9d: {  	[sflag:s29] =	ssyncset.done $0x0  }
0x9e: {  	s31 =	simm.s32 $0x0;
	[sflag:s29] =	ssyncadd.s32 $0xFFFFC000  }
0x9f: {  	[tilespmem:s22], [sflag:$0x5] =	stream.linear.gather [hbm4b:s11+s31], $0x1400, $0x38;
	[tilespmem:$0x1E800] =	vst v63  }
0xa0: {  	_ =	swait.ge [sflag:s21], $0x1400  }
0xa1: {  	[sflag:s21] =	ssyncset.done $0x0  }
.Ltmp8:
0xa2: {  	[sflag:s21] =	ssyncadd.s32 $0xFFFFEC00;
	(pc) =	sbr.rel .LBB2_10-.Ltmp8, $4  }
0xa3: {  	[tilespmem:s23], [sflag:$0x5] =	stream.linear.gather [hbm4b:s12+s31], $0x1400, $0x38;
	[tilespmem:$0x1E800] =	vst v63  }
0xa4: {  	_ =	swait.ge [sflag:s21], $0x1400  }
0xa5: {  	[sflag:s21] =	ssyncset.done $0x0  }
0xa6: {  	s0 =	simm.s32 $0xFFFFFFFE;
	s19 =	smov.u32 s2;
	[sflag:s21] =	ssyncadd.s32 $0xFFFFEC00  }
.LBB2_13:
0xa7: {  	[tilespmem:s24], [sflag:$0x2] =	stream.linear.gather [hbm4b:s19+s3], $0x4000, $0x38;
	[tilespmem:$0x1E800] =	vst v63  }
0xa8: {  	_ =	swait.ge [sflag:s25], $0x4000  }
0xa9: {  	[sflag:s25] =	ssyncset.done $0x0  }
0xaa: {  	[sflag:s25] =	ssyncadd.s32 $0xFFFFC000  }
0xab: {  	[spmem:s1] =	stream.linear.scatter [tilespmem:s20], [sflag:$0x3], $0x4000, $0x38;
	[tilespmem:$0x1E800] =	vst v63  }
.LBB2_14:
0xac: {  	s31 =	sadd.s32 $0x1, s31  }
0xad: {  	p0 =	sne.s32 s31, $0x14  }
.Ltmp9:
0xae: {  	_ = 	snop;
	(pc) =	sbr.rel @!p0 .LBB2_15-.Ltmp9, $2  }
0xaf: {  	_ =	sdelay $0x2  }
0xb0: {  	s19 =	sadd.s32 $0x100, s19;
	s0 =	sadd.s32 $0x2, s0  }
.LBB2_10:
0xb1: {  	p0 =	sgt.u32 s0, $0x25  }
0xb2: {  	s9 =	simm.s32 @!p0 $0x3  }
0xb3: {  	_ =	swait.ge @!p0 [sflag:s9], $0x4000  }
0xb4: {  	[sflag:s9] =	ssyncset.done @!p0 $0x0  }
0xb5: {  	[sflag:s9] =	ssyncadd.s32 @!p0 $0xFFFFC000;
	s9 =	sadd.s32 $0xFFFFFF80, s19;
	p0 =	sgt.u32 s0, $0x27  }
0xb6: {  	[tilespmem:s20], [sflag:$0x1] =	stream.linear.gather [hbm4b:s9+s3], $0x4000, $0x38;
	[tilespmem:$0x1E800] =	vst v63  }
0xb7: {  	s9 =	simm.s32 @!p0 $0x2  }
0xb8: {  	_ =	swait.ge @!p0 [sflag:s9], $0x4000  }
0xb9: {  	[sflag:s9] =	ssyncset.done @!p0 $0x0  }
0xba: {  	[sflag:s9] =	ssyncadd.s32 @!p0 $0xFFFFC000;
	s9 =	simm.s32 @!p0 $0x1A800  }
0xbb: {  	[spmem:s1] =	stream.linear.scatter @!p0 [tilespmem:s9], [sflag:$0x4], $0x4000, $0x38;
	[tilespmem:$0x1E800] =	vst v63  }
0xbc: {  	p0 =	seq.s32 s31, $0x0  }
.Ltmp10:
0xbd: {  	_ = 	snop;
	(pc) =	sbr.rel @p0 .LBB2_13-.Ltmp10, $1  }
0xbe: {  	_ =	sdelay $0x3  }
0xbf: {  	p0 =	seq.s32 s31, $0x14  }
.Ltmp11:
0xc0: {  	_ = 	snop;
	(pc) =	sbr.rel @p0 .LBB2_14-.Ltmp11, $1  }
0xc1: {  	_ =	sdelay $0x3  }
.Ltmp12:
0xc2: {  	(pc) =	sbr.rel .LBB2_13-.Ltmp12, $4  }
0xc3: {  	_ = 	snop  }
0xc4: {  	_ =	swait.ge [sflag:s28], $0x4000  }
0xc5: {  	[sflag:s28] =	ssyncset.done $0x0  }
0xc6: {  	[sflag:s28] =	ssyncadd.s32 $0xFFFFC000  }
.LBB2_16:
0xc7: {  	_ =	sfence.sel $0x180000  }
0xc8: {  	[bflag:$0x0] =	sbarrier.arrive $0xFFFF  }
0xc9: {  	_ =	strace $0x9000004A  }
0xca: {  	s0 =	stileid.u32;
	[bflag:$0x2] =	sbarrier.arrive $0xFFFF  }
0xcb: {  	p0 =	sne.s32 s0, $0x0;
	s0 =	rddreg [dreg:$0x3]  }
0xcc: {  	s0 =	sadd.s32 @!p0 $0x100000, s0  }
0xcd: {  	[sflag:s0] =	ssyncadd.tile.s32 @!p0 $0x1;
	_ =	shalt  }
.Lfunc_end2:
_tile_overlayer_lowered:
.L_overlay_start_2:
0xce: {  	(tag) =	ssettag $0x2  }
0xcf: {  	s0 =	rddreg [dreg:$0x0];
	s2 =	stileid.u32  }
0xd0: {  	s1 =	rddreg [dreg:$0x1];
	p0 =	sne.s32 s2, $0x0  }
0xd1: {  	s3 =	rddreg [dreg:$0x2];
	[bflag:$0x3] =	sbarrier.arrive $0xFFFF;
	s2 =	simm.s32 @!p0 $0x1C05  }
0xd2: {  	[timem:s3], [sflag:s2] =	dma.local @!p0 [hbm:s0], s1  }
0xd3: {  	s0 =	simm.s32 @!p0 $0x5  }
0xd4: {  	_ =	swait.ge @!p0 [sflag:s0], s1  }
0xd5: {  	s1 =	ssub.s32 @!p0 $0x0, s1;
	[sflag:s0] =	ssyncset.done @!p0 $0x0  }
0xd6: {  	[sflag:s0] =	ssyncadd.s32 @!p0 s1  }
0xd7: {  	[bflag:$0x3] =	sbarrier.arrive $0xFFFF  }
0xd8: {  	_ =	shalt  }

</sc_bundles>
